<compile_context>
chip_gen: v7x
topology: tpu7x:2x2x1
jax: 0.10.2.dev20260603
libtpu: 0.0.44.dev20260713+nightly
codegen_flags: <defaults>
</compile_context>

<pallas_src>
import functools

import jax
import jax.numpy as jnp
from jax import lax
from jax.experimental import pallas as pl
from jax.experimental.pallas import tpu as pltpu
from jax.experimental.pallas import tpu_sc as plsc

_B = 16384
_NNEG = 20
_D = 16

_info = plsc.get_sparse_core_info()
_NC, _NS = _info.num_cores, _info.num_subcores
_NW = _NC * _NS

_CHUNK = 512
_U_PER_W = _B // _NW
_N_PER_W = _B * _NNEG // _NW
_N_CH = _N_PER_W // _CHUNK
_NBUF = 4
_LEAD = 3


def _body(u_hbm, p_hbm, n_hbm, utab, itab, uo, po, no,
          idx_u, idx_p, idx_n, u_rows, p_rows, ring, gsem, wsem, usem, psem):
    wid = lax.axis_index("s") * _NC + lax.axis_index("c")
    ub = wid * _U_PER_W
    nb = wid * _N_PER_W

    pltpu.sync_copy(u_hbm.at[wid], idx_u)
    pltpu.sync_copy(p_hbm.at[wid], idx_p)
    pltpu.async_copy(utab.at[idx_u], u_rows, usem)
    pltpu.async_copy(itab.at[idx_p], p_rows, psem)
    pltpu.sync_copy(n_hbm.at[wid], idx_n)

    def g_start(c, b):
        pltpu.async_copy(itab.at[idx_n.at[c]], ring.at[b], gsem.at[b])

    def g_wait(b):
        pltpu.make_async_copy(itab.at[idx_n.at[0]], ring.at[b], gsem.at[b]).wait()

    def w_start(c, b):
        pltpu.async_copy(ring.at[b], no.at[pl.ds(nb + c * _CHUNK, _CHUNK)], wsem.at[b])

    def w_wait(b):
        pltpu.make_async_copy(ring.at[b], no.at[pl.ds(nb, _CHUNK)], wsem.at[b]).wait()

    for c in range(_LEAD):
        g_start(c, c)

    for b in range(_NBUF):
        g_wait(b)
        w_start(b, b)
        if b >= 1:
            w_wait((b + _LEAD) % _NBUF)
        g_start(b + _LEAD, (b + _LEAD) % _NBUF)

    def mid(jo, carry):
        for b in range(_NBUF):
            j = jo * _NBUF + b
            g_wait(b)
            w_start(j, b)
            w_wait((b + _LEAD) % _NBUF)
            g_start(j + _LEAD, (b + _LEAD) % _NBUF)
        return carry
    lax.fori_loop(1, _N_CH // _NBUF - 1, mid, 0)

    for b in range(_NBUF):
        j = _N_CH - _NBUF + b
        g_wait(b)
        w_start(j, b)
        if b == 0:
            w_wait(_NBUF - 1)
            g_start(_N_CH - 1, _NBUF - 1)
    for b in range(_NBUF):
        w_wait(b)

    pltpu.make_async_copy(utab.at[idx_u], u_rows, usem).wait()
    pltpu.async_copy(u_rows, uo.at[pl.ds(ub, _U_PER_W)], usem)
    pltpu.make_async_copy(itab.at[idx_p], p_rows, psem).wait()
    pltpu.async_copy(p_rows, po.at[pl.ds(ub, _U_PER_W)], psem)
    pltpu.make_async_copy(u_rows, uo.at[pl.ds(ub, _U_PER_W)], usem).wait()
    pltpu.make_async_copy(p_rows, po.at[pl.ds(ub, _U_PER_W)], psem).wait()


_gather = functools.partial(
    pl.kernel,
    mesh=plsc.VectorSubcoreMesh(core_axis_name="c", subcore_axis_name="s"),
    compiler_params=pltpu.CompilerParams(use_tc_tiling_on_sc=False),
    out_type=[
        jax.ShapeDtypeStruct((_B, _D), jnp.float32),
        jax.ShapeDtypeStruct((_B, _D), jnp.float32),
        jax.ShapeDtypeStruct((_B * _NNEG, _D), jnp.float32),
    ],
    scratch_types=[
        pltpu.VMEM((_U_PER_W,), jnp.int32),
        pltpu.VMEM((_U_PER_W,), jnp.int32),
        pltpu.VMEM((_N_CH, _CHUNK), jnp.int32),
        pltpu.VMEM((_U_PER_W, _D), jnp.float32),
        pltpu.VMEM((_U_PER_W, _D), jnp.float32),
        pltpu.VMEM((_NBUF, _CHUNK, _D), jnp.float32),
        pltpu.SemaphoreType.DMA((_NBUF,)),
        pltpu.SemaphoreType.DMA((_NBUF,)),
        pltpu.SemaphoreType.DMA,
        pltpu.SemaphoreType.DMA,
    ],
)(_body)


_NV = 1000000
_RT = _NV // 8
_CCH = 512
_NCH_FULL = _NV // _CCH
_REM = _NV - _NCH_FULL * _CCH


def _detile_body(t_hbm, tail_hbm, t2_hbm, tail2_hbm, o_hbm, o2_hbm,
                 vin, vtail, vout):
    wid = lax.axis_index("s") * _NC + lax.axis_index("c")
    nch = jnp.where(wid < _NCH_FULL % _NW, _NCH_FULL // _NW + 1, _NCH_FULL // _NW)
    dlanes = lax.iota(jnp.int32, 16)

    def transpose_cols(src, ncols):
        @plsc.parallel_loop(0, ncols, unroll=16)
        def _(col):
            v = plsc.load_gather(src, [dlanes, jnp.zeros((16,), jnp.int32) + col])
            vout[col // 8, pl.ds(16 * (col % 8), 16)] = v

    for t, tl, o in ((t_hbm, tail_hbm, o_hbm), (t2_hbm, tail2_hbm, o2_hbm)):
        def k_body(k, carry, t=t, o=o):
            c = wid + k * _NW
            pltpu.sync_copy(t.at[:, pl.ds(c * _CCH, _CCH)], vin)
            transpose_cols(vin, _CCH)
            pltpu.sync_copy(vout, o.at[pl.ds(c * (_CCH // 8), _CCH // 8)])
            return carry
        lax.fori_loop(0, nch, k_body, 0)

        @pl.when(wid == _NW - 1)
        def _(tl=tl, o=o):
            pltpu.sync_copy(tl, vtail)
            transpose_cols(vtail, _REM)
            pltpu.sync_copy(vout.at[pl.ds(0, _REM // 8)],
                            o.at[pl.ds(_NCH_FULL * (_CCH // 8), _REM // 8)])


_detile = functools.partial(
    pl.kernel,
    mesh=plsc.VectorSubcoreMesh(core_axis_name="c", subcore_axis_name="s"),
    compiler_params=pltpu.CompilerParams(needs_layout_passes=False,
                                         disable_bounds_checks=True),
    out_type=[jax.ShapeDtypeStruct((_RT, 128), jnp.float32),
              jax.ShapeDtypeStruct((_RT, 128), jnp.float32)],
    scratch_types=[
        pltpu.VMEM((_D, _CCH), jnp.float32),
        pltpu.VMEM((_D, 128), jnp.float32),
        pltpu.VMEM((_CCH // 8, 128), jnp.float32),
    ],
)(_detile_body)


def _tail_pad(t):
    return jnp.pad(t[_NCH_FULL * _CCH:], ((0, 128 - _REM), (0, 0))).T


def kernel(users, pos_items, neg_items, user_embedding, item_embedding):
    ut128, it128 = _detile(user_embedding.T, _tail_pad(user_embedding),
                           item_embedding.T, _tail_pad(item_embedding))
    ut_lin = ut128.reshape(_NV, _D)
    it_lin = it128.reshape(_NV, _D)
    u = users.reshape(_NW, _U_PER_W)
    p = pos_items.reshape(_NW, _U_PER_W)
    n = neg_items.reshape(_NW, _N_CH, _CHUNK)
    ue, pe, ne = _gather(u, p, n, ut_lin, it_lin)
    return (ue.reshape(_B, 1, _D), pe.reshape(_B, 1, _D),
            ne.reshape(_B, _NNEG, _D))

# --- scband reference (transcript-rebuilt; emitter-appended) ---
"""Pipeline reference for scband-cml-23106924053150 (READ-ONLY COPY).

The authoritative reference and input builder live on the scoring server;
editing this copy changes nothing except your own understanding.
"""

import jax, jax.numpy as jnp
import numpy as np

N_USER = 1000000
N_ITEM = 1000000
EMBED_DIM = 16
BATCH = 16384
N_NEG = 20


def setup_inputs(seed: int = 0) -> dict:
    key = jax.random.key(seed)
    k1, k2, k3, k4, k5 = jax.random.split(key, 5)
    users = jax.random.randint(k1, (BATCH, 1), 0, N_USER, dtype=jnp.int64 if jax.config.jax_enable_x64 else jnp.int32).astype(jnp.int32)
    pos_items = jax.random.randint(k2, (BATCH, 1), 0, N_ITEM).astype(jnp.int32)
    neg_items = jax.random.randint(k3, (BATCH, N_NEG), 0, N_ITEM).astype(jnp.int32)
    # learned parameters, initialized uniform(-0.2, 0.2) per initialize_weights()
    user_embedding = jax.random.uniform(k4, (N_USER, EMBED_DIM), minval=-0.2, maxval=0.2, dtype=jnp.float32)
    item_embedding = jax.random.uniform(k5, (N_ITEM, EMBED_DIM), minval=-0.2, maxval=0.2, dtype=jnp.float32)
    return {
        "users": users,
        "pos_items": pos_items,
        "neg_items": neg_items,
        "user_embedding": user_embedding,
        "item_embedding": item_embedding,
    }


def reference(users, pos_items, neg_items, user_embedding, item_embedding):
    # nn.Embedding lookup -> gather (jnp.take along axis 0)
    user_emb = jnp.take(user_embedding, users, axis=0)          # [B, 1, D]
    # Dropout is identity in eval/inference mode
    pos_item_emb = jnp.take(item_embedding, pos_items, axis=0)  # [B, 1, D]
    neg_item_emb = jnp.take(item_embedding, neg_items, axis=0)  # [B, N_NEG, D]
    return (user_emb, pos_item_emb, neg_item_emb)

if __name__ == "__main__":
    import jax
    _d = setup_inputs()
    print(jax.jit(kernel)(*tuple(_d.values())))

</pallas_src>

<mosaic_0001>
#map = affine_map<(d0, d1) -> (0, 0)>
#map1 = affine_map<(d0, d1) -> (0, 0, 0)>
module attributes {stable_mosaic.version = 14 : i64} {
  func.func @_body(%arg0: i32, %arg1: i32, %arg2: memref<32x512xi32, #tpu.memory_space<hbm>>, %arg3: memref<32x512xi32, #tpu.memory_space<hbm>>, %arg4: memref<32x20x512xi32, #tpu.memory_space<hbm>>, %arg5: memref<1000000x16xf32, #tpu.memory_space<hbm>>, %arg6: memref<1000000x16xf32, #tpu.memory_space<hbm>>, %arg7: memref<16384x16xf32, #tpu.memory_space<hbm>>, %arg8: memref<16384x16xf32, #tpu.memory_space<hbm>>, %arg9: memref<327680x16xf32, #tpu.memory_space<hbm>>, %arg10: memref<512xi32, #tpu.memory_space<vmem>>, %arg11: memref<512xi32, #tpu.memory_space<vmem>>, %arg12: memref<20x512xi32, #tpu.memory_space<vmem>>, %arg13: memref<512x16xf32, #tpu.memory_space<vmem>>, %arg14: memref<512x16xf32, #tpu.memory_space<vmem>>, %arg15: memref<4x512x16xf32, #tpu.memory_space<vmem>>, %arg16: memref<4x!tpu.dma_semaphore, #tpu.memory_space<semaphore_mem>>, %arg17: memref<4x!tpu.dma_semaphore, #tpu.memory_space<semaphore_mem>>, %arg18: memref<!tpu.dma_semaphore, #tpu.memory_space<semaphore_mem>>, %arg19: memref<!tpu.dma_semaphore, #tpu.memory_space<semaphore_mem>>) attributes {dimension_semantics = [#tpu.dimension_semantics<core_parallel>, #tpu.dimension_semantics<subcore_parallel>], iteration_bounds = array<i64: 2, 16>, scalar_prefetch = 0 : i64, scratch_operands = 10 : i64, tpu.core_type = #tpu.core_type<sc_vector_subcore>, window_params = [{transform_indices = #map}, {transform_indices = #map}, {transform_indices = #map1}, {transform_indices = #map}, {transform_indices = #map}, {transform_indices = #map}, {transform_indices = #map}, {transform_indices = #map}]} {
    %mul3A = arith.constant 2 : i32
    %mul3A_0 = arith.muli %arg1, %mul3A : i32
    %add3A = arith.addi %mul3A_0, %arg0 : i32
    %mul3A_1 = arith.constant 512 : i32
    %mul3A_2 = arith.muli %add3A, %mul3A_1 : i32
    %mul3A_3 = arith.constant 10240 : i32
    %mul3A_4 = arith.muli %add3A, %mul3A_3 : i32
    "tpu.region"() ({
      %run_scoped3A = tpu.sem_alloc : memref<!tpu.dma_semaphore, #tpu.memory_space<semaphore_mem>>
      %dma_start3A_548 = arith.constant 0 : i32
      %dma_start3A_549 = tpu.memref_slice %arg2[%add3A, %dma_start3A_548] : memref<32x512xi32, #tpu.memory_space<hbm>> -> memref<1x512xi32, #tpu.memory_space<hbm>>
      %dma_start3A_550 = tpu.memref_squeeze %dma_start3A_549 : memref<1x512xi32, #tpu.memory_space<hbm>> -> memref<512xi32, #tpu.memory_space<hbm>>
      %dma_start3A_551 = arith.constant 0 : i32
      %dma_start3A_552 = tpu.memref_slice %arg2[%add3A, %dma_start3A_551] : memref<32x512xi32, #tpu.memory_space<hbm>> -> memref<1x512xi32, #tpu.memory_space<hbm>>
      %dma_start3A_553 = tpu.memref_squeeze %dma_start3A_552 : memref<1x512xi32, #tpu.memory_space<hbm>> -> memref<512xi32, #tpu.memory_space<hbm>>
      tpu.enqueue_dma source(%dma_start3A_553 : memref<512xi32, #tpu.memory_space<hbm>>) target(%arg10 : memref<512xi32, #tpu.memory_space<vmem>>) target_semaphore(%run_scoped3A : memref<!tpu.dma_semaphore, #tpu.memory_space<semaphore_mem>>)
      %dma_wait3A_554 = arith.constant 0 : i32
      %dma_wait3A_555 = tpu.memref_slice %arg2[%add3A, %dma_wait3A_554] : memref<32x512xi32, #tpu.memory_space<hbm>> -> memref<1x512xi32, #tpu.memory_space<hbm>>
      %dma_wait3A_556 = tpu.memref_squeeze %dma_wait3A_555 : memref<1x512xi32, #tpu.memory_space<hbm>> -> memref<512xi32, #tpu.memory_space<hbm>>
      %dma_wait3A_557 = arith.constant 0 : i32
      %dma_wait3A_558 = tpu.memref_slice %arg2[%add3A, %dma_wait3A_557] : memref<32x512xi32, #tpu.memory_space<hbm>> -> memref<1x512xi32, #tpu.memory_space<hbm>>
      %dma_wait3A_559 = tpu.memref_squeeze %dma_wait3A_558 : memref<1x512xi32, #tpu.memory_space<hbm>> -> memref<512xi32, #tpu.memory_space<hbm>>
      tpu.wait_dma2 semaphore(%run_scoped3A : memref<!tpu.dma_semaphore, #tpu.memory_space<semaphore_mem>>) src(%dma_wait3A_559 : memref<512xi32, #tpu.memory_space<hbm>>) dst(%arg10 : memref<512xi32, #tpu.memory_space<vmem>>)
      tpu.yield
    }) : () -> ()
    "tpu.region"() ({
      %run_scoped3A = tpu.sem_alloc : memref<!tpu.dma_semaphore, #tpu.memory_space<semaphore_mem>>
      %dma_start3A_548 = arith.constant 0 : i32
      %dma_start3A_549 = tpu.memref_slice %arg3[%add3A, %dma_start3A_548] : memref<32x512xi32, #tpu.memory_space<hbm>> -> memref<1x512xi32, #tpu.memory_space<hbm>>
      %dma_start3A_550 = tpu.memref_squeeze %dma_start3A_549 : memref<1x512xi32, #tpu.memory_space<hbm>> -> memref<512xi32, #tpu.memory_space<hbm>>
      %dma_start3A_551 = arith.constant 0 : i32
      %dma_start3A_552 = tpu.memref_slice %arg3[%add3A, %dma_start3A_551] : memref<32x512xi32, #tpu.memory_space<hbm>> -> memref<1x512xi32, #tpu.memory_space<hbm>>
      %dma_start3A_553 = tpu.memref_squeeze %dma_start3A_552 : memref<1x512xi32, #tpu.memory_space<hbm>> -> memref<512xi32, #tpu.memory_space<hbm>>
      tpu.enqueue_dma source(%dma_start3A_553 : memref<512xi32, #tpu.memory_space<hbm>>) target(%arg11 : memref<512xi32, #tpu.memory_space<vmem>>) target_semaphore(%run_scoped3A : memref<!tpu.dma_semaphore, #tpu.memory_space<semaphore_mem>>)
      %dma_wait3A_554 = arith.constant 0 : i32
      %dma_wait3A_555 = tpu.memref_slice %arg3[%add3A, %dma_wait3A_554] : memref<32x512xi32, #tpu.memory_space<hbm>> -> memref<1x512xi32, #tpu.memory_space<hbm>>
      %dma_wait3A_556 = tpu.memref_squeeze %dma_wait3A_555 : memref<1x512xi32, #tpu.memory_space<hbm>> -> memref<512xi32, #tpu.memory_space<hbm>>
      %dma_wait3A_557 = arith.constant 0 : i32
      %dma_wait3A_558 = tpu.memref_slice %arg3[%add3A, %dma_wait3A_557] : memref<32x512xi32, #tpu.memory_space<hbm>> -> memref<1x512xi32, #tpu.memory_space<hbm>>
      %dma_wait3A_559 = tpu.memref_squeeze %dma_wait3A_558 : memref<1x512xi32, #tpu.memory_space<hbm>> -> memref<512xi32, #tpu.memory_space<hbm>>
      tpu.wait_dma2 semaphore(%run_scoped3A : memref<!tpu.dma_semaphore, #tpu.memory_space<semaphore_mem>>) src(%dma_wait3A_559 : memref<512xi32, #tpu.memory_space<hbm>>) dst(%arg11 : memref<512xi32, #tpu.memory_space<vmem>>)
      tpu.yield
    }) : () -> ()
    %dma_start3A = arith.constant 0 : i32
    %dma_start3A_5 = arith.constant 0 : i32
    %dma_start3A_6 = tpu.memref_slice %arg5[%dma_start3A, %dma_start3A_5] : memref<1000000x16xf32, #tpu.memory_space<hbm>> -> memref<1000000x16xf32, #tpu.memory_space<hbm>>
    tpu.enqueue_indirect_dma source(%dma_start3A_6 : memref<1000000x16xf32, #tpu.memory_space<hbm>>) target(%arg13 : memref<512x16xf32, #tpu.memory_space<vmem>>) offsets(%arg10 : memref<512xi32, #tpu.memory_space<vmem>>) semaphore(%arg18 : memref<!tpu.dma_semaphore, #tpu.memory_space<semaphore_mem>>)
    %dma_start3A_7 = arith.constant 0 : i32
    %dma_start3A_8 = arith.constant 0 : i32
    %dma_start3A_9 = tpu.memref_slice %arg6[%dma_start3A_7, %dma_start3A_8] : memref<1000000x16xf32, #tpu.memory_space<hbm>> -> memref<1000000x16xf32, #tpu.memory_space<hbm>>
    tpu.enqueue_indirect_dma source(%dma_start3A_9 : memref<1000000x16xf32, #tpu.memory_space<hbm>>) target(%arg14 : memref<512x16xf32, #tpu.memory_space<vmem>>) offsets(%arg11 : memref<512xi32, #tpu.memory_space<vmem>>) semaphore(%arg19 : memref<!tpu.dma_semaphore, #tpu.memory_space<semaphore_mem>>)
    "tpu.region"() ({
      %run_scoped3A = tpu.sem_alloc : memref<!tpu.dma_semaphore, #tpu.memory_space<semaphore_mem>>
      %dma_start3A_548 = arith.constant 0 : i32
      %dma_start3A_549 = arith.constant 0 : i32
      %dma_start3A_550 = tpu.memref_slice %arg4[%add3A, %dma_start3A_548, %dma_start3A_549] : memref<32x20x512xi32, #tpu.memory_space<hbm>> -> memref<1x20x512xi32, #tpu.memory_space<hbm>>
      %dma_start3A_551 = tpu.memref_squeeze %dma_start3A_550 : memref<1x20x512xi32, #tpu.memory_space<hbm>> -> memref<20x512xi32, #tpu.memory_space<hbm>>
      %dma_start3A_552 = arith.constant 0 : i32
      %dma_start3A_553 = arith.constant 0 : i32
      %dma_start3A_554 = tpu.memref_slice %arg4[%add3A, %dma_start3A_552, %dma_start3A_553] : memref<32x20x512xi32, #tpu.memory_space<hbm>> -> memref<1x20x512xi32, #tpu.memory_space<hbm>>
      %dma_start3A_555 = tpu.memref_squeeze %dma_start3A_554 : memref<1x20x512xi32, #tpu.memory_space<hbm>> -> memref<20x512xi32, #tpu.memory_space<hbm>>
      tpu.enqueue_dma source(%dma_start3A_555 : memref<20x512xi32, #tpu.memory_space<hbm>>) target(%arg12 : memref<20x512xi32, #tpu.memory_space<vmem>>) target_semaphore(%run_scoped3A : memref<!tpu.dma_semaphore, #tpu.memory_space<semaphore_mem>>)
      %dma_wait3A_556 = arith.constant 0 : i32
      %dma_wait3A_557 = arith.constant 0 : i32
      %dma_wait3A_558 = tpu.memref_slice %arg4[%add3A, %dma_wait3A_556, %dma_wait3A_557] : memref<32x20x512xi32, #tpu.memory_space<hbm>> -> memref<1x20x512xi32, #tpu.memory_space<hbm>>
      %dma_wait3A_559 = tpu.memref_squeeze %dma_wait3A_558 : memref<1x20x512xi32, #tpu.memory_space<hbm>> -> memref<20x512xi32, #tpu.memory_space<hbm>>
      %dma_wait3A_560 = arith.constant 0 : i32
      %dma_wait3A_561 = arith.constant 0 : i32
      %dma_wait3A_562 = tpu.memref_slice %arg4[%add3A, %dma_wait3A_560, %dma_wait3A_561] : memref<32x20x512xi32, #tpu.memory_space<hbm>> -> memref<1x20x512xi32, #tpu.memory_space<hbm>>
      %dma_wait3A_563 = tpu.memref_squeeze %dma_wait3A_562 : memref<1x20x512xi32, #tpu.memory_space<hbm>> -> memref<20x512xi32, #tpu.memory_space<hbm>>
      tpu.wait_dma2 semaphore(%run_scoped3A : memref<!tpu.dma_semaphore, #tpu.memory_space<semaphore_mem>>) src(%dma_wait3A_563 : memref<20x512xi32, #tpu.memory_space<hbm>>) dst(%arg12 : memref<20x512xi32, #tpu.memory_space<vmem>>)
      tpu.yield
    }) : () -> ()
    %dma_start3A_10 = arith.constant 0 : i32
    %dma_start3A_11 = arith.constant 0 : i32
    %dma_start3A_12 = arith.constant 0 : i32
    %dma_start3A_13 = arith.constant 0 : i32
    %dma_start3A_14 = arith.constant 0 : i32
    %dma_start3A_15 = tpu.memref_slice %arg15[%dma_start3A_11, %dma_start3A_13, %dma_start3A_14] : memref<4x512x16xf32, #tpu.memory_space<vmem>> -> memref<1x512x16xf32, #tpu.memory_space<vmem>>
    %dma_start3A_16 = tpu.memref_squeeze %dma_start3A_15 : memref<1x512x16xf32, #tpu.memory_space<vmem>> -> memref<512x16xf32, #tpu.memory_space<vmem>>
    %dma_start3A_17 = arith.constant 0 : i32
    %dma_start3A_18 = tpu.memref_slice %arg12[%dma_start3A_10, %dma_start3A_17] : memref<20x512xi32, #tpu.memory_space<vmem>> -> memref<1x512xi32, #tpu.memory_space<vmem>>
    %dma_start3A_19 = tpu.memref_squeeze %dma_start3A_18 : memref<1x512xi32, #tpu.memory_space<vmem>> -> memref<512xi32, #tpu.memory_space<vmem>>
    %dma_start3A_20 = arith.constant 0 : i32
    %dma_start3A_21 = arith.constant 0 : i32
    %dma_start3A_22 = tpu.memref_slice %arg6[%dma_start3A_20, %dma_start3A_21] : memref<1000000x16xf32, #tpu.memory_space<hbm>> -> memref<1000000x16xf32, #tpu.memory_space<hbm>>
    %dma_start3A_23 = tpu.memref_slice %arg16[%dma_start3A_12] : memref<4x!tpu.dma_semaphore, #tpu.memory_space<semaphore_mem>> -> memref<1x!tpu.dma_semaphore, #tpu.memory_space<semaphore_mem>>
    %dma_start3A_24 = tpu.memref_squeeze %dma_start3A_23 : memref<1x!tpu.dma_semaphore, #tpu.memory_space<semaphore_mem>> -> memref<!tpu.dma_semaphore, #tpu.memory_space<semaphore_mem>>
    tpu.enqueue_indirect_dma source(%dma_start3A_22 : memref<1000000x16xf32, #tpu.memory_space<hbm>>) target(%dma_start3A_16 : memref<512x16xf32, #tpu.memory_space<vmem>>) offsets(%dma_start3A_19 : memref<512xi32, #tpu.memory_space<vmem>>) semaphore(%dma_start3A_24 : memref<!tpu.dma_semaphore, #tpu.memory_space<semaphore_mem>>)
    %dma_start3A_25 = arith.constant 1 : i32
    %dma_start3A_26 = arith.constant 1 : i32
    %dma_start3A_27 = arith.constant 1 : i32
    %dma_start3A_28 = arith.constant 0 : i32
    %dma_start3A_29 = arith.constant 0 : i32
    %dma_start3A_30 = tpu.memref_slice %arg15[%dma_start3A_26, %dma_start3A_28, %dma_start3A_29] : memref<4x512x16xf32, #tpu.memory_space<vmem>> -> memref<1x512x16xf32, #tpu.memory_space<vmem>>
    %dma_start3A_31 = tpu.memref_squeeze %dma_start3A_30 : memref<1x512x16xf32, #tpu.memory_space<vmem>> -> memref<512x16xf32, #tpu.memory_space<vmem>>
    %dma_start3A_32 = arith.constant 0 : i32
    %dma_start3A_33 = tpu.memref_slice %arg12[%dma_start3A_25, %dma_start3A_32] : memref<20x512xi32, #tpu.memory_space<vmem>> -> memref<1x512xi32, #tpu.memory_space<vmem>>
    %dma_start3A_34 = tpu.memref_squeeze %dma_start3A_33 : memref<1x512xi32, #tpu.memory_space<vmem>> -> memref<512xi32, #tpu.memory_space<vmem>>
    %dma_start3A_35 = arith.constant 0 : i32
    %dma_start3A_36 = arith.constant 0 : i32
    %dma_start3A_37 = tpu.memref_slice %arg6[%dma_start3A_35, %dma_start3A_36] : memref<1000000x16xf32, #tpu.memory_space<hbm>> -> memref<1000000x16xf32, #tpu.memory_space<hbm>>
    %dma_start3A_38 = tpu.memref_slice %arg16[%dma_start3A_27] : memref<4x!tpu.dma_semaphore, #tpu.memory_space<semaphore_mem>> -> memref<1x!tpu.dma_semaphore, #tpu.memory_space<semaphore_mem>>
    %dma_start3A_39 = tpu.memref_squeeze %dma_start3A_38 : memref<1x!tpu.dma_semaphore, #tpu.memory_space<semaphore_mem>> -> memref<!tpu.dma_semaphore, #tpu.memory_space<semaphore_mem>>
    tpu.enqueue_indirect_dma source(%dma_start3A_37 : memref<1000000x16xf32, #tpu.memory_space<hbm>>) target(%dma_start3A_31 : memref<512x16xf32, #tpu.memory_space<vmem>>) offsets(%dma_start3A_34 : memref<512xi32, #tpu.memory_space<vmem>>) semaphore(%dma_start3A_39 : memref<!tpu.dma_semaphore, #tpu.memory_space<semaphore_mem>>)
    %dma_start3A_40 = arith.constant 2 : i32
    %dma_start3A_41 = arith.constant 2 : i32
    %dma_start3A_42 = arith.constant 2 : i32
    %dma_start3A_43 = arith.constant 0 : i32
    %dma_start3A_44 = arith.constant 0 : i32
    %dma_start3A_45 = tpu.memref_slice %arg15[%dma_start3A_41, %dma_start3A_43, %dma_start3A_44] : memref<4x512x16xf32, #tpu.memory_space<vmem>> -> memref<1x512x16xf32, #tpu.memory_space<vmem>>
    %dma_start3A_46 = tpu.memref_squeeze %dma_start3A_45 : memref<1x512x16xf32, #tpu.memory_space<vmem>> -> memref<512x16xf32, #tpu.memory_space<vmem>>
    %dma_start3A_47 = arith.constant 0 : i32
    %dma_start3A_48 = tpu.memref_slice %arg12[%dma_start3A_40, %dma_start3A_47] : memref<20x512xi32, #tpu.memory_space<vmem>> -> memref<1x512xi32, #tpu.memory_space<vmem>>
    %dma_start3A_49 = tpu.memref_squeeze %dma_start3A_48 : memref<1x512xi32, #tpu.memory_space<vmem>> -> memref<512xi32, #tpu.memory_space<vmem>>
    %dma_start3A_50 = arith.constant 0 : i32
    %dma_start3A_51 = arith.constant 0 : i32
    %dma_start3A_52 = tpu.memref_slice %arg6[%dma_start3A_50, %dma_start3A_51] : memref<1000000x16xf32, #tpu.memory_space<hbm>> -> memref<1000000x16xf32, #tpu.memory_space<hbm>>
    %dma_start3A_53 = tpu.memref_slice %arg16[%dma_start3A_42] : memref<4x!tpu.dma_semaphore, #tpu.memory_space<semaphore_mem>> -> memref<1x!tpu.dma_semaphore, #tpu.memory_space<semaphore_mem>>
    %dma_start3A_54 = tpu.memref_squeeze %dma_start3A_53 : memref<1x!tpu.dma_semaphore, #tpu.memory_space<semaphore_mem>> -> memref<!tpu.dma_semaphore, #tpu.memory_space<semaphore_mem>>
    tpu.enqueue_indirect_dma source(%dma_start3A_52 : memref<1000000x16xf32, #tpu.memory_space<hbm>>) target(%dma_start3A_46 : memref<512x16xf32, #tpu.memory_space<vmem>>) offsets(%dma_start3A_49 : memref<512xi32, #tpu.memory_space<vmem>>) semaphore(%dma_start3A_54 : memref<!tpu.dma_semaphore, #tpu.memory_space<semaphore_mem>>)
    %dma_wait3A = arith.constant 0 : i32
    %dma_wait3A_55 = arith.constant 0 : i32
    %dma_wait3A_56 = arith.constant 0 : i32
    %dma_wait3A_57 = arith.constant 0 : i32
    %dma_wait3A_58 = arith.constant 0 : i32
    %dma_wait3A_59 = tpu.memref_slice %arg15[%dma_wait3A_55, %dma_wait3A_57, %dma_wait3A_58] : memref<4x512x16xf32, #tpu.memory_space<vmem>> -> memref<1x512x16xf32, #tpu.memory_space<vmem>>
    %dma_wait3A_60 = tpu.memref_squeeze %dma_wait3A_59 : memref<1x512x16xf32, #tpu.memory_space<vmem>> -> memref<512x16xf32, #tpu.memory_space<vmem>>
    %dma_wait3A_61 = arith.constant 0 : i32
    %dma_wait3A_62 = tpu.memref_slice %arg12[%dma_wait3A, %dma_wait3A_61] : memref<20x512xi32, #tpu.memory_space<vmem>> -> memref<1x512xi32, #tpu.memory_space<vmem>>
    %dma_wait3A_63 = tpu.memref_squeeze %dma_wait3A_62 : memref<1x512xi32, #tpu.memory_space<vmem>> -> memref<512xi32, #tpu.memory_space<vmem>>
    %dma_wait3A_64 = arith.constant 0 : i32
    %dma_wait3A_65 = arith.constant 0 : i32
    %dma_wait3A_66 = tpu.memref_slice %arg6[%dma_wait3A_64, %dma_wait3A_65] : memref<1000000x16xf32, #tpu.memory_space<hbm>> -> memref<1000000x16xf32, #tpu.memory_space<hbm>>
    %dma_wait3A_67 = tpu.memref_slice %arg16[%dma_wait3A_56] : memref<4x!tpu.dma_semaphore, #tpu.memory_space<semaphore_mem>> -> memref<1x!tpu.dma_semaphore, #tpu.memory_space<semaphore_mem>>
    %dma_wait3A_68 = tpu.memref_squeeze %dma_wait3A_67 : memref<1x!tpu.dma_semaphore, #tpu.memory_space<semaphore_mem>> -> memref<!tpu.dma_semaphore, #tpu.memory_space<semaphore_mem>>
    tpu.wait_indirect_dma semaphore(%dma_wait3A_68 : memref<!tpu.dma_semaphore, #tpu.memory_space<semaphore_mem>>) src(%dma_wait3A_66 : memref<1000000x16xf32, #tpu.memory_space<hbm>>) dst(%dma_wait3A_60 : memref<512x16xf32, #tpu.memory_space<vmem>>)
    %add3A_69 = arith.constant 0 : i32
    %add3A_70 = arith.addi %mul3A_4, %add3A_69 : i32
    %dma_start3A_71 = arith.constant 0 : i32
    %dma_start3A_72 = arith.constant 0 : i32
    %dma_start3A_73 = arith.constant 0 : i32
    %dma_start3A_74 = arith.constant 0 : i32
    %dma_start3A_75 = tpu.memref_slice %arg15[%dma_start3A_71, %dma_start3A_73, %dma_start3A_74] : memref<4x512x16xf32, #tpu.memory_space<vmem>> -> memref<1x512x16xf32, #tpu.memory_space<vmem>>
    %dma_start3A_76 = tpu.memref_squeeze %dma_start3A_75 : memref<1x512x16xf32, #tpu.memory_space<vmem>> -> memref<512x16xf32, #tpu.memory_space<vmem>>
    %dma_start3A_77 = arith.constant 0 : i32
    %dma_start3A_78 = tpu.memref_slice %arg9[%add3A_70, %dma_start3A_77] : memref<327680x16xf32, #tpu.memory_space<hbm>> -> memref<512x16xf32, #tpu.memory_space<hbm>>
    %dma_start3A_79 = tpu.memref_slice %arg17[%dma_start3A_72] : memref<4x!tpu.dma_semaphore, #tpu.memory_space<semaphore_mem>> -> memref<1x!tpu.dma_semaphore, #tpu.memory_space<semaphore_mem>>
    %dma_start3A_80 = tpu.memref_squeeze %dma_start3A_79 : memref<1x!tpu.dma_semaphore, #tpu.memory_space<semaphore_mem>> -> memref<!tpu.dma_semaphore, #tpu.memory_space<semaphore_mem>>
    %dma_start3A_81 = arith.constant 0 : i32
    %dma_start3A_82 = tpu.memref_slice %arg9[%add3A_70, %dma_start3A_81] : memref<327680x16xf32, #tpu.memory_space<hbm>> -> memref<512x16xf32, #tpu.memory_space<hbm>>
    %dma_start3A_83 = arith.constant 0 : i32
    %dma_start3A_84 = arith.constant 0 : i32
    %dma_start3A_85 = tpu.memref_slice %arg15[%dma_start3A_71, %dma_start3A_83, %dma_start3A_84] : memref<4x512x16xf32, #tpu.memory_space<vmem>> -> memref<1x512x16xf32, #tpu.memory_space<vmem>>
    %dma_start3A_86 = tpu.memref_squeeze %dma_start3A_85 : memref<1x512x16xf32, #tpu.memory_space<vmem>> -> memref<512x16xf32, #tpu.memory_space<vmem>>
    tpu.enqueue_dma source(%dma_start3A_86 : memref<512x16xf32, #tpu.memory_space<vmem>>) target(%dma_start3A_82 : memref<512x16xf32, #tpu.memory_space<hbm>>) target_semaphore(%dma_start3A_80 : memref<!tpu.dma_semaphore, #tpu.memory_space<semaphore_mem>>)
    %dma_start3A_87 = arith.constant 3 : i32
    %dma_start3A_88 = arith.constant 3 : i32
    %dma_start3A_89 = arith.constant 3 : i32
    %dma_start3A_90 = arith.constant 0 : i32
    %dma_start3A_91 = arith.constant 0 : i32
    %dma_start3A_92 = tpu.memref_slice %arg15[%dma_start3A_88, %dma_start3A_90, %dma_start3A_91] : memref<4x512x16xf32, #tpu.memory_space<vmem>> -> memref<1x512x16xf32, #tpu.memory_space<vmem>>
    %dma_start3A_93 = tpu.memref_squeeze %dma_start3A_92 : memref<1x512x16xf32, #tpu.memory_space<vmem>> -> memref<512x16xf32, #tpu.memory_space<vmem>>
    %dma_start3A_94 = arith.constant 0 : i32
    %dma_start3A_95 = tpu.memref_slice %arg12[%dma_start3A_87, %dma_start3A_94] : memref<20x512xi32, #tpu.memory_space<vmem>> -> memref<1x512xi32, #tpu.memory_space<vmem>>
    %dma_start3A_96 = tpu.memref_squeeze %dma_start3A_95 : memref<1x512xi32, #tpu.memory_space<vmem>> -> memref<512xi32, #tpu.memory_space<vmem>>
    %dma_start3A_97 = arith.constant 0 : i32
    %dma_start3A_98 = arith.constant 0 : i32
    %dma_start3A_99 = tpu.memref_slice %arg6[%dma_start3A_97, %dma_start3A_98] : memref<1000000x16xf32, #tpu.memory_space<hbm>> -> memref<1000000x16xf32, #tpu.memory_space<hbm>>
    %dma_start3A_100 = tpu.memref_slice %arg16[%dma_start3A_89] : memref<4x!tpu.dma_semaphore, #tpu.memory_space<semaphore_mem>> -> memref<1x!tpu.dma_semaphore, #tpu.memory_space<semaphore_mem>>
    %dma_start3A_101 = tpu.memref_squeeze %dma_start3A_100 : memref<1x!tpu.dma_semaphore, #tpu.memory_space<semaphore_mem>> -> memref<!tpu.dma_semaphore, #tpu.memory_space<semaphore_mem>>
    tpu.enqueue_indirect_dma source(%dma_start3A_99 : memref<1000000x16xf32, #tpu.memory_space<hbm>>) target(%dma_start3A_93 : memref<512x16xf32, #tpu.memory_space<vmem>>) offsets(%dma_start3A_96 : memref<512xi32, #tpu.memory_space<vmem>>) semaphore(%dma_start3A_101 : memref<!tpu.dma_semaphore, #tpu.memory_space<semaphore_mem>>)
    %dma_wait3A_102 = arith.constant 0 : i32
    %dma_wait3A_103 = arith.constant 1 : i32
    %dma_wait3A_104 = arith.constant 1 : i32
    %dma_wait3A_105 = arith.constant 0 : i32
    %dma_wait3A_106 = arith.constant 0 : i32
    %dma_wait3A_107 = tpu.memref_slice %arg15[%dma_wait3A_103, %dma_wait3A_105, %dma_wait3A_106] : memref<4x512x16xf32, #tpu.memory_space<vmem>> -> memref<1x512x16xf32, #tpu.memory_space<vmem>>
    %dma_wait3A_108 = tpu.memref_squeeze %dma_wait3A_107 : memref<1x512x16xf32, #tpu.memory_space<vmem>> -> memref<512x16xf32, #tpu.memory_space<vmem>>
    %dma_wait3A_109 = arith.constant 0 : i32
    %dma_wait3A_110 = tpu.memref_slice %arg12[%dma_wait3A_102, %dma_wait3A_109] : memref<20x512xi32, #tpu.memory_space<vmem>> -> memref<1x512xi32, #tpu.memory_space<vmem>>
    %dma_wait3A_111 = tpu.memref_squeeze %dma_wait3A_110 : memref<1x512xi32, #tpu.memory_space<vmem>> -> memref<512xi32, #tpu.memory_space<vmem>>
    %dma_wait3A_112 = arith.constant 0 : i32
    %dma_wait3A_113 = arith.constant 0 : i32
    %dma_wait3A_114 = tpu.memref_slice %arg6[%dma_wait3A_112, %dma_wait3A_113] : memref<1000000x16xf32, #tpu.memory_space<hbm>> -> memref<1000000x16xf32, #tpu.memory_space<hbm>>
    %dma_wait3A_115 = tpu.memref_slice %arg16[%dma_wait3A_104] : memref<4x!tpu.dma_semaphore, #tpu.memory_space<semaphore_mem>> -> memref<1x!tpu.dma_semaphore, #tpu.memory_space<semaphore_mem>>
    %dma_wait3A_116 = tpu.memref_squeeze %dma_wait3A_115 : memref<1x!tpu.dma_semaphore, #tpu.memory_space<semaphore_mem>> -> memref<!tpu.dma_semaphore, #tpu.memory_space<semaphore_mem>>
    tpu.wait_indirect_dma semaphore(%dma_wait3A_116 : memref<!tpu.dma_semaphore, #tpu.memory_space<semaphore_mem>>) src(%dma_wait3A_114 : memref<1000000x16xf32, #tpu.memory_space<hbm>>) dst(%dma_wait3A_108 : memref<512x16xf32, #tpu.memory_space<vmem>>)
    %add3A_117 = arith.constant 512 : i32
    %add3A_118 = arith.addi %mul3A_4, %add3A_117 : i32
    %dma_start3A_119 = arith.constant 1 : i32
    %dma_start3A_120 = arith.constant 1 : i32
    %dma_start3A_121 = arith.constant 0 : i32
    %dma_start3A_122 = arith.constant 0 : i32
    %dma_start3A_123 = tpu.memref_slice %arg15[%dma_start3A_119, %dma_start3A_121, %dma_start3A_122] : memref<4x512x16xf32, #tpu.memory_space<vmem>> -> memref<1x512x16xf32, #tpu.memory_space<vmem>>
    %dma_start3A_124 = tpu.memref_squeeze %dma_start3A_123 : memref<1x512x16xf32, #tpu.memory_space<vmem>> -> memref<512x16xf32, #tpu.memory_space<vmem>>
    %dma_start3A_125 = arith.constant 0 : i32
    %dma_start3A_126 = tpu.memref_slice %arg9[%add3A_118, %dma_start3A_125] : memref<327680x16xf32, #tpu.memory_space<hbm>> -> memref<512x16xf32, #tpu.memory_space<hbm>>
    %dma_start3A_127 = tpu.memref_slice %arg17[%dma_start3A_120] : memref<4x!tpu.dma_semaphore, #tpu.memory_space<semaphore_mem>> -> memref<1x!tpu.dma_semaphore, #tpu.memory_space<semaphore_mem>>
    %dma_start3A_128 = tpu.memref_squeeze %dma_start3A_127 : memref<1x!tpu.dma_semaphore, #tpu.memory_space<semaphore_mem>> -> memref<!tpu.dma_semaphore, #tpu.memory_space<semaphore_mem>>
    %dma_start3A_129 = arith.constant 0 : i32
    %dma_start3A_130 = tpu.memref_slice %arg9[%add3A_118, %dma_start3A_129] : memref<327680x16xf32, #tpu.memory_space<hbm>> -> memref<512x16xf32, #tpu.memory_space<hbm>>
    %dma_start3A_131 = arith.constant 0 : i32
    %dma_start3A_132 = arith.constant 0 : i32
    %dma_start3A_133 = tpu.memref_slice %arg15[%dma_start3A_119, %dma_start3A_131, %dma_start3A_132] : memref<4x512x16xf32, #tpu.memory_space<vmem>> -> memref<1x512x16xf32, #tpu.memory_space<vmem>>
    %dma_start3A_134 = tpu.memref_squeeze %dma_start3A_133 : memref<1x512x16xf32, #tpu.memory_space<vmem>> -> memref<512x16xf32, #tpu.memory_space<vmem>>
    tpu.enqueue_dma source(%dma_start3A_134 : memref<512x16xf32, #tpu.memory_space<vmem>>) target(%dma_start3A_130 : memref<512x16xf32, #tpu.memory_space<hbm>>) target_semaphore(%dma_start3A_128 : memref<!tpu.dma_semaphore, #tpu.memory_space<semaphore_mem>>)
    %dma_wait3A_135 = arith.constant 0 : i32
    %dma_wait3A_136 = arith.constant 0 : i32
    %dma_wait3A_137 = arith.constant 0 : i32
    %dma_wait3A_138 = arith.constant 0 : i32
    %dma_wait3A_139 = tpu.memref_slice %arg15[%dma_wait3A_135, %dma_wait3A_137, %dma_wait3A_138] : memref<4x512x16xf32, #tpu.memory_space<vmem>> -> memref<1x512x16xf32, #tpu.memory_space<vmem>>
    %dma_wait3A_140 = tpu.memref_squeeze %dma_wait3A_139 : memref<1x512x16xf32, #tpu.memory_space<vmem>> -> memref<512x16xf32, #tpu.memory_space<vmem>>
    %dma_wait3A_141 = arith.constant 0 : i32
    %dma_wait3A_142 = tpu.memref_slice %arg9[%mul3A_4, %dma_wait3A_141] : memref<327680x16xf32, #tpu.memory_space<hbm>> -> memref<512x16xf32, #tpu.memory_space<hbm>>
    %dma_wait3A_143 = tpu.memref_slice %arg17[%dma_wait3A_136] : memref<4x!tpu.dma_semaphore, #tpu.memory_space<semaphore_mem>> -> memref<1x!tpu.dma_semaphore, #tpu.memory_space<semaphore_mem>>
    %dma_wait3A_144 = tpu.memref_squeeze %dma_wait3A_143 : memref<1x!tpu.dma_semaphore, #tpu.memory_space<semaphore_mem>> -> memref<!tpu.dma_semaphore, #tpu.memory_space<semaphore_mem>>
    %dma_wait3A_145 = arith.constant 0 : i32
    %dma_wait3A_146 = tpu.memref_slice %arg9[%mul3A_4, %dma_wait3A_145] : memref<327680x16xf32, #tpu.memory_space<hbm>> -> memref<512x16xf32, #tpu.memory_space<hbm>>
    %dma_wait3A_147 = arith.constant 0 : i32
    %dma_wait3A_148 = arith.constant 0 : i32
    %dma_wait3A_149 = tpu.memref_slice %arg15[%dma_wait3A_135, %dma_wait3A_147, %dma_wait3A_148] : memref<4x512x16xf32, #tpu.memory_space<vmem>> -> memref<1x512x16xf32, #tpu.memory_space<vmem>>
    %dma_wait3A_150 = tpu.memref_squeeze %dma_wait3A_149 : memref<1x512x16xf32, #tpu.memory_space<vmem>> -> memref<512x16xf32, #tpu.memory_space<vmem>>
    tpu.wait_dma2 semaphore(%dma_wait3A_144 : memref<!tpu.dma_semaphore, #tpu.memory_space<semaphore_mem>>) src(%dma_wait3A_150 : memref<512x16xf32, #tpu.memory_space<vmem>>) dst(%dma_wait3A_146 : memref<512x16xf32, #tpu.memory_space<hbm>>)
    %dma_start3A_151 = arith.constant 4 : i32
    %dma_start3A_152 = arith.constant 0 : i32
    %dma_start3A_153 = arith.constant 0 : i32
    %dma_start3A_154 = arith.constant 0 : i32
    %dma_start3A_155 = arith.constant 0 : i32
    %dma_start3A_156 = tpu.memref_slice %arg15[%dma_start3A_152, %dma_start3A_154, %dma_start3A_155] : memref<4x512x16xf32, #tpu.memory_space<vmem>> -> memref<1x512x16xf32, #tpu.memory_space<vmem>>
    %dma_start3A_157 = tpu.memref_squeeze %dma_start3A_156 : memref<1x512x16xf32, #tpu.memory_space<vmem>> -> memref<512x16xf32, #tpu.memory_space<vmem>>
    %dma_start3A_158 = arith.constant 0 : i32
    %dma_start3A_159 = tpu.memref_slice %arg12[%dma_start3A_151, %dma_start3A_158] : memref<20x512xi32, #tpu.memory_space<vmem>> -> memref<1x512xi32, #tpu.memory_space<vmem>>
    %dma_start3A_160 = tpu.memref_squeeze %dma_start3A_159 : memref<1x512xi32, #tpu.memory_space<vmem>> -> memref<512xi32, #tpu.memory_space<vmem>>
    %dma_start3A_161 = arith.constant 0 : i32
    %dma_start3A_162 = arith.constant 0 : i32
    %dma_start3A_163 = tpu.memref_slice %arg6[%dma_start3A_161, %dma_start3A_162] : memref<1000000x16xf32, #tpu.memory_space<hbm>> -> memref<1000000x16xf32, #tpu.memory_space<hbm>>
    %dma_start3A_164 = tpu.memref_slice %arg16[%dma_start3A_153] : memref<4x!tpu.dma_semaphore, #tpu.memory_space<semaphore_mem>> -> memref<1x!tpu.dma_semaphore, #tpu.memory_space<semaphore_mem>>
    %dma_start3A_165 = tpu.memref_squeeze %dma_start3A_164 : memref<1x!tpu.dma_semaphore, #tpu.memory_space<semaphore_mem>> -> memref<!tpu.dma_semaphore, #tpu.memory_space<semaphore_mem>>
    tpu.enqueue_indirect_dma source(%dma_start3A_163 : memref<1000000x16xf32, #tpu.memory_space<hbm>>) target(%dma_start3A_157 : memref<512x16xf32, #tpu.memory_space<vmem>>) offsets(%dma_start3A_160 : memref<512xi32, #tpu.memory_space<vmem>>) semaphore(%dma_start3A_165 : memref<!tpu.dma_semaphore, #tpu.memory_space<semaphore_mem>>)
    %dma_wait3A_166 = arith.constant 0 : i32
    %dma_wait3A_167 = arith.constant 2 : i32
    %dma_wait3A_168 = arith.constant 2 : i32
    %dma_wait3A_169 = arith.constant 0 : i32
    %dma_wait3A_170 = arith.constant 0 : i32
    %dma_wait3A_171 = tpu.memref_slice %arg15[%dma_wait3A_167, %dma_wait3A_169, %dma_wait3A_170] : memref<4x512x16xf32, #tpu.memory_space<vmem>> -> memref<1x512x16xf32, #tpu.memory_space<vmem>>
    %dma_wait3A_172 = tpu.memref_squeeze %dma_wait3A_171 : memref<1x512x16xf32, #tpu.memory_space<vmem>> -> memref<512x16xf32, #tpu.memory_space<vmem>>
    %dma_wait3A_173 = arith.constant 0 : i32
    %dma_wait3A_174 = tpu.memref_slice %arg12[%dma_wait3A_166, %dma_wait3A_173] : memref<20x512xi32, #tpu.memory_space<vmem>> -> memref<1x512xi32, #tpu.memory_space<vmem>>
    %dma_wait3A_175 = tpu.memref_squeeze %dma_wait3A_174 : memref<1x512xi32, #tpu.memory_space<vmem>> -> memref<512xi32, #tpu.memory_space<vmem>>
    %dma_wait3A_176 = arith.constant 0 : i32
    %dma_wait3A_177 = arith.constant 0 : i32
    %dma_wait3A_178 = tpu.memref_slice %arg6[%dma_wait3A_176, %dma_wait3A_177] : memref<1000000x16xf32, #tpu.memory_space<hbm>> -> memref<1000000x16xf32, #tpu.memory_space<hbm>>
    %dma_wait3A_179 = tpu.memref_slice %arg16[%dma_wait3A_168] : memref<4x!tpu.dma_semaphore, #tpu.memory_space<semaphore_mem>> -> memref<1x!tpu.dma_semaphore, #tpu.memory_space<semaphore_mem>>
    %dma_wait3A_180 = tpu.memref_squeeze %dma_wait3A_179 : memref<1x!tpu.dma_semaphore, #tpu.memory_space<semaphore_mem>> -> memref<!tpu.dma_semaphore, #tpu.memory_space<semaphore_mem>>
    tpu.wait_indirect_dma semaphore(%dma_wait3A_180 : memref<!tpu.dma_semaphore, #tpu.memory_space<semaphore_mem>>) src(%dma_wait3A_178 : memref<1000000x16xf32, #tpu.memory_space<hbm>>) dst(%dma_wait3A_172 : memref<512x16xf32, #tpu.memory_space<vmem>>)
    %add3A_181 = arith.constant 1024 : i32
    %add3A_182 = arith.addi %mul3A_4, %add3A_181 : i32
    %dma_start3A_183 = arith.constant 2 : i32
    %dma_start3A_184 = arith.constant 2 : i32
    %dma_start3A_185 = arith.constant 0 : i32
    %dma_start3A_186 = arith.constant 0 : i32
    %dma_start3A_187 = tpu.memref_slice %arg15[%dma_start3A_183, %dma_start3A_185, %dma_start3A_186] : memref<4x512x16xf32, #tpu.memory_space<vmem>> -> memref<1x512x16xf32, #tpu.memory_space<vmem>>
    %dma_start3A_188 = tpu.memref_squeeze %dma_start3A_187 : memref<1x512x16xf32, #tpu.memory_space<vmem>> -> memref<512x16xf32, #tpu.memory_space<vmem>>
    %dma_start3A_189 = arith.constant 0 : i32
    %dma_start3A_190 = tpu.memref_slice %arg9[%add3A_182, %dma_start3A_189] : memref<327680x16xf32, #tpu.memory_space<hbm>> -> memref<512x16xf32, #tpu.memory_space<hbm>>
    %dma_start3A_191 = tpu.memref_slice %arg17[%dma_start3A_184] : memref<4x!tpu.dma_semaphore, #tpu.memory_space<semaphore_mem>> -> memref<1x!tpu.dma_semaphore, #tpu.memory_space<semaphore_mem>>
    %dma_start3A_192 = tpu.memref_squeeze %dma_start3A_191 : memref<1x!tpu.dma_semaphore, #tpu.memory_space<semaphore_mem>> -> memref<!tpu.dma_semaphore, #tpu.memory_space<semaphore_mem>>
    %dma_start3A_193 = arith.constant 0 : i32
    %dma_start3A_194 = tpu.memref_slice %arg9[%add3A_182, %dma_start3A_193] : memref<327680x16xf32, #tpu.memory_space<hbm>> -> memref<512x16xf32, #tpu.memory_space<hbm>>
    %dma_start3A_195 = arith.constant 0 : i32
    %dma_start3A_196 = arith.constant 0 : i32
    %dma_start3A_197 = tpu.memref_slice %arg15[%dma_start3A_183, %dma_start3A_195, %dma_start3A_196] : memref<4x512x16xf32, #tpu.memory_space<vmem>> -> memref<1x512x16xf32, #tpu.memory_space<vmem>>
    %dma_start3A_198 = tpu.memref_squeeze %dma_start3A_197 : memref<1x512x16xf32, #tpu.memory_space<vmem>> -> memref<512x16xf32, #tpu.memory_space<vmem>>
    tpu.enqueue_dma source(%dma_start3A_198 : memref<512x16xf32, #tpu.memory_space<vmem>>) target(%dma_start3A_194 : memref<512x16xf32, #tpu.memory_space<hbm>>) target_semaphore(%dma_start3A_192 : memref<!tpu.dma_semaphore, #tpu.memory_space<semaphore_mem>>)
    %dma_wait3A_199 = arith.constant 1 : i32
    %dma_wait3A_200 = arith.constant 1 : i32
    %dma_wait3A_201 = arith.constant 0 : i32
    %dma_wait3A_202 = arith.constant 0 : i32
    %dma_wait3A_203 = tpu.memref_slice %arg15[%dma_wait3A_199, %dma_wait3A_201, %dma_wait3A_202] : memref<4x512x16xf32, #tpu.memory_space<vmem>> -> memref<1x512x16xf32, #tpu.memory_space<vmem>>
    %dma_wait3A_204 = tpu.memref_squeeze %dma_wait3A_203 : memref<1x512x16xf32, #tpu.memory_space<vmem>> -> memref<512x16xf32, #tpu.memory_space<vmem>>
    %dma_wait3A_205 = arith.constant 0 : i32
    %dma_wait3A_206 = tpu.memref_slice %arg9[%mul3A_4, %dma_wait3A_205] : memref<327680x16xf32, #tpu.memory_space<hbm>> -> memref<512x16xf32, #tpu.memory_space<hbm>>
    %dma_wait3A_207 = tpu.memref_slice %arg17[%dma_wait3A_200] : memref<4x!tpu.dma_semaphore, #tpu.memory_space<semaphore_mem>> -> memref<1x!tpu.dma_semaphore, #tpu.memory_space<semaphore_mem>>
    %dma_wait3A_208 = tpu.memref_squeeze %dma_wait3A_207 : memref<1x!tpu.dma_semaphore, #tpu.memory_space<semaphore_mem>> -> memref<!tpu.dma_semaphore, #tpu.memory_space<semaphore_mem>>
    %dma_wait3A_209 = arith.constant 0 : i32
    %dma_wait3A_210 = tpu.memref_slice %arg9[%mul3A_4, %dma_wait3A_209] : memref<327680x16xf32, #tpu.memory_space<hbm>> -> memref<512x16xf32, #tpu.memory_space<hbm>>
    %dma_wait3A_211 = arith.constant 0 : i32
    %dma_wait3A_212 = arith.constant 0 : i32
    %dma_wait3A_213 = tpu.memref_slice %arg15[%dma_wait3A_199, %dma_wait3A_211, %dma_wait3A_212] : memref<4x512x16xf32, #tpu.memory_space<vmem>> -> memref<1x512x16xf32, #tpu.memory_space<vmem>>
    %dma_wait3A_214 = tpu.memref_squeeze %dma_wait3A_213 : memref<1x512x16xf32, #tpu.memory_space<vmem>> -> memref<512x16xf32, #tpu.memory_space<vmem>>
    tpu.wait_dma2 semaphore(%dma_wait3A_208 : memref<!tpu.dma_semaphore, #tpu.memory_space<semaphore_mem>>) src(%dma_wait3A_214 : memref<512x16xf32, #tpu.memory_space<vmem>>) dst(%dma_wait3A_210 : memref<512x16xf32, #tpu.memory_space<hbm>>)
    %dma_start3A_215 = arith.constant 5 : i32
    %dma_start3A_216 = arith.constant 1 : i32
    %dma_start3A_217 = arith.constant 1 : i32
    %dma_start3A_218 = arith.constant 0 : i32
    %dma_start3A_219 = arith.constant 0 : i32
    %dma_start3A_220 = tpu.memref_slice %arg15[%dma_start3A_216, %dma_start3A_218, %dma_start3A_219] : memref<4x512x16xf32, #tpu.memory_space<vmem>> -> memref<1x512x16xf32, #tpu.memory_space<vmem>>
    %dma_start3A_221 = tpu.memref_squeeze %dma_start3A_220 : memref<1x512x16xf32, #tpu.memory_space<vmem>> -> memref<512x16xf32, #tpu.memory_space<vmem>>
    %dma_start3A_222 = arith.constant 0 : i32
    %dma_start3A_223 = tpu.memref_slice %arg12[%dma_start3A_215, %dma_start3A_222] : memref<20x512xi32, #tpu.memory_space<vmem>> -> memref<1x512xi32, #tpu.memory_space<vmem>>
    %dma_start3A_224 = tpu.memref_squeeze %dma_start3A_223 : memref<1x512xi32, #tpu.memory_space<vmem>> -> memref<512xi32, #tpu.memory_space<vmem>>
    %dma_start3A_225 = arith.constant 0 : i32
    %dma_start3A_226 = arith.constant 0 : i32
    %dma_start3A_227 = tpu.memref_slice %arg6[%dma_start3A_225, %dma_start3A_226] : memref<1000000x16xf32, #tpu.memory_space<hbm>> -> memref<1000000x16xf32, #tpu.memory_space<hbm>>
    %dma_start3A_228 = tpu.memref_slice %arg16[%dma_start3A_217] : memref<4x!tpu.dma_semaphore, #tpu.memory_space<semaphore_mem>> -> memref<1x!tpu.dma_semaphore, #tpu.memory_space<semaphore_mem>>
    %dma_start3A_229 = tpu.memref_squeeze %dma_start3A_228 : memref<1x!tpu.dma_semaphore, #tpu.memory_space<semaphore_mem>> -> memref<!tpu.dma_semaphore, #tpu.memory_space<semaphore_mem>>
    tpu.enqueue_indirect_dma source(%dma_start3A_227 : memref<1000000x16xf32, #tpu.memory_space<hbm>>) target(%dma_start3A_221 : memref<512x16xf32, #tpu.memory_space<vmem>>) offsets(%dma_start3A_224 : memref<512xi32, #tpu.memory_space<vmem>>) semaphore(%dma_start3A_229 : memref<!tpu.dma_semaphore, #tpu.memory_space<semaphore_mem>>)
    %dma_wait3A_230 = arith.constant 0 : i32
    %dma_wait3A_231 = arith.constant 3 : i32
    %dma_wait3A_232 = arith.constant 3 : i32
    %dma_wait3A_233 = arith.constant 0 : i32
    %dma_wait3A_234 = arith.constant 0 : i32
    %dma_wait3A_235 = tpu.memref_slice %arg15[%dma_wait3A_231, %dma_wait3A_233, %dma_wait3A_234] : memref<4x512x16xf32, #tpu.memory_space<vmem>> -> memref<1x512x16xf32, #tpu.memory_space<vmem>>
    %dma_wait3A_236 = tpu.memref_squeeze %dma_wait3A_235 : memref<1x512x16xf32, #tpu.memory_space<vmem>> -> memref<512x16xf32, #tpu.memory_space<vmem>>
    %dma_wait3A_237 = arith.constant 0 : i32
    %dma_wait3A_238 = tpu.memref_slice %arg12[%dma_wait3A_230, %dma_wait3A_237] : memref<20x512xi32, #tpu.memory_space<vmem>> -> memref<1x512xi32, #tpu.memory_space<vmem>>
    %dma_wait3A_239 = tpu.memref_squeeze %dma_wait3A_238 : memref<1x512xi32, #tpu.memory_space<vmem>> -> memref<512xi32, #tpu.memory_space<vmem>>
    %dma_wait3A_240 = arith.constant 0 : i32
    %dma_wait3A_241 = arith.constant 0 : i32
    %dma_wait3A_242 = tpu.memref_slice %arg6[%dma_wait3A_240, %dma_wait3A_241] : memref<1000000x16xf32, #tpu.memory_space<hbm>> -> memref<1000000x16xf32, #tpu.memory_space<hbm>>
    %dma_wait3A_243 = tpu.memref_slice %arg16[%dma_wait3A_232] : memref<4x!tpu.dma_semaphore, #tpu.memory_space<semaphore_mem>> -> memref<1x!tpu.dma_semaphore, #tpu.memory_space<semaphore_mem>>
    %dma_wait3A_244 = tpu.memref_squeeze %dma_wait3A_243 : memref<1x!tpu.dma_semaphore, #tpu.memory_space<semaphore_mem>> -> memref<!tpu.dma_semaphore, #tpu.memory_space<semaphore_mem>>
    tpu.wait_indirect_dma semaphore(%dma_wait3A_244 : memref<!tpu.dma_semaphore, #tpu.memory_space<semaphore_mem>>) src(%dma_wait3A_242 : memref<1000000x16xf32, #tpu.memory_space<hbm>>) dst(%dma_wait3A_236 : memref<512x16xf32, #tpu.memory_space<vmem>>)
    %add3A_245 = arith.constant 1536 : i32
    %add3A_246 = arith.addi %mul3A_4, %add3A_245 : i32
    %dma_start3A_247 = arith.constant 3 : i32
    %dma_start3A_248 = arith.constant 3 : i32
    %dma_start3A_249 = arith.constant 0 : i32
    %dma_start3A_250 = arith.constant 0 : i32
    %dma_start3A_251 = tpu.memref_slice %arg15[%dma_start3A_247, %dma_start3A_249, %dma_start3A_250] : memref<4x512x16xf32, #tpu.memory_space<vmem>> -> memref<1x512x16xf32, #tpu.memory_space<vmem>>
    %dma_start3A_252 = tpu.memref_squeeze %dma_start3A_251 : memref<1x512x16xf32, #tpu.memory_space<vmem>> -> memref<512x16xf32, #tpu.memory_space<vmem>>
    %dma_start3A_253 = arith.constant 0 : i32
    %dma_start3A_254 = tpu.memref_slice %arg9[%add3A_246, %dma_start3A_253] : memref<327680x16xf32, #tpu.memory_space<hbm>> -> memref<512x16xf32, #tpu.memory_space<hbm>>
    %dma_start3A_255 = tpu.memref_slice %arg17[%dma_start3A_248] : memref<4x!tpu.dma_semaphore, #tpu.memory_space<semaphore_mem>> -> memref<1x!tpu.dma_semaphore, #tpu.memory_space<semaphore_mem>>
    %dma_start3A_256 = tpu.memref_squeeze %dma_start3A_255 : memref<1x!tpu.dma_semaphore, #tpu.memory_space<semaphore_mem>> -> memref<!tpu.dma_semaphore, #tpu.memory_space<semaphore_mem>>
    %dma_start3A_257 = arith.constant 0 : i32
    %dma_start3A_258 = tpu.memref_slice %arg9[%add3A_246, %dma_start3A_257] : memref<327680x16xf32, #tpu.memory_space<hbm>> -> memref<512x16xf32, #tpu.memory_space<hbm>>
    %dma_start3A_259 = arith.constant 0 : i32
    %dma_start3A_260 = arith.constant 0 : i32
    %dma_start3A_261 = tpu.memref_slice %arg15[%dma_start3A_247, %dma_start3A_259, %dma_start3A_260] : memref<4x512x16xf32, #tpu.memory_space<vmem>> -> memref<1x512x16xf32, #tpu.memory_space<vmem>>
    %dma_start3A_262 = tpu.memref_squeeze %dma_start3A_261 : memref<1x512x16xf32, #tpu.memory_space<vmem>> -> memref<512x16xf32, #tpu.memory_space<vmem>>
    tpu.enqueue_dma source(%dma_start3A_262 : memref<512x16xf32, #tpu.memory_space<vmem>>) target(%dma_start3A_258 : memref<512x16xf32, #tpu.memory_space<hbm>>) target_semaphore(%dma_start3A_256 : memref<!tpu.dma_semaphore, #tpu.memory_space<semaphore_mem>>)
    %dma_wait3A_263 = arith.constant 2 : i32
    %dma_wait3A_264 = arith.constant 2 : i32
    %dma_wait3A_265 = arith.constant 0 : i32
    %dma_wait3A_266 = arith.constant 0 : i32
    %dma_wait3A_267 = tpu.memref_slice %arg15[%dma_wait3A_263, %dma_wait3A_265, %dma_wait3A_266] : memref<4x512x16xf32, #tpu.memory_space<vmem>> -> memref<1x512x16xf32, #tpu.memory_space<vmem>>
    %dma_wait3A_268 = tpu.memref_squeeze %dma_wait3A_267 : memref<1x512x16xf32, #tpu.memory_space<vmem>> -> memref<512x16xf32, #tpu.memory_space<vmem>>
    %dma_wait3A_269 = arith.constant 0 : i32
    %dma_wait3A_270 = tpu.memref_slice %arg9[%mul3A_4, %dma_wait3A_269] : memref<327680x16xf32, #tpu.memory_space<hbm>> -> memref<512x16xf32, #tpu.memory_space<hbm>>
    %dma_wait3A_271 = tpu.memref_slice %arg17[%dma_wait3A_264] : memref<4x!tpu.dma_semaphore, #tpu.memory_space<semaphore_mem>> -> memref<1x!tpu.dma_semaphore, #tpu.memory_space<semaphore_mem>>
    %dma_wait3A_272 = tpu.memref_squeeze %dma_wait3A_271 : memref<1x!tpu.dma_semaphore, #tpu.memory_space<semaphore_mem>> -> memref<!tpu.dma_semaphore, #tpu.memory_space<semaphore_mem>>
    %dma_wait3A_273 = arith.constant 0 : i32
    %dma_wait3A_274 = tpu.memref_slice %arg9[%mul3A_4, %dma_wait3A_273] : memref<327680x16xf32, #tpu.memory_space<hbm>> -> memref<512x16xf32, #tpu.memory_space<hbm>>
    %dma_wait3A_275 = arith.constant 0 : i32
    %dma_wait3A_276 = arith.constant 0 : i32
    %dma_wait3A_277 = tpu.memref_slice %arg15[%dma_wait3A_263, %dma_wait3A_275, %dma_wait3A_276] : memref<4x512x16xf32, #tpu.memory_space<vmem>> -> memref<1x512x16xf32, #tpu.memory_space<vmem>>
    %dma_wait3A_278 = tpu.memref_squeeze %dma_wait3A_277 : memref<1x512x16xf32, #tpu.memory_space<vmem>> -> memref<512x16xf32, #tpu.memory_space<vmem>>
    tpu.wait_dma2 semaphore(%dma_wait3A_272 : memref<!tpu.dma_semaphore, #tpu.memory_space<semaphore_mem>>) src(%dma_wait3A_278 : memref<512x16xf32, #tpu.memory_space<vmem>>) dst(%dma_wait3A_274 : memref<512x16xf32, #tpu.memory_space<hbm>>)
    %dma_start3A_279 = arith.constant 6 : i32
    %dma_start3A_280 = arith.constant 2 : i32
    %dma_start3A_281 = arith.constant 2 : i32
    %dma_start3A_282 = arith.constant 0 : i32
    %dma_start3A_283 = arith.constant 0 : i32
    %dma_start3A_284 = tpu.memref_slice %arg15[%dma_start3A_280, %dma_start3A_282, %dma_start3A_283] : memref<4x512x16xf32, #tpu.memory_space<vmem>> -> memref<1x512x16xf32, #tpu.memory_space<vmem>>
    %dma_start3A_285 = tpu.memref_squeeze %dma_start3A_284 : memref<1x512x16xf32, #tpu.memory_space<vmem>> -> memref<512x16xf32, #tpu.memory_space<vmem>>
    %dma_start3A_286 = arith.constant 0 : i32
    %dma_start3A_287 = tpu.memref_slice %arg12[%dma_start3A_279, %dma_start3A_286] : memref<20x512xi32, #tpu.memory_space<vmem>> -> memref<1x512xi32, #tpu.memory_space<vmem>>
    %dma_start3A_288 = tpu.memref_squeeze %dma_start3A_287 : memref<1x512xi32, #tpu.memory_space<vmem>> -> memref<512xi32, #tpu.memory_space<vmem>>
    %dma_start3A_289 = arith.constant 0 : i32
    %dma_start3A_290 = arith.constant 0 : i32
    %dma_start3A_291 = tpu.memref_slice %arg6[%dma_start3A_289, %dma_start3A_290] : memref<1000000x16xf32, #tpu.memory_space<hbm>> -> memref<1000000x16xf32, #tpu.memory_space<hbm>>
    %dma_start3A_292 = tpu.memref_slice %arg16[%dma_start3A_281] : memref<4x!tpu.dma_semaphore, #tpu.memory_space<semaphore_mem>> -> memref<1x!tpu.dma_semaphore, #tpu.memory_space<semaphore_mem>>
    %dma_start3A_293 = tpu.memref_squeeze %dma_start3A_292 : memref<1x!tpu.dma_semaphore, #tpu.memory_space<semaphore_mem>> -> memref<!tpu.dma_semaphore, #tpu.memory_space<semaphore_mem>>
    tpu.enqueue_indirect_dma source(%dma_start3A_291 : memref<1000000x16xf32, #tpu.memory_space<hbm>>) target(%dma_start3A_285 : memref<512x16xf32, #tpu.memory_space<vmem>>) offsets(%dma_start3A_288 : memref<512xi32, #tpu.memory_space<vmem>>) semaphore(%dma_start3A_293 : memref<!tpu.dma_semaphore, #tpu.memory_space<semaphore_mem>>)
    %scan3A = arith.constant 0 : i32
    %scan3A_294 = arith.constant 1 : i32
    %scan3A_295 = arith.constant 3 : i32
    %scan3A_296 = arith.addi %scan3A_294, %scan3A_295 : i32
    %scan3A_297 = arith.constant 1 : i32
    scf.for %scan3A_548 = %scan3A_294 to %scan3A_296 step %scan3A_297  : i32 {
      %mul3A_549 = arith.constant 4 : i32
      %mul3A_550 = arith.muli %scan3A_548, %mul3A_549 : i32
      %add3A_551 = arith.constant 0 : i32
      %add3A_552 = arith.addi %mul3A_550, %add3A_551 : i32
      %dma_wait3A_553 = arith.constant 0 : i32
      %dma_wait3A_554 = arith.constant 0 : i32
      %dma_wait3A_555 = arith.constant 0 : i32
      %dma_wait3A_556 = arith.constant 0 : i32
      %dma_wait3A_557 = arith.constant 0 : i32
      %dma_wait3A_558 = tpu.memref_slice %arg15[%dma_wait3A_554, %dma_wait3A_556, %dma_wait3A_557] : memref<4x512x16xf32, #tpu.memory_space<vmem>> -> memref<1x512x16xf32, #tpu.memory_space<vmem>>
      %dma_wait3A_559 = tpu.memref_squeeze %dma_wait3A_558 : memref<1x512x16xf32, #tpu.memory_space<vmem>> -> memref<512x16xf32, #tpu.memory_space<vmem>>
      %dma_wait3A_560 = arith.constant 0 : i32
      %dma_wait3A_561 = tpu.memref_slice %arg12[%dma_wait3A_553, %dma_wait3A_560] : memref<20x512xi32, #tpu.memory_space<vmem>> -> memref<1x512xi32, #tpu.memory_space<vmem>>
      %dma_wait3A_562 = tpu.memref_squeeze %dma_wait3A_561 : memref<1x512xi32, #tpu.memory_space<vmem>> -> memref<512xi32, #tpu.memory_space<vmem>>
      %dma_wait3A_563 = arith.constant 0 : i32
      %dma_wait3A_564 = arith.constant 0 : i32
      %dma_wait3A_565 = tpu.memref_slice %arg6[%dma_wait3A_563, %dma_wait3A_564] : memref<1000000x16xf32, #tpu.memory_space<hbm>> -> memref<1000000x16xf32, #tpu.memory_space<hbm>>
      %dma_wait3A_566 = tpu.memref_slice %arg16[%dma_wait3A_555] : memref<4x!tpu.dma_semaphore, #tpu.memory_space<semaphore_mem>> -> memref<1x!tpu.dma_semaphore, #tpu.memory_space<semaphore_mem>>
      %dma_wait3A_567 = tpu.memref_squeeze %dma_wait3A_566 : memref<1x!tpu.dma_semaphore, #tpu.memory_space<semaphore_mem>> -> memref<!tpu.dma_semaphore, #tpu.memory_space<semaphore_mem>>
      tpu.wait_indirect_dma semaphore(%dma_wait3A_567 : memref<!tpu.dma_semaphore, #tpu.memory_space<semaphore_mem>>) src(%dma_wait3A_565 : memref<1000000x16xf32, #tpu.memory_space<hbm>>) dst(%dma_wait3A_559 : memref<512x16xf32, #tpu.memory_space<vmem>>)
      %mul3A_568 = arith.constant 512 : i32
      %mul3A_569 = arith.muli %add3A_552, %mul3A_568 : i32
      %add3A_570 = arith.addi %mul3A_4, %mul3A_569 : i32
      %dma_start3A_571 = arith.constant 0 : i32
      %dma_start3A_572 = arith.constant 0 : i32
      %dma_start3A_573 = arith.constant 0 : i32
      %dma_start3A_574 = arith.constant 0 : i32
      %dma_start3A_575 = tpu.memref_slice %arg15[%dma_start3A_571, %dma_start3A_573, %dma_start3A_574] : memref<4x512x16xf32, #tpu.memory_space<vmem>> -> memref<1x512x16xf32, #tpu.memory_space<vmem>>
      %dma_start3A_576 = tpu.memref_squeeze %dma_start3A_575 : memref<1x512x16xf32, #tpu.memory_space<vmem>> -> memref<512x16xf32, #tpu.memory_space<vmem>>
      %dma_start3A_577 = arith.constant 0 : i32
      %dma_start3A_578 = tpu.memref_slice %arg9[%add3A_570, %dma_start3A_577] : memref<327680x16xf32, #tpu.memory_space<hbm>> -> memref<512x16xf32, #tpu.memory_space<hbm>>
      %dma_start3A_579 = tpu.memref_slice %arg17[%dma_start3A_572] : memref<4x!tpu.dma_semaphore, #tpu.memory_space<semaphore_mem>> -> memref<1x!tpu.dma_semaphore, #tpu.memory_space<semaphore_mem>>
      %dma_start3A_580 = tpu.memref_squeeze %dma_start3A_579 : memref<1x!tpu.dma_semaphore, #tpu.memory_space<semaphore_mem>> -> memref<!tpu.dma_semaphore, #tpu.memory_space<semaphore_mem>>
      %dma_start3A_581 = arith.constant 0 : i32
      %dma_start3A_582 = tpu.memref_slice %arg9[%add3A_570, %dma_start3A_581] : memref<327680x16xf32, #tpu.memory_space<hbm>> -> memref<512x16xf32, #tpu.memory_space<hbm>>
      %dma_start3A_583 = arith.constant 0 : i32
      %dma_start3A_584 = arith.constant 0 : i32
      %dma_start3A_585 = tpu.memref_slice %arg15[%dma_start3A_571, %dma_start3A_583, %dma_start3A_584] : memref<4x512x16xf32, #tpu.memory_space<vmem>> -> memref<1x512x16xf32, #tpu.memory_space<vmem>>
      %dma_start3A_586 = tpu.memref_squeeze %dma_start3A_585 : memref<1x512x16xf32, #tpu.memory_space<vmem>> -> memref<512x16xf32, #tpu.memory_space<vmem>>
      tpu.enqueue_dma source(%dma_start3A_586 : memref<512x16xf32, #tpu.memory_space<vmem>>) target(%dma_start3A_582 : memref<512x16xf32, #tpu.memory_space<hbm>>) target_semaphore(%dma_start3A_580 : memref<!tpu.dma_semaphore, #tpu.memory_space<semaphore_mem>>)
      %dma_wait3A_587 = arith.constant 3 : i32
      %dma_wait3A_588 = arith.constant 3 : i32
      %dma_wait3A_589 = arith.constant 0 : i32
      %dma_wait3A_590 = arith.constant 0 : i32
      %dma_wait3A_591 = tpu.memref_slice %arg15[%dma_wait3A_587, %dma_wait3A_589, %dma_wait3A_590] : memref<4x512x16xf32, #tpu.memory_space<vmem>> -> memref<1x512x16xf32, #tpu.memory_space<vmem>>
      %dma_wait3A_592 = tpu.memref_squeeze %dma_wait3A_591 : memref<1x512x16xf32, #tpu.memory_space<vmem>> -> memref<512x16xf32, #tpu.memory_space<vmem>>
      %dma_wait3A_593 = arith.constant 0 : i32
      %dma_wait3A_594 = tpu.memref_slice %arg9[%mul3A_4, %dma_wait3A_593] : memref<327680x16xf32, #tpu.memory_space<hbm>> -> memref<512x16xf32, #tpu.memory_space<hbm>>
      %dma_wait3A_595 = tpu.memref_slice %arg17[%dma_wait3A_588] : memref<4x!tpu.dma_semaphore, #tpu.memory_space<semaphore_mem>> -> memref<1x!tpu.dma_semaphore, #tpu.memory_space<semaphore_mem>>
      %dma_wait3A_596 = tpu.memref_squeeze %dma_wait3A_595 : memref<1x!tpu.dma_semaphore, #tpu.memory_space<semaphore_mem>> -> memref<!tpu.dma_semaphore, #tpu.memory_space<semaphore_mem>>
      %dma_wait3A_597 = arith.constant 0 : i32
      %dma_wait3A_598 = tpu.memref_slice %arg9[%mul3A_4, %dma_wait3A_597] : memref<327680x16xf32, #tpu.memory_space<hbm>> -> memref<512x16xf32, #tpu.memory_space<hbm>>
      %dma_wait3A_599 = arith.constant 0 : i32
      %dma_wait3A_600 = arith.constant 0 : i32
      %dma_wait3A_601 = tpu.memref_slice %arg15[%dma_wait3A_587, %dma_wait3A_599, %dma_wait3A_600] : memref<4x512x16xf32, #tpu.memory_space<vmem>> -> memref<1x512x16xf32, #tpu.memory_space<vmem>>
      %dma_wait3A_602 = tpu.memref_squeeze %dma_wait3A_601 : memref<1x512x16xf32, #tpu.memory_space<vmem>> -> memref<512x16xf32, #tpu.memory_space<vmem>>
      tpu.wait_dma2 semaphore(%dma_wait3A_596 : memref<!tpu.dma_semaphore, #tpu.memory_space<semaphore_mem>>) src(%dma_wait3A_602 : memref<512x16xf32, #tpu.memory_space<vmem>>) dst(%dma_wait3A_598 : memref<512x16xf32, #tpu.memory_space<hbm>>)
      %add3A_603 = arith.constant 3 : i32
      %add3A_604 = arith.addi %add3A_552, %add3A_603 : i32
      %dma_start3A_605 = arith.constant 3 : i32
      %dma_start3A_606 = arith.constant 3 : i32
      %dma_start3A_607 = arith.constant 0 : i32
      %dma_start3A_608 = arith.constant 0 : i32
      %dma_start3A_609 = tpu.memref_slice %arg15[%dma_start3A_605, %dma_start3A_607, %dma_start3A_608] : memref<4x512x16xf32, #tpu.memory_space<vmem>> -> memref<1x512x16xf32, #tpu.memory_space<vmem>>
      %dma_start3A_610 = tpu.memref_squeeze %dma_start3A_609 : memref<1x512x16xf32, #tpu.memory_space<vmem>> -> memref<512x16xf32, #tpu.memory_space<vmem>>
      %dma_start3A_611 = arith.constant 0 : i32
      %dma_start3A_612 = tpu.memref_slice %arg12[%add3A_604, %dma_start3A_611] : memref<20x512xi32, #tpu.memory_space<vmem>> -> memref<1x512xi32, #tpu.memory_space<vmem>>
      %dma_start3A_613 = tpu.memref_squeeze %dma_start3A_612 : memref<1x512xi32, #tpu.memory_space<vmem>> -> memref<512xi32, #tpu.memory_space<vmem>>
      %dma_start3A_614 = arith.constant 0 : i32
      %dma_start3A_615 = arith.constant 0 : i32
      %dma_start3A_616 = tpu.memref_slice %arg6[%dma_start3A_614, %dma_start3A_615] : memref<1000000x16xf32, #tpu.memory_space<hbm>> -> memref<1000000x16xf32, #tpu.memory_space<hbm>>
      %dma_start3A_617 = tpu.memref_slice %arg16[%dma_start3A_606] : memref<4x!tpu.dma_semaphore, #tpu.memory_space<semaphore_mem>> -> memref<1x!tpu.dma_semaphore, #tpu.memory_space<semaphore_mem>>
      %dma_start3A_618 = tpu.memref_squeeze %dma_start3A_617 : memref<1x!tpu.dma_semaphore, #tpu.memory_space<semaphore_mem>> -> memref<!tpu.dma_semaphore, #tpu.memory_space<semaphore_mem>>
      tpu.enqueue_indirect_dma source(%dma_start3A_616 : memref<1000000x16xf32, #tpu.memory_space<hbm>>) target(%dma_start3A_610 : memref<512x16xf32, #tpu.memory_space<vmem>>) offsets(%dma_start3A_613 : memref<512xi32, #tpu.memory_space<vmem>>) semaphore(%dma_start3A_618 : memref<!tpu.dma_semaphore, #tpu.memory_space<semaphore_mem>>)
      %mul3A_619 = arith.constant 4 : i32
      %mul3A_620 = arith.muli %scan3A_548, %mul3A_619 : i32
      %add3A_621 = arith.constant 1 : i32
      %add3A_622 = arith.addi %mul3A_620, %add3A_621 : i32
      %dma_wait3A_623 = arith.constant 0 : i32
      %dma_wait3A_624 = arith.constant 1 : i32
      %dma_wait3A_625 = arith.constant 1 : i32
      %dma_wait3A_626 = arith.constant 0 : i32
      %dma_wait3A_627 = arith.constant 0 : i32
      %dma_wait3A_628 = tpu.memref_slice %arg15[%dma_wait3A_624, %dma_wait3A_626, %dma_wait3A_627] : memref<4x512x16xf32, #tpu.memory_space<vmem>> -> memref<1x512x16xf32, #tpu.memory_space<vmem>>
      %dma_wait3A_629 = tpu.memref_squeeze %dma_wait3A_628 : memref<1x512x16xf32, #tpu.memory_space<vmem>> -> memref<512x16xf32, #tpu.memory_space<vmem>>
      %dma_wait3A_630 = arith.constant 0 : i32
      %dma_wait3A_631 = tpu.memref_slice %arg12[%dma_wait3A_623, %dma_wait3A_630] : memref<20x512xi32, #tpu.memory_space<vmem>> -> memref<1x512xi32, #tpu.memory_space<vmem>>
      %dma_wait3A_632 = tpu.memref_squeeze %dma_wait3A_631 : memref<1x512xi32, #tpu.memory_space<vmem>> -> memref<512xi32, #tpu.memory_space<vmem>>
      %dma_wait3A_633 = arith.constant 0 : i32
      %dma_wait3A_634 = arith.constant 0 : i32
      %dma_wait3A_635 = tpu.memref_slice %arg6[%dma_wait3A_633, %dma_wait3A_634] : memref<1000000x16xf32, #tpu.memory_space<hbm>> -> memref<1000000x16xf32, #tpu.memory_space<hbm>>
      %dma_wait3A_636 = tpu.memref_slice %arg16[%dma_wait3A_625] : memref<4x!tpu.dma_semaphore, #tpu.memory_space<semaphore_mem>> -> memref<1x!tpu.dma_semaphore, #tpu.memory_space<semaphore_mem>>
      %dma_wait3A_637 = tpu.memref_squeeze %dma_wait3A_636 : memref<1x!tpu.dma_semaphore, #tpu.memory_space<semaphore_mem>> -> memref<!tpu.dma_semaphore, #tpu.memory_space<semaphore_mem>>
      tpu.wait_indirect_dma semaphore(%dma_wait3A_637 : memref<!tpu.dma_semaphore, #tpu.memory_space<semaphore_mem>>) src(%dma_wait3A_635 : memref<1000000x16xf32, #tpu.memory_space<hbm>>) dst(%dma_wait3A_629 : memref<512x16xf32, #tpu.memory_space<vmem>>)
      %mul3A_638 = arith.constant 512 : i32
      %mul3A_639 = arith.muli %add3A_622, %mul3A_638 : i32
      %add3A_640 = arith.addi %mul3A_4, %mul3A_639 : i32
      %dma_start3A_641 = arith.constant 1 : i32
      %dma_start3A_642 = arith.constant 1 : i32
      %dma_start3A_643 = arith.constant 0 : i32
      %dma_start3A_644 = arith.constant 0 : i32
      %dma_start3A_645 = tpu.memref_slice %arg15[%dma_start3A_641, %dma_start3A_643, %dma_start3A_644] : memref<4x512x16xf32, #tpu.memory_space<vmem>> -> memref<1x512x16xf32, #tpu.memory_space<vmem>>
      %dma_start3A_646 = tpu.memref_squeeze %dma_start3A_645 : memref<1x512x16xf32, #tpu.memory_space<vmem>> -> memref<512x16xf32, #tpu.memory_space<vmem>>
      %dma_start3A_647 = arith.constant 0 : i32
      %dma_start3A_648 = tpu.memref_slice %arg9[%add3A_640, %dma_start3A_647] : memref<327680x16xf32, #tpu.memory_space<hbm>> -> memref<512x16xf32, #tpu.memory_space<hbm>>
      %dma_start3A_649 = tpu.memref_slice %arg17[%dma_start3A_642] : memref<4x!tpu.dma_semaphore, #tpu.memory_space<semaphore_mem>> -> memref<1x!tpu.dma_semaphore, #tpu.memory_space<semaphore_mem>>
      %dma_start3A_650 = tpu.memref_squeeze %dma_start3A_649 : memref<1x!tpu.dma_semaphore, #tpu.memory_space<semaphore_mem>> -> memref<!tpu.dma_semaphore, #tpu.memory_space<semaphore_mem>>
      %dma_start3A_651 = arith.constant 0 : i32
      %dma_start3A_652 = tpu.memref_slice %arg9[%add3A_640, %dma_start3A_651] : memref<327680x16xf32, #tpu.memory_space<hbm>> -> memref<512x16xf32, #tpu.memory_space<hbm>>
      %dma_start3A_653 = arith.constant 0 : i32
      %dma_start3A_654 = arith.constant 0 : i32
      %dma_start3A_655 = tpu.memref_slice %arg15[%dma_start3A_641, %dma_start3A_653, %dma_start3A_654] : memref<4x512x16xf32, #tpu.memory_space<vmem>> -> memref<1x512x16xf32, #tpu.memory_space<vmem>>
      %dma_start3A_656 = tpu.memref_squeeze %dma_start3A_655 : memref<1x512x16xf32, #tpu.memory_space<vmem>> -> memref<512x16xf32, #tpu.memory_space<vmem>>
      tpu.enqueue_dma source(%dma_start3A_656 : memref<512x16xf32, #tpu.memory_space<vmem>>) target(%dma_start3A_652 : memref<512x16xf32, #tpu.memory_space<hbm>>) target_semaphore(%dma_start3A_650 : memref<!tpu.dma_semaphore, #tpu.memory_space<semaphore_mem>>)
      %dma_wait3A_657 = arith.constant 0 : i32
      %dma_wait3A_658 = arith.constant 0 : i32
      %dma_wait3A_659 = arith.constant 0 : i32
      %dma_wait3A_660 = arith.constant 0 : i32
      %dma_wait3A_661 = tpu.memref_slice %arg15[%dma_wait3A_657, %dma_wait3A_659, %dma_wait3A_660] : memref<4x512x16xf32, #tpu.memory_space<vmem>> -> memref<1x512x16xf32, #tpu.memory_space<vmem>>
      %dma_wait3A_662 = tpu.memref_squeeze %dma_wait3A_661 : memref<1x512x16xf32, #tpu.memory_space<vmem>> -> memref<512x16xf32, #tpu.memory_space<vmem>>
      %dma_wait3A_663 = arith.constant 0 : i32
      %dma_wait3A_664 = tpu.memref_slice %arg9[%mul3A_4, %dma_wait3A_663] : memref<327680x16xf32, #tpu.memory_space<hbm>> -> memref<512x16xf32, #tpu.memory_space<hbm>>
      %dma_wait3A_665 = tpu.memref_slice %arg17[%dma_wait3A_658] : memref<4x!tpu.dma_semaphore, #tpu.memory_space<semaphore_mem>> -> memref<1x!tpu.dma_semaphore, #tpu.memory_space<semaphore_mem>>
      %dma_wait3A_666 = tpu.memref_squeeze %dma_wait3A_665 : memref<1x!tpu.dma_semaphore, #tpu.memory_space<semaphore_mem>> -> memref<!tpu.dma_semaphore, #tpu.memory_space<semaphore_mem>>
      %dma_wait3A_667 = arith.constant 0 : i32
      %dma_wait3A_668 = tpu.memref_slice %arg9[%mul3A_4, %dma_wait3A_667] : memref<327680x16xf32, #tpu.memory_space<hbm>> -> memref<512x16xf32, #tpu.memory_space<hbm>>
      %dma_wait3A_669 = arith.constant 0 : i32
      %dma_wait3A_670 = arith.constant 0 : i32
      %dma_wait3A_671 = tpu.memref_slice %arg15[%dma_wait3A_657, %dma_wait3A_669, %dma_wait3A_670] : memref<4x512x16xf32, #tpu.memory_space<vmem>> -> memref<1x512x16xf32, #tpu.memory_space<vmem>>
      %dma_wait3A_672 = tpu.memref_squeeze %dma_wait3A_671 : memref<1x512x16xf32, #tpu.memory_space<vmem>> -> memref<512x16xf32, #tpu.memory_space<vmem>>
      tpu.wait_dma2 semaphore(%dma_wait3A_666 : memref<!tpu.dma_semaphore, #tpu.memory_space<semaphore_mem>>) src(%dma_wait3A_672 : memref<512x16xf32, #tpu.memory_space<vmem>>) dst(%dma_wait3A_668 : memref<512x16xf32, #tpu.memory_space<hbm>>)
      %add3A_673 = arith.constant 3 : i32
      %add3A_674 = arith.addi %add3A_622, %add3A_673 : i32
      %dma_start3A_675 = arith.constant 0 : i32
      %dma_start3A_676 = arith.constant 0 : i32
      %dma_start3A_677 = arith.constant 0 : i32
      %dma_start3A_678 = arith.constant 0 : i32
      %dma_start3A_679 = tpu.memref_slice %arg15[%dma_start3A_675, %dma_start3A_677, %dma_start3A_678] : memref<4x512x16xf32, #tpu.memory_space<vmem>> -> memref<1x512x16xf32, #tpu.memory_space<vmem>>
      %dma_start3A_680 = tpu.memref_squeeze %dma_start3A_679 : memref<1x512x16xf32, #tpu.memory_space<vmem>> -> memref<512x16xf32, #tpu.memory_space<vmem>>
      %dma_start3A_681 = arith.constant 0 : i32
      %dma_start3A_682 = tpu.memref_slice %arg12[%add3A_674, %dma_start3A_681] : memref<20x512xi32, #tpu.memory_space<vmem>> -> memref<1x512xi32, #tpu.memory_space<vmem>>
      %dma_start3A_683 = tpu.memref_squeeze %dma_start3A_682 : memref<1x512xi32, #tpu.memory_space<vmem>> -> memref<512xi32, #tpu.memory_space<vmem>>
      %dma_start3A_684 = arith.constant 0 : i32
      %dma_start3A_685 = arith.constant 0 : i32
      %dma_start3A_686 = tpu.memref_slice %arg6[%dma_start3A_684, %dma_start3A_685] : memref<1000000x16xf32, #tpu.memory_space<hbm>> -> memref<1000000x16xf32, #tpu.memory_space<hbm>>
      %dma_start3A_687 = tpu.memref_slice %arg16[%dma_start3A_676] : memref<4x!tpu.dma_semaphore, #tpu.memory_space<semaphore_mem>> -> memref<1x!tpu.dma_semaphore, #tpu.memory_space<semaphore_mem>>
      %dma_start3A_688 = tpu.memref_squeeze %dma_start3A_687 : memref<1x!tpu.dma_semaphore, #tpu.memory_space<semaphore_mem>> -> memref<!tpu.dma_semaphore, #tpu.memory_space<semaphore_mem>>
      tpu.enqueue_indirect_dma source(%dma_start3A_686 : memref<1000000x16xf32, #tpu.memory_space<hbm>>) target(%dma_start3A_680 : memref<512x16xf32, #tpu.memory_space<vmem>>) offsets(%dma_start3A_683 : memref<512xi32, #tpu.memory_space<vmem>>) semaphore(%dma_start3A_688 : memref<!tpu.dma_semaphore, #tpu.memory_space<semaphore_mem>>)
      %mul3A_689 = arith.constant 4 : i32
      %mul3A_690 = arith.muli %scan3A_548, %mul3A_689 : i32
      %add3A_691 = arith.constant 2 : i32
      %add3A_692 = arith.addi %mul3A_690, %add3A_691 : i32
      %dma_wait3A_693 = arith.constant 0 : i32
      %dma_wait3A_694 = arith.constant 2 : i32
      %dma_wait3A_695 = arith.constant 2 : i32
      %dma_wait3A_696 = arith.constant 0 : i32
      %dma_wait3A_697 = arith.constant 0 : i32
      %dma_wait3A_698 = tpu.memref_slice %arg15[%dma_wait3A_694, %dma_wait3A_696, %dma_wait3A_697] : memref<4x512x16xf32, #tpu.memory_space<vmem>> -> memref<1x512x16xf32, #tpu.memory_space<vmem>>
      %dma_wait3A_699 = tpu.memref_squeeze %dma_wait3A_698 : memref<1x512x16xf32, #tpu.memory_space<vmem>> -> memref<512x16xf32, #tpu.memory_space<vmem>>
      %dma_wait3A_700 = arith.constant 0 : i32
      %dma_wait3A_701 = tpu.memref_slice %arg12[%dma_wait3A_693, %dma_wait3A_700] : memref<20x512xi32, #tpu.memory_space<vmem>> -> memref<1x512xi32, #tpu.memory_space<vmem>>
      %dma_wait3A_702 = tpu.memref_squeeze %dma_wait3A_701 : memref<1x512xi32, #tpu.memory_space<vmem>> -> memref<512xi32, #tpu.memory_space<vmem>>
      %dma_wait3A_703 = arith.constant 0 : i32
      %dma_wait3A_704 = arith.constant 0 : i32
      %dma_wait3A_705 = tpu.memref_slice %arg6[%dma_wait3A_703, %dma_wait3A_704] : memref<1000000x16xf32, #tpu.memory_space<hbm>> -> memref<1000000x16xf32, #tpu.memory_space<hbm>>
      %dma_wait3A_706 = tpu.memref_slice %arg16[%dma_wait3A_695] : memref<4x!tpu.dma_semaphore, #tpu.memory_space<semaphore_mem>> -> memref<1x!tpu.dma_semaphore, #tpu.memory_space<semaphore_mem>>
      %dma_wait3A_707 = tpu.memref_squeeze %dma_wait3A_706 : memref<1x!tpu.dma_semaphore, #tpu.memory_space<semaphore_mem>> -> memref<!tpu.dma_semaphore, #tpu.memory_space<semaphore_mem>>
      tpu.wait_indirect_dma semaphore(%dma_wait3A_707 : memref<!tpu.dma_semaphore, #tpu.memory_space<semaphore_mem>>) src(%dma_wait3A_705 : memref<1000000x16xf32, #tpu.memory_space<hbm>>) dst(%dma_wait3A_699 : memref<512x16xf32, #tpu.memory_space<vmem>>)
      %mul3A_708 = arith.constant 512 : i32
      %mul3A_709 = arith.muli %add3A_692, %mul3A_708 : i32
      %add3A_710 = arith.addi %mul3A_4, %mul3A_709 : i32
      %dma_start3A_711 = arith.constant 2 : i32
      %dma_start3A_712 = arith.constant 2 : i32
      %dma_start3A_713 = arith.constant 0 : i32
      %dma_start3A_714 = arith.constant 0 : i32
      %dma_start3A_715 = tpu.memref_slice %arg15[%dma_start3A_711, %dma_start3A_713, %dma_start3A_714] : memref<4x512x16xf32, #tpu.memory_space<vmem>> -> memref<1x512x16xf32, #tpu.memory_space<vmem>>
      %dma_start3A_716 = tpu.memref_squeeze %dma_start3A_715 : memref<1x512x16xf32, #tpu.memory_space<vmem>> -> memref<512x16xf32, #tpu.memory_space<vmem>>
      %dma_start3A_717 = arith.constant 0 : i32
      %dma_start3A_718 = tpu.memref_slice %arg9[%add3A_710, %dma_start3A_717] : memref<327680x16xf32, #tpu.memory_space<hbm>> -> memref<512x16xf32, #tpu.memory_space<hbm>>
      %dma_start3A_719 = tpu.memref_slice %arg17[%dma_start3A_712] : memref<4x!tpu.dma_semaphore, #tpu.memory_space<semaphore_mem>> -> memref<1x!tpu.dma_semaphore, #tpu.memory_space<semaphore_mem>>
      %dma_start3A_720 = tpu.memref_squeeze %dma_start3A_719 : memref<1x!tpu.dma_semaphore, #tpu.memory_space<semaphore_mem>> -> memref<!tpu.dma_semaphore, #tpu.memory_space<semaphore_mem>>
      %dma_start3A_721 = arith.constant 0 : i32
      %dma_start3A_722 = tpu.memref_slice %arg9[%add3A_710, %dma_start3A_721] : memref<327680x16xf32, #tpu.memory_space<hbm>> -> memref<512x16xf32, #tpu.memory_space<hbm>>
      %dma_start3A_723 = arith.constant 0 : i32
      %dma_start3A_724 = arith.constant 0 : i32
      %dma_start3A_725 = tpu.memref_slice %arg15[%dma_start3A_711, %dma_start3A_723, %dma_start3A_724] : memref<4x512x16xf32, #tpu.memory_space<vmem>> -> memref<1x512x16xf32, #tpu.memory_space<vmem>>
      %dma_start3A_726 = tpu.memref_squeeze %dma_start3A_725 : memref<1x512x16xf32, #tpu.memory_space<vmem>> -> memref<512x16xf32, #tpu.memory_space<vmem>>
      tpu.enqueue_dma source(%dma_start3A_726 : memref<512x16xf32, #tpu.memory_space<vmem>>) target(%dma_start3A_722 : memref<512x16xf32, #tpu.memory_space<hbm>>) target_semaphore(%dma_start3A_720 : memref<!tpu.dma_semaphore, #tpu.memory_space<semaphore_mem>>)
      %dma_wait3A_727 = arith.constant 1 : i32
      %dma_wait3A_728 = arith.constant 1 : i32
      %dma_wait3A_729 = arith.constant 0 : i32
      %dma_wait3A_730 = arith.constant 0 : i32
      %dma_wait3A_731 = tpu.memref_slice %arg15[%dma_wait3A_727, %dma_wait3A_729, %dma_wait3A_730] : memref<4x512x16xf32, #tpu.memory_space<vmem>> -> memref<1x512x16xf32, #tpu.memory_space<vmem>>
      %dma_wait3A_732 = tpu.memref_squeeze %dma_wait3A_731 : memref<1x512x16xf32, #tpu.memory_space<vmem>> -> memref<512x16xf32, #tpu.memory_space<vmem>>
      %dma_wait3A_733 = arith.constant 0 : i32
      %dma_wait3A_734 = tpu.memref_slice %arg9[%mul3A_4, %dma_wait3A_733] : memref<327680x16xf32, #tpu.memory_space<hbm>> -> memref<512x16xf32, #tpu.memory_space<hbm>>
      %dma_wait3A_735 = tpu.memref_slice %arg17[%dma_wait3A_728] : memref<4x!tpu.dma_semaphore, #tpu.memory_space<semaphore_mem>> -> memref<1x!tpu.dma_semaphore, #tpu.memory_space<semaphore_mem>>
      %dma_wait3A_736 = tpu.memref_squeeze %dma_wait3A_735 : memref<1x!tpu.dma_semaphore, #tpu.memory_space<semaphore_mem>> -> memref<!tpu.dma_semaphore, #tpu.memory_space<semaphore_mem>>
      %dma_wait3A_737 = arith.constant 0 : i32
      %dma_wait3A_738 = tpu.memref_slice %arg9[%mul3A_4, %dma_wait3A_737] : memref<327680x16xf32, #tpu.memory_space<hbm>> -> memref<512x16xf32, #tpu.memory_space<hbm>>
      %dma_wait3A_739 = arith.constant 0 : i32
      %dma_wait3A_740 = arith.constant 0 : i32
      %dma_wait3A_741 = tpu.memref_slice %arg15[%dma_wait3A_727, %dma_wait3A_739, %dma_wait3A_740] : memref<4x512x16xf32, #tpu.memory_space<vmem>> -> memref<1x512x16xf32, #tpu.memory_space<vmem>>
      %dma_wait3A_742 = tpu.memref_squeeze %dma_wait3A_741 : memref<1x512x16xf32, #tpu.memory_space<vmem>> -> memref<512x16xf32, #tpu.memory_space<vmem>>
      tpu.wait_dma2 semaphore(%dma_wait3A_736 : memref<!tpu.dma_semaphore, #tpu.memory_space<semaphore_mem>>) src(%dma_wait3A_742 : memref<512x16xf32, #tpu.memory_space<vmem>>) dst(%dma_wait3A_738 : memref<512x16xf32, #tpu.memory_space<hbm>>)
      %add3A_743 = arith.constant 3 : i32
      %add3A_744 = arith.addi %add3A_692, %add3A_743 : i32
      %dma_start3A_745 = arith.constant 1 : i32
      %dma_start3A_746 = arith.constant 1 : i32
      %dma_start3A_747 = arith.constant 0 : i32
      %dma_start3A_748 = arith.constant 0 : i32
      %dma_start3A_749 = tpu.memref_slice %arg15[%dma_start3A_745, %dma_start3A_747, %dma_start3A_748] : memref<4x512x16xf32, #tpu.memory_space<vmem>> -> memref<1x512x16xf32, #tpu.memory_space<vmem>>
      %dma_start3A_750 = tpu.memref_squeeze %dma_start3A_749 : memref<1x512x16xf32, #tpu.memory_space<vmem>> -> memref<512x16xf32, #tpu.memory_space<vmem>>
      %dma_start3A_751 = arith.constant 0 : i32
      %dma_start3A_752 = tpu.memref_slice %arg12[%add3A_744, %dma_start3A_751] : memref<20x512xi32, #tpu.memory_space<vmem>> -> memref<1x512xi32, #tpu.memory_space<vmem>>
      %dma_start3A_753 = tpu.memref_squeeze %dma_start3A_752 : memref<1x512xi32, #tpu.memory_space<vmem>> -> memref<512xi32, #tpu.memory_space<vmem>>
      %dma_start3A_754 = arith.constant 0 : i32
      %dma_start3A_755 = arith.constant 0 : i32
      %dma_start3A_756 = tpu.memref_slice %arg6[%dma_start3A_754, %dma_start3A_755] : memref<1000000x16xf32, #tpu.memory_space<hbm>> -> memref<1000000x16xf32, #tpu.memory_space<hbm>>
      %dma_start3A_757 = tpu.memref_slice %arg16[%dma_start3A_746] : memref<4x!tpu.dma_semaphore, #tpu.memory_space<semaphore_mem>> -> memref<1x!tpu.dma_semaphore, #tpu.memory_space<semaphore_mem>>
      %dma_start3A_758 = tpu.memref_squeeze %dma_start3A_757 : memref<1x!tpu.dma_semaphore, #tpu.memory_space<semaphore_mem>> -> memref<!tpu.dma_semaphore, #tpu.memory_space<semaphore_mem>>
      tpu.enqueue_indirect_dma source(%dma_start3A_756 : memref<1000000x16xf32, #tpu.memory_space<hbm>>) target(%dma_start3A_750 : memref<512x16xf32, #tpu.memory_space<vmem>>) offsets(%dma_start3A_753 : memref<512xi32, #tpu.memory_space<vmem>>) semaphore(%dma_start3A_758 : memref<!tpu.dma_semaphore, #tpu.memory_space<semaphore_mem>>)
      %mul3A_759 = arith.constant 4 : i32
      %mul3A_760 = arith.muli %scan3A_548, %mul3A_759 : i32
      %add3A_761 = arith.constant 3 : i32
      %add3A_762 = arith.addi %mul3A_760, %add3A_761 : i32
      %dma_wait3A_763 = arith.constant 0 : i32
      %dma_wait3A_764 = arith.constant 3 : i32
      %dma_wait3A_765 = arith.constant 3 : i32
      %dma_wait3A_766 = arith.constant 0 : i32
      %dma_wait3A_767 = arith.constant 0 : i32
      %dma_wait3A_768 = tpu.memref_slice %arg15[%dma_wait3A_764, %dma_wait3A_766, %dma_wait3A_767] : memref<4x512x16xf32, #tpu.memory_space<vmem>> -> memref<1x512x16xf32, #tpu.memory_space<vmem>>
      %dma_wait3A_769 = tpu.memref_squeeze %dma_wait3A_768 : memref<1x512x16xf32, #tpu.memory_space<vmem>> -> memref<512x16xf32, #tpu.memory_space<vmem>>
      %dma_wait3A_770 = arith.constant 0 : i32
      %dma_wait3A_771 = tpu.memref_slice %arg12[%dma_wait3A_763, %dma_wait3A_770] : memref<20x512xi32, #tpu.memory_space<vmem>> -> memref<1x512xi32, #tpu.memory_space<vmem>>
      %dma_wait3A_772 = tpu.memref_squeeze %dma_wait3A_771 : memref<1x512xi32, #tpu.memory_space<vmem>> -> memref<512xi32, #tpu.memory_space<vmem>>
      %dma_wait3A_773 = arith.constant 0 : i32
      %dma_wait3A_774 = arith.constant 0 : i32
      %dma_wait3A_775 = tpu.memref_slice %arg6[%dma_wait3A_773, %dma_wait3A_774] : memref<1000000x16xf32, #tpu.memory_space<hbm>> -> memref<1000000x16xf32, #tpu.memory_space<hbm>>
      %dma_wait3A_776 = tpu.memref_slice %arg16[%dma_wait3A_765] : memref<4x!tpu.dma_semaphore, #tpu.memory_space<semaphore_mem>> -> memref<1x!tpu.dma_semaphore, #tpu.memory_space<semaphore_mem>>
      %dma_wait3A_777 = tpu.memref_squeeze %dma_wait3A_776 : memref<1x!tpu.dma_semaphore, #tpu.memory_space<semaphore_mem>> -> memref<!tpu.dma_semaphore, #tpu.memory_space<semaphore_mem>>
      tpu.wait_indirect_dma semaphore(%dma_wait3A_777 : memref<!tpu.dma_semaphore, #tpu.memory_space<semaphore_mem>>) src(%dma_wait3A_775 : memref<1000000x16xf32, #tpu.memory_space<hbm>>) dst(%dma_wait3A_769 : memref<512x16xf32, #tpu.memory_space<vmem>>)
      %mul3A_778 = arith.constant 512 : i32
      %mul3A_779 = arith.muli %add3A_762, %mul3A_778 : i32
      %add3A_780 = arith.addi %mul3A_4, %mul3A_779 : i32
      %dma_start3A_781 = arith.constant 3 : i32
      %dma_start3A_782 = arith.constant 3 : i32
      %dma_start3A_783 = arith.constant 0 : i32
      %dma_start3A_784 = arith.constant 0 : i32
      %dma_start3A_785 = tpu.memref_slice %arg15[%dma_start3A_781, %dma_start3A_783, %dma_start3A_784] : memref<4x512x16xf32, #tpu.memory_space<vmem>> -> memref<1x512x16xf32, #tpu.memory_space<vmem>>
      %dma_start3A_786 = tpu.memref_squeeze %dma_start3A_785 : memref<1x512x16xf32, #tpu.memory_space<vmem>> -> memref<512x16xf32, #tpu.memory_space<vmem>>
      %dma_start3A_787 = arith.constant 0 : i32
      %dma_start3A_788 = tpu.memref_slice %arg9[%add3A_780, %dma_start3A_787] : memref<327680x16xf32, #tpu.memory_space<hbm>> -> memref<512x16xf32, #tpu.memory_space<hbm>>
      %dma_start3A_789 = tpu.memref_slice %arg17[%dma_start3A_782] : memref<4x!tpu.dma_semaphore, #tpu.memory_space<semaphore_mem>> -> memref<1x!tpu.dma_semaphore, #tpu.memory_space<semaphore_mem>>
      %dma_start3A_790 = tpu.memref_squeeze %dma_start3A_789 : memref<1x!tpu.dma_semaphore, #tpu.memory_space<semaphore_mem>> -> memref<!tpu.dma_semaphore, #tpu.memory_space<semaphore_mem>>
      %dma_start3A_791 = arith.constant 0 : i32
      %dma_start3A_792 = tpu.memref_slice %arg9[%add3A_780, %dma_start3A_791] : memref<327680x16xf32, #tpu.memory_space<hbm>> -> memref<512x16xf32, #tpu.memory_space<hbm>>
      %dma_start3A_793 = arith.constant 0 : i32
      %dma_start3A_794 = arith.constant 0 : i32
      %dma_start3A_795 = tpu.memref_slice %arg15[%dma_start3A_781, %dma_start3A_793, %dma_start3A_794] : memref<4x512x16xf32, #tpu.memory_space<vmem>> -> memref<1x512x16xf32, #tpu.memory_space<vmem>>
      %dma_start3A_796 = tpu.memref_squeeze %dma_start3A_795 : memref<1x512x16xf32, #tpu.memory_space<vmem>> -> memref<512x16xf32, #tpu.memory_space<vmem>>
      tpu.enqueue_dma source(%dma_start3A_796 : memref<512x16xf32, #tpu.memory_space<vmem>>) target(%dma_start3A_792 : memref<512x16xf32, #tpu.memory_space<hbm>>) target_semaphore(%dma_start3A_790 : memref<!tpu.dma_semaphore, #tpu.memory_space<semaphore_mem>>)
      %dma_wait3A_797 = arith.constant 2 : i32
      %dma_wait3A_798 = arith.constant 2 : i32
      %dma_wait3A_799 = arith.constant 0 : i32
      %dma_wait3A_800 = arith.constant 0 : i32
      %dma_wait3A_801 = tpu.memref_slice %arg15[%dma_wait3A_797, %dma_wait3A_799, %dma_wait3A_800] : memref<4x512x16xf32, #tpu.memory_space<vmem>> -> memref<1x512x16xf32, #tpu.memory_space<vmem>>
      %dma_wait3A_802 = tpu.memref_squeeze %dma_wait3A_801 : memref<1x512x16xf32, #tpu.memory_space<vmem>> -> memref<512x16xf32, #tpu.memory_space<vmem>>
      %dma_wait3A_803 = arith.constant 0 : i32
      %dma_wait3A_804 = tpu.memref_slice %arg9[%mul3A_4, %dma_wait3A_803] : memref<327680x16xf32, #tpu.memory_space<hbm>> -> memref<512x16xf32, #tpu.memory_space<hbm>>
      %dma_wait3A_805 = tpu.memref_slice %arg17[%dma_wait3A_798] : memref<4x!tpu.dma_semaphore, #tpu.memory_space<semaphore_mem>> -> memref<1x!tpu.dma_semaphore, #tpu.memory_space<semaphore_mem>>
      %dma_wait3A_806 = tpu.memref_squeeze %dma_wait3A_805 : memref<1x!tpu.dma_semaphore, #tpu.memory_space<semaphore_mem>> -> memref<!tpu.dma_semaphore, #tpu.memory_space<semaphore_mem>>
      %dma_wait3A_807 = arith.constant 0 : i32
      %dma_wait3A_808 = tpu.memref_slice %arg9[%mul3A_4, %dma_wait3A_807] : memref<327680x16xf32, #tpu.memory_space<hbm>> -> memref<512x16xf32, #tpu.memory_space<hbm>>
      %dma_wait3A_809 = arith.constant 0 : i32
      %dma_wait3A_810 = arith.constant 0 : i32
      %dma_wait3A_811 = tpu.memref_slice %arg15[%dma_wait3A_797, %dma_wait3A_809, %dma_wait3A_810] : memref<4x512x16xf32, #tpu.memory_space<vmem>> -> memref<1x512x16xf32, #tpu.memory_space<vmem>>
      %dma_wait3A_812 = tpu.memref_squeeze %dma_wait3A_811 : memref<1x512x16xf32, #tpu.memory_space<vmem>> -> memref<512x16xf32, #tpu.memory_space<vmem>>
      tpu.wait_dma2 semaphore(%dma_wait3A_806 : memref<!tpu.dma_semaphore, #tpu.memory_space<semaphore_mem>>) src(%dma_wait3A_812 : memref<512x16xf32, #tpu.memory_space<vmem>>) dst(%dma_wait3A_808 : memref<512x16xf32, #tpu.memory_space<hbm>>)
      %add3A_813 = arith.constant 3 : i32
      %add3A_814 = arith.addi %add3A_762, %add3A_813 : i32
      %dma_start3A_815 = arith.constant 2 : i32
      %dma_start3A_816 = arith.constant 2 : i32
      %dma_start3A_817 = arith.constant 0 : i32
      %dma_start3A_818 = arith.constant 0 : i32
      %dma_start3A_819 = tpu.memref_slice %arg15[%dma_start3A_815, %dma_start3A_817, %dma_start3A_818] : memref<4x512x16xf32, #tpu.memory_space<vmem>> -> memref<1x512x16xf32, #tpu.memory_space<vmem>>
      %dma_start3A_820 = tpu.memref_squeeze %dma_start3A_819 : memref<1x512x16xf32, #tpu.memory_space<vmem>> -> memref<512x16xf32, #tpu.memory_space<vmem>>
      %dma_start3A_821 = arith.constant 0 : i32
      %dma_start3A_822 = tpu.memref_slice %arg12[%add3A_814, %dma_start3A_821] : memref<20x512xi32, #tpu.memory_space<vmem>> -> memref<1x512xi32, #tpu.memory_space<vmem>>
      %dma_start3A_823 = tpu.memref_squeeze %dma_start3A_822 : memref<1x512xi32, #tpu.memory_space<vmem>> -> memref<512xi32, #tpu.memory_space<vmem>>
      %dma_start3A_824 = arith.constant 0 : i32
      %dma_start3A_825 = arith.constant 0 : i32
      %dma_start3A_826 = tpu.memref_slice %arg6[%dma_start3A_824, %dma_start3A_825] : memref<1000000x16xf32, #tpu.memory_space<hbm>> -> memref<1000000x16xf32, #tpu.memory_space<hbm>>
      %dma_start3A_827 = tpu.memref_slice %arg16[%dma_start3A_816] : memref<4x!tpu.dma_semaphore, #tpu.memory_space<semaphore_mem>> -> memref<1x!tpu.dma_semaphore, #tpu.memory_space<semaphore_mem>>
      %dma_start3A_828 = tpu.memref_squeeze %dma_start3A_827 : memref<1x!tpu.dma_semaphore, #tpu.memory_space<semaphore_mem>> -> memref<!tpu.dma_semaphore, #tpu.memory_space<semaphore_mem>>
      tpu.enqueue_indirect_dma source(%dma_start3A_826 : memref<1000000x16xf32, #tpu.memory_space<hbm>>) target(%dma_start3A_820 : memref<512x16xf32, #tpu.memory_space<vmem>>) offsets(%dma_start3A_823 : memref<512xi32, #tpu.memory_space<vmem>>) semaphore(%dma_start3A_828 : memref<!tpu.dma_semaphore, #tpu.memory_space<semaphore_mem>>)
    }
    %scan3A_298 = arith.constant 3 : i32
    %dma_wait3A_299 = arith.constant 0 : i32
    %dma_wait3A_300 = arith.constant 0 : i32
    %dma_wait3A_301 = arith.constant 0 : i32
    %dma_wait3A_302 = arith.constant 0 : i32
    %dma_wait3A_303 = arith.constant 0 : i32
    %dma_wait3A_304 = tpu.memref_slice %arg15[%dma_wait3A_300, %dma_wait3A_302, %dma_wait3A_303] : memref<4x512x16xf32, #tpu.memory_space<vmem>> -> memref<1x512x16xf32, #tpu.memory_space<vmem>>
    %dma_wait3A_305 = tpu.memref_squeeze %dma_wait3A_304 : memref<1x512x16xf32, #tpu.memory_space<vmem>> -> memref<512x16xf32, #tpu.memory_space<vmem>>
    %dma_wait3A_306 = arith.constant 0 : i32
    %dma_wait3A_307 = tpu.memref_slice %arg12[%dma_wait3A_299, %dma_wait3A_306] : memref<20x512xi32, #tpu.memory_space<vmem>> -> memref<1x512xi32, #tpu.memory_space<vmem>>
    %dma_wait3A_308 = tpu.memref_squeeze %dma_wait3A_307 : memref<1x512xi32, #tpu.memory_space<vmem>> -> memref<512xi32, #tpu.memory_space<vmem>>
    %dma_wait3A_309 = arith.constant 0 : i32
    %dma_wait3A_310 = arith.constant 0 : i32
    %dma_wait3A_311 = tpu.memref_slice %arg6[%dma_wait3A_309, %dma_wait3A_310] : memref<1000000x16xf32, #tpu.memory_space<hbm>> -> memref<1000000x16xf32, #tpu.memory_space<hbm>>
    %dma_wait3A_312 = tpu.memref_slice %arg16[%dma_wait3A_301] : memref<4x!tpu.dma_semaphore, #tpu.memory_space<semaphore_mem>> -> memref<1x!tpu.dma_semaphore, #tpu.memory_space<semaphore_mem>>
    %dma_wait3A_313 = tpu.memref_squeeze %dma_wait3A_312 : memref<1x!tpu.dma_semaphore, #tpu.memory_space<semaphore_mem>> -> memref<!tpu.dma_semaphore, #tpu.memory_space<semaphore_mem>>
    tpu.wait_indirect_dma semaphore(%dma_wait3A_313 : memref<!tpu.dma_semaphore, #tpu.memory_space<semaphore_mem>>) src(%dma_wait3A_311 : memref<1000000x16xf32, #tpu.memory_space<hbm>>) dst(%dma_wait3A_305 : memref<512x16xf32, #tpu.memory_space<vmem>>)
    %add3A_314 = arith.constant 8192 : i32
    %add3A_315 = arith.addi %mul3A_4, %add3A_314 : i32
    %dma_start3A_316 = arith.constant 0 : i32
    %dma_start3A_317 = arith.constant 0 : i32
    %dma_start3A_318 = arith.constant 0 : i32
    %dma_start3A_319 = arith.constant 0 : i32
    %dma_start3A_320 = tpu.memref_slice %arg15[%dma_start3A_316, %dma_start3A_318, %dma_start3A_319] : memref<4x512x16xf32, #tpu.memory_space<vmem>> -> memref<1x512x16xf32, #tpu.memory_space<vmem>>
    %dma_start3A_321 = tpu.memref_squeeze %dma_start3A_320 : memref<1x512x16xf32, #tpu.memory_space<vmem>> -> memref<512x16xf32, #tpu.memory_space<vmem>>
    %dma_start3A_322 = arith.constant 0 : i32
    %dma_start3A_323 = tpu.memref_slice %arg9[%add3A_315, %dma_start3A_322] : memref<327680x16xf32, #tpu.memory_space<hbm>> -> memref<512x16xf32, #tpu.memory_space<hbm>>
    %dma_start3A_324 = tpu.memref_slice %arg17[%dma_start3A_317] : memref<4x!tpu.dma_semaphore, #tpu.memory_space<semaphore_mem>> -> memref<1x!tpu.dma_semaphore, #tpu.memory_space<semaphore_mem>>
    %dma_start3A_325 = tpu.memref_squeeze %dma_start3A_324 : memref<1x!tpu.dma_semaphore, #tpu.memory_space<semaphore_mem>> -> memref<!tpu.dma_semaphore, #tpu.memory_space<semaphore_mem>>
    %dma_start3A_326 = arith.constant 0 : i32
    %dma_start3A_327 = tpu.memref_slice %arg9[%add3A_315, %dma_start3A_326] : memref<327680x16xf32, #tpu.memory_space<hbm>> -> memref<512x16xf32, #tpu.memory_space<hbm>>
    %dma_start3A_328 = arith.constant 0 : i32
    %dma_start3A_329 = arith.constant 0 : i32
    %dma_start3A_330 = tpu.memref_slice %arg15[%dma_start3A_316, %dma_start3A_328, %dma_start3A_329] : memref<4x512x16xf32, #tpu.memory_space<vmem>> -> memref<1x512x16xf32, #tpu.memory_space<vmem>>
    %dma_start3A_331 = tpu.memref_squeeze %dma_start3A_330 : memref<1x512x16xf32, #tpu.memory_space<vmem>> -> memref<512x16xf32, #tpu.memory_space<vmem>>
    tpu.enqueue_dma source(%dma_start3A_331 : memref<512x16xf32, #tpu.memory_space<vmem>>) target(%dma_start3A_327 : memref<512x16xf32, #tpu.memory_space<hbm>>) target_semaphore(%dma_start3A_325 : memref<!tpu.dma_semaphore, #tpu.memory_space<semaphore_mem>>)
    %dma_wait3A_332 = arith.constant 3 : i32
    %dma_wait3A_333 = arith.constant 3 : i32
    %dma_wait3A_334 = arith.constant 0 : i32
    %dma_wait3A_335 = arith.constant 0 : i32
    %dma_wait3A_336 = tpu.memref_slice %arg15[%dma_wait3A_332, %dma_wait3A_334, %dma_wait3A_335] : memref<4x512x16xf32, #tpu.memory_space<vmem>> -> memref<1x512x16xf32, #tpu.memory_space<vmem>>
    %dma_wait3A_337 = tpu.memref_squeeze %dma_wait3A_336 : memref<1x512x16xf32, #tpu.memory_space<vmem>> -> memref<512x16xf32, #tpu.memory_space<vmem>>
    %dma_wait3A_338 = arith.constant 0 : i32
    %dma_wait3A_339 = tpu.memref_slice %arg9[%mul3A_4, %dma_wait3A_338] : memref<327680x16xf32, #tpu.memory_space<hbm>> -> memref<512x16xf32, #tpu.memory_space<hbm>>
    %dma_wait3A_340 = tpu.memref_slice %arg17[%dma_wait3A_333] : memref<4x!tpu.dma_semaphore, #tpu.memory_space<semaphore_mem>> -> memref<1x!tpu.dma_semaphore, #tpu.memory_space<semaphore_mem>>
    %dma_wait3A_341 = tpu.memref_squeeze %dma_wait3A_340 : memref<1x!tpu.dma_semaphore, #tpu.memory_space<semaphore_mem>> -> memref<!tpu.dma_semaphore, #tpu.memory_space<semaphore_mem>>
    %dma_wait3A_342 = arith.constant 0 : i32
    %dma_wait3A_343 = tpu.memref_slice %arg9[%mul3A_4, %dma_wait3A_342] : memref<327680x16xf32, #tpu.memory_space<hbm>> -> memref<512x16xf32, #tpu.memory_space<hbm>>
    %dma_wait3A_344 = arith.constant 0 : i32
    %dma_wait3A_345 = arith.constant 0 : i32
    %dma_wait3A_346 = tpu.memref_slice %arg15[%dma_wait3A_332, %dma_wait3A_344, %dma_wait3A_345] : memref<4x512x16xf32, #tpu.memory_space<vmem>> -> memref<1x512x16xf32, #tpu.memory_space<vmem>>
    %dma_wait3A_347 = tpu.memref_squeeze %dma_wait3A_346 : memref<1x512x16xf32, #tpu.memory_space<vmem>> -> memref<512x16xf32, #tpu.memory_space<vmem>>
    tpu.wait_dma2 semaphore(%dma_wait3A_341 : memref<!tpu.dma_semaphore, #tpu.memory_space<semaphore_mem>>) src(%dma_wait3A_347 : memref<512x16xf32, #tpu.memory_space<vmem>>) dst(%dma_wait3A_343 : memref<512x16xf32, #tpu.memory_space<hbm>>)
    %dma_start3A_348 = arith.constant 19 : i32
    %dma_start3A_349 = arith.constant 3 : i32
    %dma_start3A_350 = arith.constant 3 : i32
    %dma_start3A_351 = arith.constant 0 : i32
    %dma_start3A_352 = arith.constant 0 : i32
    %dma_start3A_353 = tpu.memref_slice %arg15[%dma_start3A_349, %dma_start3A_351, %dma_start3A_352] : memref<4x512x16xf32, #tpu.memory_space<vmem>> -> memref<1x512x16xf32, #tpu.memory_space<vmem>>
    %dma_start3A_354 = tpu.memref_squeeze %dma_start3A_353 : memref<1x512x16xf32, #tpu.memory_space<vmem>> -> memref<512x16xf32, #tpu.memory_space<vmem>>
    %dma_start3A_355 = arith.constant 0 : i32
    %dma_start3A_356 = tpu.memref_slice %arg12[%dma_start3A_348, %dma_start3A_355] : memref<20x512xi32, #tpu.memory_space<vmem>> -> memref<1x512xi32, #tpu.memory_space<vmem>>
    %dma_start3A_357 = tpu.memref_squeeze %dma_start3A_356 : memref<1x512xi32, #tpu.memory_space<vmem>> -> memref<512xi32, #tpu.memory_space<vmem>>
    %dma_start3A_358 = arith.constant 0 : i32
    %dma_start3A_359 = arith.constant 0 : i32
    %dma_start3A_360 = tpu.memref_slice %arg6[%dma_start3A_358, %dma_start3A_359] : memref<1000000x16xf32, #tpu.memory_space<hbm>> -> memref<1000000x16xf32, #tpu.memory_space<hbm>>
    %dma_start3A_361 = tpu.memref_slice %arg16[%dma_start3A_350] : memref<4x!tpu.dma_semaphore, #tpu.memory_space<semaphore_mem>> -> memref<1x!tpu.dma_semaphore, #tpu.memory_space<semaphore_mem>>
    %dma_start3A_362 = tpu.memref_squeeze %dma_start3A_361 : memref<1x!tpu.dma_semaphore, #tpu.memory_space<semaphore_mem>> -> memref<!tpu.dma_semaphore, #tpu.memory_space<semaphore_mem>>
    tpu.enqueue_indirect_dma source(%dma_start3A_360 : memref<1000000x16xf32, #tpu.memory_space<hbm>>) target(%dma_start3A_354 : memref<512x16xf32, #tpu.memory_space<vmem>>) offsets(%dma_start3A_357 : memref<512xi32, #tpu.memory_space<vmem>>) semaphore(%dma_start3A_362 : memref<!tpu.dma_semaphore, #tpu.memory_space<semaphore_mem>>)
    %dma_wait3A_363 = arith.constant 0 : i32
    %dma_wait3A_364 = arith.constant 1 : i32
    %dma_wait3A_365 = arith.constant 1 : i32
    %dma_wait3A_366 = arith.constant 0 : i32
    %dma_wait3A_367 = arith.constant 0 : i32
    %dma_wait3A_368 = tpu.memref_slice %arg15[%dma_wait3A_364, %dma_wait3A_366, %dma_wait3A_367] : memref<4x512x16xf32, #tpu.memory_space<vmem>> -> memref<1x512x16xf32, #tpu.memory_space<vmem>>
    %dma_wait3A_369 = tpu.memref_squeeze %dma_wait3A_368 : memref<1x512x16xf32, #tpu.memory_space<vmem>> -> memref<512x16xf32, #tpu.memory_space<vmem>>
    %dma_wait3A_370 = arith.constant 0 : i32
    %dma_wait3A_371 = tpu.memref_slice %arg12[%dma_wait3A_363, %dma_wait3A_370] : memref<20x512xi32, #tpu.memory_space<vmem>> -> memref<1x512xi32, #tpu.memory_space<vmem>>
    %dma_wait3A_372 = tpu.memref_squeeze %dma_wait3A_371 : memref<1x512xi32, #tpu.memory_space<vmem>> -> memref<512xi32, #tpu.memory_space<vmem>>
    %dma_wait3A_373 = arith.constant 0 : i32
    %dma_wait3A_374 = arith.constant 0 : i32
    %dma_wait3A_375 = tpu.memref_slice %arg6[%dma_wait3A_373, %dma_wait3A_374] : memref<1000000x16xf32, #tpu.memory_space<hbm>> -> memref<1000000x16xf32, #tpu.memory_space<hbm>>
    %dma_wait3A_376 = tpu.memref_slice %arg16[%dma_wait3A_365] : memref<4x!tpu.dma_semaphore, #tpu.memory_space<semaphore_mem>> -> memref<1x!tpu.dma_semaphore, #tpu.memory_space<semaphore_mem>>
    %dma_wait3A_377 = tpu.memref_squeeze %dma_wait3A_376 : memref<1x!tpu.dma_semaphore, #tpu.memory_space<semaphore_mem>> -> memref<!tpu.dma_semaphore, #tpu.memory_space<semaphore_mem>>
    tpu.wait_indirect_dma semaphore(%dma_wait3A_377 : memref<!tpu.dma_semaphore, #tpu.memory_space<semaphore_mem>>) src(%dma_wait3A_375 : memref<1000000x16xf32, #tpu.memory_space<hbm>>) dst(%dma_wait3A_369 : memref<512x16xf32, #tpu.memory_space<vmem>>)
    %add3A_378 = arith.constant 8704 : i32
    %add3A_379 = arith.addi %mul3A_4, %add3A_378 : i32
    %dma_start3A_380 = arith.constant 1 : i32
    %dma_start3A_381 = arith.constant 1 : i32
    %dma_start3A_382 = arith.constant 0 : i32
    %dma_start3A_383 = arith.constant 0 : i32
    %dma_start3A_384 = tpu.memref_slice %arg15[%dma_start3A_380, %dma_start3A_382, %dma_start3A_383] : memref<4x512x16xf32, #tpu.memory_space<vmem>> -> memref<1x512x16xf32, #tpu.memory_space<vmem>>
    %dma_start3A_385 = tpu.memref_squeeze %dma_start3A_384 : memref<1x512x16xf32, #tpu.memory_space<vmem>> -> memref<512x16xf32, #tpu.memory_space<vmem>>
    %dma_start3A_386 = arith.constant 0 : i32
    %dma_start3A_387 = tpu.memref_slice %arg9[%add3A_379, %dma_start3A_386] : memref<327680x16xf32, #tpu.memory_space<hbm>> -> memref<512x16xf32, #tpu.memory_space<hbm>>
    %dma_start3A_388 = tpu.memref_slice %arg17[%dma_start3A_381] : memref<4x!tpu.dma_semaphore, #tpu.memory_space<semaphore_mem>> -> memref<1x!tpu.dma_semaphore, #tpu.memory_space<semaphore_mem>>
    %dma_start3A_389 = tpu.memref_squeeze %dma_start3A_388 : memref<1x!tpu.dma_semaphore, #tpu.memory_space<semaphore_mem>> -> memref<!tpu.dma_semaphore, #tpu.memory_space<semaphore_mem>>
    %dma_start3A_390 = arith.constant 0 : i32
    %dma_start3A_391 = tpu.memref_slice %arg9[%add3A_379, %dma_start3A_390] : memref<327680x16xf32, #tpu.memory_space<hbm>> -> memref<512x16xf32, #tpu.memory_space<hbm>>
    %dma_start3A_392 = arith.constant 0 : i32
    %dma_start3A_393 = arith.constant 0 : i32
    %dma_start3A_394 = tpu.memref_slice %arg15[%dma_start3A_380, %dma_start3A_392, %dma_start3A_393] : memref<4x512x16xf32, #tpu.memory_space<vmem>> -> memref<1x512x16xf32, #tpu.memory_space<vmem>>
    %dma_start3A_395 = tpu.memref_squeeze %dma_start3A_394 : memref<1x512x16xf32, #tpu.memory_space<vmem>> -> memref<512x16xf32, #tpu.memory_space<vmem>>
    tpu.enqueue_dma source(%dma_start3A_395 : memref<512x16xf32, #tpu.memory_space<vmem>>) target(%dma_start3A_391 : memref<512x16xf32, #tpu.memory_space<hbm>>) target_semaphore(%dma_start3A_389 : memref<!tpu.dma_semaphore, #tpu.memory_space<semaphore_mem>>)
    %dma_wait3A_396 = arith.constant 0 : i32
    %dma_wait3A_397 = arith.constant 2 : i32
    %dma_wait3A_398 = arith.constant 2 : i32
    %dma_wait3A_399 = arith.constant 0 : i32
    %dma_wait3A_400 = arith.constant 0 : i32
    %dma_wait3A_401 = tpu.memref_slice %arg15[%dma_wait3A_397, %dma_wait3A_399, %dma_wait3A_400] : memref<4x512x16xf32, #tpu.memory_space<vmem>> -> memref<1x512x16xf32, #tpu.memory_space<vmem>>
    %dma_wait3A_402 = tpu.memref_squeeze %dma_wait3A_401 : memref<1x512x16xf32, #tpu.memory_space<vmem>> -> memref<512x16xf32, #tpu.memory_space<vmem>>
    %dma_wait3A_403 = arith.constant 0 : i32
    %dma_wait3A_404 = tpu.memref_slice %arg12[%dma_wait3A_396, %dma_wait3A_403] : memref<20x512xi32, #tpu.memory_space<vmem>> -> memref<1x512xi32, #tpu.memory_space<vmem>>
    %dma_wait3A_405 = tpu.memref_squeeze %dma_wait3A_404 : memref<1x512xi32, #tpu.memory_space<vmem>> -> memref<512xi32, #tpu.memory_space<vmem>>
    %dma_wait3A_406 = arith.constant 0 : i32
    %dma_wait3A_407 = arith.constant 0 : i32
    %dma_wait3A_408 = tpu.memref_slice %arg6[%dma_wait3A_406, %dma_wait3A_407] : memref<1000000x16xf32, #tpu.memory_space<hbm>> -> memref<1000000x16xf32, #tpu.memory_space<hbm>>
    %dma_wait3A_409 = tpu.memref_slice %arg16[%dma_wait3A_398] : memref<4x!tpu.dma_semaphore, #tpu.memory_space<semaphore_mem>> -> memref<1x!tpu.dma_semaphore, #tpu.memory_space<semaphore_mem>>
    %dma_wait3A_410 = tpu.memref_squeeze %dma_wait3A_409 : memref<1x!tpu.dma_semaphore, #tpu.memory_space<semaphore_mem>> -> memref<!tpu.dma_semaphore, #tpu.memory_space<semaphore_mem>>
    tpu.wait_indirect_dma semaphore(%dma_wait3A_410 : memref<!tpu.dma_semaphore, #tpu.memory_space<semaphore_mem>>) src(%dma_wait3A_408 : memref<1000000x16xf32, #tpu.memory_space<hbm>>) dst(%dma_wait3A_402 : memref<512x16xf32, #tpu.memory_space<vmem>>)
    %add3A_411 = arith.constant 9216 : i32
    %add3A_412 = arith.addi %mul3A_4, %add3A_411 : i32
    %dma_start3A_413 = arith.constant 2 : i32
    %dma_start3A_414 = arith.constant 2 : i32
    %dma_start3A_415 = arith.constant 0 : i32
    %dma_start3A_416 = arith.constant 0 : i32
    %dma_start3A_417 = tpu.memref_slice %arg15[%dma_start3A_413, %dma_start3A_415, %dma_start3A_416] : memref<4x512x16xf32, #tpu.memory_space<vmem>> -> memref<1x512x16xf32, #tpu.memory_space<vmem>>
    %dma_start3A_418 = tpu.memref_squeeze %dma_start3A_417 : memref<1x512x16xf32, #tpu.memory_space<vmem>> -> memref<512x16xf32, #tpu.memory_space<vmem>>
    %dma_start3A_419 = arith.constant 0 : i32
    %dma_start3A_420 = tpu.memref_slice %arg9[%add3A_412, %dma_start3A_419] : memref<327680x16xf32, #tpu.memory_space<hbm>> -> memref<512x16xf32, #tpu.memory_space<hbm>>
    %dma_start3A_421 = tpu.memref_slice %arg17[%dma_start3A_414] : memref<4x!tpu.dma_semaphore, #tpu.memory_space<semaphore_mem>> -> memref<1x!tpu.dma_semaphore, #tpu.memory_space<semaphore_mem>>
    %dma_start3A_422 = tpu.memref_squeeze %dma_start3A_421 : memref<1x!tpu.dma_semaphore, #tpu.memory_space<semaphore_mem>> -> memref<!tpu.dma_semaphore, #tpu.memory_space<semaphore_mem>>
    %dma_start3A_423 = arith.constant 0 : i32
    %dma_start3A_424 = tpu.memref_slice %arg9[%add3A_412, %dma_start3A_423] : memref<327680x16xf32, #tpu.memory_space<hbm>> -> memref<512x16xf32, #tpu.memory_space<hbm>>
    %dma_start3A_425 = arith.constant 0 : i32
    %dma_start3A_426 = arith.constant 0 : i32
    %dma_start3A_427 = tpu.memref_slice %arg15[%dma_start3A_413, %dma_start3A_425, %dma_start3A_426] : memref<4x512x16xf32, #tpu.memory_space<vmem>> -> memref<1x512x16xf32, #tpu.memory_space<vmem>>
    %dma_start3A_428 = tpu.memref_squeeze %dma_start3A_427 : memref<1x512x16xf32, #tpu.memory_space<vmem>> -> memref<512x16xf32, #tpu.memory_space<vmem>>
    tpu.enqueue_dma source(%dma_start3A_428 : memref<512x16xf32, #tpu.memory_space<vmem>>) target(%dma_start3A_424 : memref<512x16xf32, #tpu.memory_space<hbm>>) target_semaphore(%dma_start3A_422 : memref<!tpu.dma_semaphore, #tpu.memory_space<semaphore_mem>>)
    %dma_wait3A_429 = arith.constant 0 : i32
    %dma_wait3A_430 = arith.constant 3 : i32
    %dma_wait3A_431 = arith.constant 3 : i32
    %dma_wait3A_432 = arith.constant 0 : i32
    %dma_wait3A_433 = arith.constant 0 : i32
    %dma_wait3A_434 = tpu.memref_slice %arg15[%dma_wait3A_430, %dma_wait3A_432, %dma_wait3A_433] : memref<4x512x16xf32, #tpu.memory_space<vmem>> -> memref<1x512x16xf32, #tpu.memory_space<vmem>>
    %dma_wait3A_435 = tpu.memref_squeeze %dma_wait3A_434 : memref<1x512x16xf32, #tpu.memory_space<vmem>> -> memref<512x16xf32, #tpu.memory_space<vmem>>
    %dma_wait3A_436 = arith.constant 0 : i32
    %dma_wait3A_437 = tpu.memref_slice %arg12[%dma_wait3A_429, %dma_wait3A_436] : memref<20x512xi32, #tpu.memory_space<vmem>> -> memref<1x512xi32, #tpu.memory_space<vmem>>
    %dma_wait3A_438 = tpu.memref_squeeze %dma_wait3A_437 : memref<1x512xi32, #tpu.memory_space<vmem>> -> memref<512xi32, #tpu.memory_space<vmem>>
    %dma_wait3A_439 = arith.constant 0 : i32
    %dma_wait3A_440 = arith.constant 0 : i32
    %dma_wait3A_441 = tpu.memref_slice %arg6[%dma_wait3A_439, %dma_wait3A_440] : memref<1000000x16xf32, #tpu.memory_space<hbm>> -> memref<1000000x16xf32, #tpu.memory_space<hbm>>
    %dma_wait3A_442 = tpu.memref_slice %arg16[%dma_wait3A_431] : memref<4x!tpu.dma_semaphore, #tpu.memory_space<semaphore_mem>> -> memref<1x!tpu.dma_semaphore, #tpu.memory_space<semaphore_mem>>
    %dma_wait3A_443 = tpu.memref_squeeze %dma_wait3A_442 : memref<1x!tpu.dma_semaphore, #tpu.memory_space<semaphore_mem>> -> memref<!tpu.dma_semaphore, #tpu.memory_space<semaphore_mem>>
    tpu.wait_indirect_dma semaphore(%dma_wait3A_443 : memref<!tpu.dma_semaphore, #tpu.memory_space<semaphore_mem>>) src(%dma_wait3A_441 : memref<1000000x16xf32, #tpu.memory_space<hbm>>) dst(%dma_wait3A_435 : memref<512x16xf32, #tpu.memory_space<vmem>>)
    %add3A_444 = arith.constant 9728 : i32
    %add3A_445 = arith.addi %mul3A_4, %add3A_444 : i32
    %dma_start3A_446 = arith.constant 3 : i32
    %dma_start3A_447 = arith.constant 3 : i32
    %dma_start3A_448 = arith.constant 0 : i32
    %dma_start3A_449 = arith.constant 0 : i32
    %dma_start3A_450 = tpu.memref_slice %arg15[%dma_start3A_446, %dma_start3A_448, %dma_start3A_449] : memref<4x512x16xf32, #tpu.memory_space<vmem>> -> memref<1x512x16xf32, #tpu.memory_space<vmem>>
    %dma_start3A_451 = tpu.memref_squeeze %dma_start3A_450 : memref<1x512x16xf32, #tpu.memory_space<vmem>> -> memref<512x16xf32, #tpu.memory_space<vmem>>
    %dma_start3A_452 = arith.constant 0 : i32
    %dma_start3A_453 = tpu.memref_slice %arg9[%add3A_445, %dma_start3A_452] : memref<327680x16xf32, #tpu.memory_space<hbm>> -> memref<512x16xf32, #tpu.memory_space<hbm>>
    %dma_start3A_454 = tpu.memref_slice %arg17[%dma_start3A_447] : memref<4x!tpu.dma_semaphore, #tpu.memory_space<semaphore_mem>> -> memref<1x!tpu.dma_semaphore, #tpu.memory_space<semaphore_mem>>
    %dma_start3A_455 = tpu.memref_squeeze %dma_start3A_454 : memref<1x!tpu.dma_semaphore, #tpu.memory_space<semaphore_mem>> -> memref<!tpu.dma_semaphore, #tpu.memory_space<semaphore_mem>>
    %dma_start3A_456 = arith.constant 0 : i32
    %dma_start3A_457 = tpu.memref_slice %arg9[%add3A_445, %dma_start3A_456] : memref<327680x16xf32, #tpu.memory_space<hbm>> -> memref<512x16xf32, #tpu.memory_space<hbm>>
    %dma_start3A_458 = arith.constant 0 : i32
    %dma_start3A_459 = arith.constant 0 : i32
    %dma_start3A_460 = tpu.memref_slice %arg15[%dma_start3A_446, %dma_start3A_458, %dma_start3A_459] : memref<4x512x16xf32, #tpu.memory_space<vmem>> -> memref<1x512x16xf32, #tpu.memory_space<vmem>>
    %dma_start3A_461 = tpu.memref_squeeze %dma_start3A_460 : memref<1x512x16xf32, #tpu.memory_space<vmem>> -> memref<512x16xf32, #tpu.memory_space<vmem>>
    tpu.enqueue_dma source(%dma_start3A_461 : memref<512x16xf32, #tpu.memory_space<vmem>>) target(%dma_start3A_457 : memref<512x16xf32, #tpu.memory_space<hbm>>) target_semaphore(%dma_start3A_455 : memref<!tpu.dma_semaphore, #tpu.memory_space<semaphore_mem>>)
    %dma_wait3A_462 = arith.constant 0 : i32
    %dma_wait3A_463 = arith.constant 0 : i32
    %dma_wait3A_464 = arith.constant 0 : i32
    %dma_wait3A_465 = arith.constant 0 : i32
    %dma_wait3A_466 = tpu.memref_slice %arg15[%dma_wait3A_462, %dma_wait3A_464, %dma_wait3A_465] : memref<4x512x16xf32, #tpu.memory_space<vmem>> -> memref<1x512x16xf32, #tpu.memory_space<vmem>>
    %dma_wait3A_467 = tpu.memref_squeeze %dma_wait3A_466 : memref<1x512x16xf32, #tpu.memory_space<vmem>> -> memref<512x16xf32, #tpu.memory_space<vmem>>
    %dma_wait3A_468 = arith.constant 0 : i32
    %dma_wait3A_469 = tpu.memref_slice %arg9[%mul3A_4, %dma_wait3A_468] : memref<327680x16xf32, #tpu.memory_space<hbm>> -> memref<512x16xf32, #tpu.memory_space<hbm>>
    %dma_wait3A_470 = tpu.memref_slice %arg17[%dma_wait3A_463] : memref<4x!tpu.dma_semaphore, #tpu.memory_space<semaphore_mem>> -> memref<1x!tpu.dma_semaphore, #tpu.memory_space<semaphore_mem>>
    %dma_wait3A_471 = tpu.memref_squeeze %dma_wait3A_470 : memref<1x!tpu.dma_semaphore, #tpu.memory_space<semaphore_mem>> -> memref<!tpu.dma_semaphore, #tpu.memory_space<semaphore_mem>>
    %dma_wait3A_472 = arith.constant 0 : i32
    %dma_wait3A_473 = tpu.memref_slice %arg9[%mul3A_4, %dma_wait3A_472] : memref<327680x16xf32, #tpu.memory_space<hbm>> -> memref<512x16xf32, #tpu.memory_space<hbm>>
    %dma_wait3A_474 = arith.constant 0 : i32
    %dma_wait3A_475 = arith.constant 0 : i32
    %dma_wait3A_476 = tpu.memref_slice %arg15[%dma_wait3A_462, %dma_wait3A_474, %dma_wait3A_475] : memref<4x512x16xf32, #tpu.memory_space<vmem>> -> memref<1x512x16xf32, #tpu.memory_space<vmem>>
    %dma_wait3A_477 = tpu.memref_squeeze %dma_wait3A_476 : memref<1x512x16xf32, #tpu.memory_space<vmem>> -> memref<512x16xf32, #tpu.memory_space<vmem>>
    tpu.wait_dma2 semaphore(%dma_wait3A_471 : memref<!tpu.dma_semaphore, #tpu.memory_space<semaphore_mem>>) src(%dma_wait3A_477 : memref<512x16xf32, #tpu.memory_space<vmem>>) dst(%dma_wait3A_473 : memref<512x16xf32, #tpu.memory_space<hbm>>)
    %dma_wait3A_478 = arith.constant 1 : i32
    %dma_wait3A_479 = arith.constant 1 : i32
    %dma_wait3A_480 = arith.constant 0 : i32
    %dma_wait3A_481 = arith.constant 0 : i32
    %dma_wait3A_482 = tpu.memref_slice %arg15[%dma_wait3A_478, %dma_wait3A_480, %dma_wait3A_481] : memref<4x512x16xf32, #tpu.memory_space<vmem>> -> memref<1x512x16xf32, #tpu.memory_space<vmem>>
    %dma_wait3A_483 = tpu.memref_squeeze %dma_wait3A_482 : memref<1x512x16xf32, #tpu.memory_space<vmem>> -> memref<512x16xf32, #tpu.memory_space<vmem>>
    %dma_wait3A_484 = arith.constant 0 : i32
    %dma_wait3A_485 = tpu.memref_slice %arg9[%mul3A_4, %dma_wait3A_484] : memref<327680x16xf32, #tpu.memory_space<hbm>> -> memref<512x16xf32, #tpu.memory_space<hbm>>
    %dma_wait3A_486 = tpu.memref_slice %arg17[%dma_wait3A_479] : memref<4x!tpu.dma_semaphore, #tpu.memory_space<semaphore_mem>> -> memref<1x!tpu.dma_semaphore, #tpu.memory_space<semaphore_mem>>
    %dma_wait3A_487 = tpu.memref_squeeze %dma_wait3A_486 : memref<1x!tpu.dma_semaphore, #tpu.memory_space<semaphore_mem>> -> memref<!tpu.dma_semaphore, #tpu.memory_space<semaphore_mem>>
    %dma_wait3A_488 = arith.constant 0 : i32
    %dma_wait3A_489 = tpu.memref_slice %arg9[%mul3A_4, %dma_wait3A_488] : memref<327680x16xf32, #tpu.memory_space<hbm>> -> memref<512x16xf32, #tpu.memory_space<hbm>>
    %dma_wait3A_490 = arith.constant 0 : i32
    %dma_wait3A_491 = arith.constant 0 : i32
    %dma_wait3A_492 = tpu.memref_slice %arg15[%dma_wait3A_478, %dma_wait3A_490, %dma_wait3A_491] : memref<4x512x16xf32, #tpu.memory_space<vmem>> -> memref<1x512x16xf32, #tpu.memory_space<vmem>>
    %dma_wait3A_493 = tpu.memref_squeeze %dma_wait3A_492 : memref<1x512x16xf32, #tpu.memory_space<vmem>> -> memref<512x16xf32, #tpu.memory_space<vmem>>
    tpu.wait_dma2 semaphore(%dma_wait3A_487 : memref<!tpu.dma_semaphore, #tpu.memory_space<semaphore_mem>>) src(%dma_wait3A_493 : memref<512x16xf32, #tpu.memory_space<vmem>>) dst(%dma_wait3A_489 : memref<512x16xf32, #tpu.memory_space<hbm>>)
    %dma_wait3A_494 = arith.constant 2 : i32
    %dma_wait3A_495 = arith.constant 2 : i32
    %dma_wait3A_496 = arith.constant 0 : i32
    %dma_wait3A_497 = arith.constant 0 : i32
    %dma_wait3A_498 = tpu.memref_slice %arg15[%dma_wait3A_494, %dma_wait3A_496, %dma_wait3A_497] : memref<4x512x16xf32, #tpu.memory_space<vmem>> -> memref<1x512x16xf32, #tpu.memory_space<vmem>>
    %dma_wait3A_499 = tpu.memref_squeeze %dma_wait3A_498 : memref<1x512x16xf32, #tpu.memory_space<vmem>> -> memref<512x16xf32, #tpu.memory_space<vmem>>
    %dma_wait3A_500 = arith.constant 0 : i32
    %dma_wait3A_501 = tpu.memref_slice %arg9[%mul3A_4, %dma_wait3A_500] : memref<327680x16xf32, #tpu.memory_space<hbm>> -> memref<512x16xf32, #tpu.memory_space<hbm>>
    %dma_wait3A_502 = tpu.memref_slice %arg17[%dma_wait3A_495] : memref<4x!tpu.dma_semaphore, #tpu.memory_space<semaphore_mem>> -> memref<1x!tpu.dma_semaphore, #tpu.memory_space<semaphore_mem>>
    %dma_wait3A_503 = tpu.memref_squeeze %dma_wait3A_502 : memref<1x!tpu.dma_semaphore, #tpu.memory_space<semaphore_mem>> -> memref<!tpu.dma_semaphore, #tpu.memory_space<semaphore_mem>>
    %dma_wait3A_504 = arith.constant 0 : i32
    %dma_wait3A_505 = tpu.memref_slice %arg9[%mul3A_4, %dma_wait3A_504] : memref<327680x16xf32, #tpu.memory_space<hbm>> -> memref<512x16xf32, #tpu.memory_space<hbm>>
    %dma_wait3A_506 = arith.constant 0 : i32
    %dma_wait3A_507 = arith.constant 0 : i32
    %dma_wait3A_508 = tpu.memref_slice %arg15[%dma_wait3A_494, %dma_wait3A_506, %dma_wait3A_507] : memref<4x512x16xf32, #tpu.memory_space<vmem>> -> memref<1x512x16xf32, #tpu.memory_space<vmem>>
    %dma_wait3A_509 = tpu.memref_squeeze %dma_wait3A_508 : memref<1x512x16xf32, #tpu.memory_space<vmem>> -> memref<512x16xf32, #tpu.memory_space<vmem>>
    tpu.wait_dma2 semaphore(%dma_wait3A_503 : memref<!tpu.dma_semaphore, #tpu.memory_space<semaphore_mem>>) src(%dma_wait3A_509 : memref<512x16xf32, #tpu.memory_space<vmem>>) dst(%dma_wait3A_505 : memref<512x16xf32, #tpu.memory_space<hbm>>)
    %dma_wait3A_510 = arith.constant 3 : i32
    %dma_wait3A_511 = arith.constant 3 : i32
    %dma_wait3A_512 = arith.constant 0 : i32
    %dma_wait3A_513 = arith.constant 0 : i32
    %dma_wait3A_514 = tpu.memref_slice %arg15[%dma_wait3A_510, %dma_wait3A_512, %dma_wait3A_513] : memref<4x512x16xf32, #tpu.memory_space<vmem>> -> memref<1x512x16xf32, #tpu.memory_space<vmem>>
    %dma_wait3A_515 = tpu.memref_squeeze %dma_wait3A_514 : memref<1x512x16xf32, #tpu.memory_space<vmem>> -> memref<512x16xf32, #tpu.memory_space<vmem>>
    %dma_wait3A_516 = arith.constant 0 : i32
    %dma_wait3A_517 = tpu.memref_slice %arg9[%mul3A_4, %dma_wait3A_516] : memref<327680x16xf32, #tpu.memory_space<hbm>> -> memref<512x16xf32, #tpu.memory_space<hbm>>
    %dma_wait3A_518 = tpu.memref_slice %arg17[%dma_wait3A_511] : memref<4x!tpu.dma_semaphore, #tpu.memory_space<semaphore_mem>> -> memref<1x!tpu.dma_semaphore, #tpu.memory_space<semaphore_mem>>
    %dma_wait3A_519 = tpu.memref_squeeze %dma_wait3A_518 : memref<1x!tpu.dma_semaphore, #tpu.memory_space<semaphore_mem>> -> memref<!tpu.dma_semaphore, #tpu.memory_space<semaphore_mem>>
    %dma_wait3A_520 = arith.constant 0 : i32
    %dma_wait3A_521 = tpu.memref_slice %arg9[%mul3A_4, %dma_wait3A_520] : memref<327680x16xf32, #tpu.memory_space<hbm>> -> memref<512x16xf32, #tpu.memory_space<hbm>>
    %dma_wait3A_522 = arith.constant 0 : i32
    %dma_wait3A_523 = arith.constant 0 : i32
    %dma_wait3A_524 = tpu.memref_slice %arg15[%dma_wait3A_510, %dma_wait3A_522, %dma_wait3A_523] : memref<4x512x16xf32, #tpu.memory_space<vmem>> -> memref<1x512x16xf32, #tpu.memory_space<vmem>>
    %dma_wait3A_525 = tpu.memref_squeeze %dma_wait3A_524 : memref<1x512x16xf32, #tpu.memory_space<vmem>> -> memref<512x16xf32, #tpu.memory_space<vmem>>
    tpu.wait_dma2 semaphore(%dma_wait3A_519 : memref<!tpu.dma_semaphore, #tpu.memory_space<semaphore_mem>>) src(%dma_wait3A_525 : memref<512x16xf32, #tpu.memory_space<vmem>>) dst(%dma_wait3A_521 : memref<512x16xf32, #tpu.memory_space<hbm>>)
    %dma_wait3A_526 = arith.constant 0 : i32
    %dma_wait3A_527 = arith.constant 0 : i32
    %dma_wait3A_528 = tpu.memref_slice %arg5[%dma_wait3A_526, %dma_wait3A_527] : memref<1000000x16xf32, #tpu.memory_space<hbm>> -> memref<1000000x16xf32, #tpu.memory_space<hbm>>
    tpu.wait_indirect_dma semaphore(%arg18 : memref<!tpu.dma_semaphore, #tpu.memory_space<semaphore_mem>>) src(%dma_wait3A_528 : memref<1000000x16xf32, #tpu.memory_space<hbm>>) dst(%arg13 : memref<512x16xf32, #tpu.memory_space<vmem>>)
    %dma_start3A_529 = arith.constant 0 : i32
    %dma_start3A_530 = tpu.memref_slice %arg7[%mul3A_2, %dma_start3A_529] : memref<16384x16xf32, #tpu.memory_space<hbm>> -> memref<512x16xf32, #tpu.memory_space<hbm>>
    %dma_start3A_531 = arith.constant 0 : i32
    %dma_start3A_532 = tpu.memref_slice %arg7[%mul3A_2, %dma_start3A_531] : memref<16384x16xf32, #tpu.memory_space<hbm>> -> memref<512x16xf32, #tpu.memory_space<hbm>>
    tpu.enqueue_dma source(%arg13 : memref<512x16xf32, #tpu.memory_space<vmem>>) target(%dma_start3A_532 : memref<512x16xf32, #tpu.memory_space<hbm>>) target_semaphore(%arg18 : memref<!tpu.dma_semaphore, #tpu.memory_space<semaphore_mem>>)
    %dma_wait3A_533 = arith.constant 0 : i32
    %dma_wait3A_534 = arith.constant 0 : i32
    %dma_wait3A_535 = tpu.memref_slice %arg6[%dma_wait3A_533, %dma_wait3A_534] : memref<1000000x16xf32, #tpu.memory_space<hbm>> -> memref<1000000x16xf32, #tpu.memory_space<hbm>>
    tpu.wait_indirect_dma semaphore(%arg19 : memref<!tpu.dma_semaphore, #tpu.memory_space<semaphore_mem>>) src(%dma_wait3A_535 : memref<1000000x16xf32, #tpu.memory_space<hbm>>) dst(%arg14 : memref<512x16xf32, #tpu.memory_space<vmem>>)
    %dma_start3A_536 = arith.constant 0 : i32
    %dma_start3A_537 = tpu.memref_slice %arg8[%mul3A_2, %dma_start3A_536] : memref<16384x16xf32, #tpu.memory_space<hbm>> -> memref<512x16xf32, #tpu.memory_space<hbm>>
    %dma_start3A_538 = arith.constant 0 : i32
    %dma_start3A_539 = tpu.memref_slice %arg8[%mul3A_2, %dma_start3A_538] : memref<16384x16xf32, #tpu.memory_space<hbm>> -> memref<512x16xf32, #tpu.memory_space<hbm>>
    tpu.enqueue_dma source(%arg14 : memref<512x16xf32, #tpu.memory_space<vmem>>) target(%dma_start3A_539 : memref<512x16xf32, #tpu.memory_space<hbm>>) target_semaphore(%arg19 : memref<!tpu.dma_semaphore, #tpu.memory_space<semaphore_mem>>)
    %dma_wait3A_540 = arith.constant 0 : i32
    %dma_wait3A_541 = tpu.memref_slice %arg7[%mul3A_2, %dma_wait3A_540] : memref<16384x16xf32, #tpu.memory_space<hbm>> -> memref<512x16xf32, #tpu.memory_space<hbm>>
    %dma_wait3A_542 = arith.constant 0 : i32
    %dma_wait3A_543 = tpu.memref_slice %arg7[%mul3A_2, %dma_wait3A_542] : memref<16384x16xf32, #tpu.memory_space<hbm>> -> memref<512x16xf32, #tpu.memory_space<hbm>>
    tpu.wait_dma2 semaphore(%arg18 : memref<!tpu.dma_semaphore, #tpu.memory_space<semaphore_mem>>) src(%arg13 : memref<512x16xf32, #tpu.memory_space<vmem>>) dst(%dma_wait3A_543 : memref<512x16xf32, #tpu.memory_space<hbm>>)
    %dma_wait3A_544 = arith.constant 0 : i32
    %dma_wait3A_545 = tpu.memref_slice %arg8[%mul3A_2, %dma_wait3A_544] : memref<16384x16xf32, #tpu.memory_space<hbm>> -> memref<512x16xf32, #tpu.memory_space<hbm>>
    %dma_wait3A_546 = arith.constant 0 : i32
    %dma_wait3A_547 = tpu.memref_slice %arg8[%mul3A_2, %dma_wait3A_546] : memref<16384x16xf32, #tpu.memory_space<hbm>> -> memref<512x16xf32, #tpu.memory_space<hbm>>
    tpu.wait_dma2 semaphore(%arg19 : memref<!tpu.dma_semaphore, #tpu.memory_space<semaphore_mem>>) src(%arg14 : memref<512x16xf32, #tpu.memory_space<vmem>>) dst(%dma_wait3A_547 : memref<512x16xf32, #tpu.memory_space<hbm>>)
    return
  }
}

#map = affine_map<(d0, d1) -> (0, 0)>
module attributes {stable_mosaic.version = 14 : i64} {
  func.func @_detile_body(%arg0: i32, %arg1: i32, %arg2: memref<16x1000000xf32, #tpu.memory_space<hbm>>, %arg3: memref<16x128xf32, #tpu.memory_space<hbm>>, %arg4: memref<16x1000000xf32, #tpu.memory_space<hbm>>, %arg5: memref<16x128xf32, #tpu.memory_space<hbm>>, %arg6: memref<125000x128xf32, #tpu.memory_space<hbm>>, %arg7: memref<125000x128xf32, #tpu.memory_space<hbm>>, %arg8: memref<16x512xf32, #tpu.memory_space<vmem>>, %arg9: memref<16x128xf32, #tpu.memory_space<vmem>>, %arg10: memref<64x128xf32, #tpu.memory_space<vmem>>) attributes {dimension_semantics = [#tpu.dimension_semantics<core_parallel>, #tpu.dimension_semantics<subcore_parallel>], iteration_bounds = array<i64: 2, 16>, scalar_prefetch = 0 : i64, scratch_operands = 3 : i64, tpu.core_type = #tpu.core_type<sc_vector_subcore>, window_params = [{transform_indices = #map}, {transform_indices = #map}, {transform_indices = #map}, {transform_indices = #map}, {transform_indices = #map}, {transform_indices = #map}]} {
    %mul3A = arith.constant 2 : i32
    %mul3A_0 = arith.muli %arg1, %mul3A : i32
    %add3A = arith.addi %mul3A_0, %arg0 : i32
    %lt3A = arith.constant 1 : i32
    %lt3A_1 = arith.cmpi slt, %add3A, %lt3A : i32
    %jit3A = arith.constant 62 : i32
    %jit3A_2 = arith.constant 61 : i32
    %select_n3A = arith.select %lt3A_1, %jit3A, %jit3A_2 : i32
    %iota3A = tpu.iota {dimensions = array<i32: 0>} : vector<16xi32>
    %while3A = arith.constant 0 : i32
    %while3A_3 = arith.constant 0 : i32
    %while3A_4 = arith.subi %select_n3A, %while3A_3 : i32
    %while3A_5 = arith.addi %while3A_3, %while3A_4 : i32
    %while3A_6 = arith.constant 1 : i32
    %while3A_7 = arith.divsi %while3A_4, %while3A_6 : i32
    %while3A_8 = arith.muli %while3A_7, %while3A_6 : i32
    %while3A_9 = arith.addi %while3A_3, %while3A_8 : i32
    %while3A_10 = arith.constant 1 : i32
    scf.for %while3A_29 = %while3A_3 to %while3A_9 step %while3A_10  : i32 {
      %mul3A_30 = arith.constant 32 : i32
      %mul3A_31 = arith.muli %while3A_29, %mul3A_30 : i32
      %add3A_32 = arith.addi %add3A, %mul3A_31 : i32
      %mul3A_33 = arith.constant 512 : i32
      %mul3A_34 = arith.muli %add3A_32, %mul3A_33 : i32
      "tpu.region"() ({
        %run_scoped3A = tpu.sem_alloc : memref<!tpu.dma_semaphore, #tpu.memory_space<semaphore_mem>>
        %dma_start3A = arith.constant 0 : i32
        %dma_start3A_39 = tpu.memref_slice %arg2[%dma_start3A, %mul3A_34] : memref<16x1000000xf32, #tpu.memory_space<hbm>> -> memref<16x512xf32, #tpu.memory_space<hbm>>
        %dma_start3A_40 = arith.constant 0 : i32
        %dma_start3A_41 = tpu.memref_slice %arg2[%dma_start3A_40, %mul3A_34] : memref<16x1000000xf32, #tpu.memory_space<hbm>> -> memref<16x512xf32, #tpu.memory_space<hbm>>
        tpu.enqueue_dma source(%dma_start3A_41 : memref<16x512xf32, #tpu.memory_space<hbm>>) target(%arg8 : memref<16x512xf32, #tpu.memory_space<vmem>>) target_semaphore(%run_scoped3A : memref<!tpu.dma_semaphore, #tpu.memory_space<semaphore_mem>>)
        %dma_wait3A = arith.constant 0 : i32
        %dma_wait3A_42 = tpu.memref_slice %arg2[%dma_wait3A, %mul3A_34] : memref<16x1000000xf32, #tpu.memory_space<hbm>> -> memref<16x512xf32, #tpu.memory_space<hbm>>
        %dma_wait3A_43 = arith.constant 0 : i32
        %dma_wait3A_44 = tpu.memref_slice %arg2[%dma_wait3A_43, %mul3A_34] : memref<16x1000000xf32, #tpu.memory_space<hbm>> -> memref<16x512xf32, #tpu.memory_space<hbm>>
        tpu.wait_dma2 semaphore(%run_scoped3A : memref<!tpu.dma_semaphore, #tpu.memory_space<semaphore_mem>>) src(%dma_wait3A_44 : memref<16x512xf32, #tpu.memory_space<hbm>>) dst(%arg8 : memref<16x512xf32, #tpu.memory_space<vmem>>)
        tpu.yield
      }) : () -> ()
      %parallel_loop3A = arith.constant 0 : i32
      %parallel_loop3A_35 = arith.constant 512 : i32
      %parallel_loop3A_36 = arith.constant 1 : i32
      scf.for %parallel_loop3A_39 = %parallel_loop3A to %parallel_loop3A_35 step %parallel_loop3A_36  : i32 {
        %parallel_loop3A_40 = arith.constant 0 : i32
        %parallel_loop3A_41 = vector.broadcast %parallel_loop3A_40 : i32 to vector<16xi32>
        %parallel_loop3A_42 = vector.broadcast %parallel_loop3A_39 : i32 to vector<16xi32>
        %parallel_loop3A_43 = arith.addi %parallel_loop3A_41, %parallel_loop3A_42 : vector<16xi32>
        %parallel_loop3A_44 = tpu.vector_load_idx %arg8[%iota3A, %parallel_loop3A_43] : memref<16x512xf32, #tpu.memory_space<vmem>>[vector<16xi32>, vector<16xi32>], vector<16xf32>,
        %parallel_loop3A_45 = arith.constant 8 : i32
        %parallel_loop3A_46 = arith.divsi %parallel_loop3A_39, %parallel_loop3A_45 : i32
        %parallel_loop3A_47 = arith.constant 0 : i32
        %parallel_loop3A_48 = arith.cmpi sgt, %parallel_loop3A_39, %parallel_loop3A_47 : i32
        %parallel_loop3A_49 = arith.extui %parallel_loop3A_48 : i1 to i32
        %parallel_loop3A_50 = arith.constant 0 : i32
        %parallel_loop3A_51 = arith.cmpi slt, %parallel_loop3A_39, %parallel_loop3A_50 : i32
        %parallel_loop3A_52 = arith.extui %parallel_loop3A_51 : i1 to i32
        %parallel_loop3A_53 = arith.subi %parallel_loop3A_49, %parallel_loop3A_52 : i32
        %parallel_loop3A_54 = arith.constant 0 : i32
        %parallel_loop3A_55 = arith.cmpi sgt, %parallel_loop3A_45, %parallel_loop3A_54 : i32
        %parallel_loop3A_56 = arith.extui %parallel_loop3A_55 : i1 to i32
        %parallel_loop3A_57 = arith.constant 0 : i32
        %parallel_loop3A_58 = arith.cmpi slt, %parallel_loop3A_45, %parallel_loop3A_57 : i32
        %parallel_loop3A_59 = arith.extui %parallel_loop3A_58 : i1 to i32
        %parallel_loop3A_60 = arith.subi %parallel_loop3A_56, %parallel_loop3A_59 : i32
        %parallel_loop3A_61 = arith.cmpi ne, %parallel_loop3A_53, %parallel_loop3A_60 : i32
        %parallel_loop3A_62 = arith.remsi %parallel_loop3A_39, %parallel_loop3A_45 : i32
        %parallel_loop3A_63 = arith.constant 0 : i32
        %parallel_loop3A_64 = arith.cmpi ne, %parallel_loop3A_62, %parallel_loop3A_63 : i32
        %parallel_loop3A_65 = arith.andi %parallel_loop3A_61, %parallel_loop3A_64 : i1
        %parallel_loop3A_66 = arith.constant 1 : i32
        %parallel_loop3A_67 = arith.subi %parallel_loop3A_46, %parallel_loop3A_66 : i32
        %parallel_loop3A_68 = arith.select %parallel_loop3A_65, %parallel_loop3A_67, %parallel_loop3A_46 : i32
        %parallel_loop3A_69 = arith.constant 8 : i32
        %parallel_loop3A_70 = arith.constant 0 : i32
        %parallel_loop3A_71 = arith.cmpi eq, %parallel_loop3A_69, %parallel_loop3A_70 : i32
        %parallel_loop3A_72 = arith.constant 1 : i32
        %parallel_loop3A_73 = arith.select %parallel_loop3A_71, %parallel_loop3A_72, %parallel_loop3A_69 : i32
        %parallel_loop3A_74 = arith.remsi %parallel_loop3A_39, %parallel_loop3A_73 : i32
        %parallel_loop3A_75 = arith.constant 0 : i32
        %parallel_loop3A_76 = arith.cmpi ne, %parallel_loop3A_74, %parallel_loop3A_75 : i32
        %parallel_loop3A_77 = arith.constant 0 : i32
        %parallel_loop3A_78 = arith.cmpi slt, %parallel_loop3A_74, %parallel_loop3A_77 : i32
        %parallel_loop3A_79 = arith.constant 0 : i32
        %parallel_loop3A_80 = arith.cmpi slt, %parallel_loop3A_73, %parallel_loop3A_79 : i32
        %parallel_loop3A_81 = arith.xori %parallel_loop3A_78, %parallel_loop3A_80 : i1
        %parallel_loop3A_82 = arith.andi %parallel_loop3A_81, %parallel_loop3A_76 : i1
        %parallel_loop3A_83 = arith.addi %parallel_loop3A_74, %parallel_loop3A_73 : i32
        %parallel_loop3A_84 = arith.select %parallel_loop3A_82, %parallel_loop3A_83, %parallel_loop3A_74 : i32
        %parallel_loop3A_85 = arith.constant 16 : i32
        %parallel_loop3A_86 = arith.muli %parallel_loop3A_85, %parallel_loop3A_84 : i32
        %parallel_loop3A_87 = arith.index_cast %parallel_loop3A_68 : i32 to index
        %parallel_loop3A_88 = arith.index_cast %parallel_loop3A_86 : i32 to index
        %parallel_loop3A_89 = tpu.vector_load %arg10[%parallel_loop3A_87, %parallel_loop3A_88] {strides = array<i32>} : memref<64x128xf32, #tpu.memory_space<vmem>>, vector<16xf32>,
        tpu.vector_store %arg10[%parallel_loop3A_87, %parallel_loop3A_88], %parallel_loop3A_44 {strides = array<i32>} : memref<64x128xf32, #tpu.memory_space<vmem>>, vector<16xf32>,
      } {sc.loop_unroll_factor = 16 : i64, sc.parallel_access}
      %mul3A_37 = arith.constant 64 : i32
      %mul3A_38 = arith.muli %add3A_32, %mul3A_37 : i32
      "tpu.region"() ({
        %run_scoped3A = tpu.sem_alloc : memref<!tpu.dma_semaphore, #tpu.memory_space<semaphore_mem>>
        %dma_start3A = arith.constant 0 : i32
        %dma_start3A_39 = tpu.memref_slice %arg6[%mul3A_38, %dma_start3A] : memref<125000x128xf32, #tpu.memory_space<hbm>> -> memref<64x128xf32, #tpu.memory_space<hbm>>
        %dma_start3A_40 = arith.constant 0 : i32
        %dma_start3A_41 = tpu.memref_slice %arg6[%mul3A_38, %dma_start3A_40] : memref<125000x128xf32, #tpu.memory_space<hbm>> -> memref<64x128xf32, #tpu.memory_space<hbm>>
        tpu.enqueue_dma source(%arg10 : memref<64x128xf32, #tpu.memory_space<vmem>>) target(%dma_start3A_41 : memref<64x128xf32, #tpu.memory_space<hbm>>) target_semaphore(%run_scoped3A : memref<!tpu.dma_semaphore, #tpu.memory_space<semaphore_mem>>)
        %dma_wait3A = arith.constant 0 : i32
        %dma_wait3A_42 = tpu.memref_slice %arg6[%mul3A_38, %dma_wait3A] : memref<125000x128xf32, #tpu.memory_space<hbm>> -> memref<64x128xf32, #tpu.memory_space<hbm>>
        %dma_wait3A_43 = arith.constant 0 : i32
        %dma_wait3A_44 = tpu.memref_slice %arg6[%mul3A_38, %dma_wait3A_43] : memref<125000x128xf32, #tpu.memory_space<hbm>> -> memref<64x128xf32, #tpu.memory_space<hbm>>
        tpu.wait_dma2 semaphore(%run_scoped3A : memref<!tpu.dma_semaphore, #tpu.memory_space<semaphore_mem>>) src(%arg10 : memref<64x128xf32, #tpu.memory_space<vmem>>) dst(%dma_wait3A_44 : memref<64x128xf32, #tpu.memory_space<hbm>>)
        tpu.yield
      }) : () -> ()
    }
    %while3A_11 = arith.constant 1 : i32
    scf.for %while3A_29 = %while3A_9 to %while3A_5 step %while3A_11  : i32 {
      %mul3A_30 = arith.constant 32 : i32
      %mul3A_31 = arith.muli %while3A_29, %mul3A_30 : i32
      %add3A_32 = arith.addi %add3A, %mul3A_31 : i32
      %mul3A_33 = arith.constant 512 : i32
      %mul3A_34 = arith.muli %add3A_32, %mul3A_33 : i32
      "tpu.region"() ({
        %run_scoped3A = tpu.sem_alloc : memref<!tpu.dma_semaphore, #tpu.memory_space<semaphore_mem>>
        %dma_start3A = arith.constant 0 : i32
        %dma_start3A_39 = tpu.memref_slice %arg2[%dma_start3A, %mul3A_34] : memref<16x1000000xf32, #tpu.memory_space<hbm>> -> memref<16x512xf32, #tpu.memory_space<hbm>>
        %dma_start3A_40 = arith.constant 0 : i32
        %dma_start3A_41 = tpu.memref_slice %arg2[%dma_start3A_40, %mul3A_34] : memref<16x1000000xf32, #tpu.memory_space<hbm>> -> memref<16x512xf32, #tpu.memory_space<hbm>>
        tpu.enqueue_dma source(%dma_start3A_41 : memref<16x512xf32, #tpu.memory_space<hbm>>) target(%arg8 : memref<16x512xf32, #tpu.memory_space<vmem>>) target_semaphore(%run_scoped3A : memref<!tpu.dma_semaphore, #tpu.memory_space<semaphore_mem>>)
        %dma_wait3A = arith.constant 0 : i32
        %dma_wait3A_42 = tpu.memref_slice %arg2[%dma_wait3A, %mul3A_34] : memref<16x1000000xf32, #tpu.memory_space<hbm>> -> memref<16x512xf32, #tpu.memory_space<hbm>>
        %dma_wait3A_43 = arith.constant 0 : i32
        %dma_wait3A_44 = tpu.memref_slice %arg2[%dma_wait3A_43, %mul3A_34] : memref<16x1000000xf32, #tpu.memory_space<hbm>> -> memref<16x512xf32, #tpu.memory_space<hbm>>
        tpu.wait_dma2 semaphore(%run_scoped3A : memref<!tpu.dma_semaphore, #tpu.memory_space<semaphore_mem>>) src(%dma_wait3A_44 : memref<16x512xf32, #tpu.memory_space<hbm>>) dst(%arg8 : memref<16x512xf32, #tpu.memory_space<vmem>>)
        tpu.yield
      }) : () -> ()
      %parallel_loop3A = arith.constant 0 : i32
      %parallel_loop3A_35 = arith.constant 512 : i32
      %parallel_loop3A_36 = arith.constant 1 : i32
      scf.for %parallel_loop3A_39 = %parallel_loop3A to %parallel_loop3A_35 step %parallel_loop3A_36  : i32 {
        %parallel_loop3A_40 = arith.constant 0 : i32
        %parallel_loop3A_41 = vector.broadcast %parallel_loop3A_40 : i32 to vector<16xi32>
        %parallel_loop3A_42 = vector.broadcast %parallel_loop3A_39 : i32 to vector<16xi32>
        %parallel_loop3A_43 = arith.addi %parallel_loop3A_41, %parallel_loop3A_42 : vector<16xi32>
        %parallel_loop3A_44 = tpu.vector_load_idx %arg8[%iota3A, %parallel_loop3A_43] : memref<16x512xf32, #tpu.memory_space<vmem>>[vector<16xi32>, vector<16xi32>], vector<16xf32>,
        %parallel_loop3A_45 = arith.constant 8 : i32
        %parallel_loop3A_46 = arith.divsi %parallel_loop3A_39, %parallel_loop3A_45 : i32
        %parallel_loop3A_47 = arith.constant 0 : i32
        %parallel_loop3A_48 = arith.cmpi sgt, %parallel_loop3A_39, %parallel_loop3A_47 : i32
        %parallel_loop3A_49 = arith.extui %parallel_loop3A_48 : i1 to i32
        %parallel_loop3A_50 = arith.constant 0 : i32
        %parallel_loop3A_51 = arith.cmpi slt, %parallel_loop3A_39, %parallel_loop3A_50 : i32
        %parallel_loop3A_52 = arith.extui %parallel_loop3A_51 : i1 to i32
        %parallel_loop3A_53 = arith.subi %parallel_loop3A_49, %parallel_loop3A_52 : i32
        %parallel_loop3A_54 = arith.constant 0 : i32
        %parallel_loop3A_55 = arith.cmpi sgt, %parallel_loop3A_45, %parallel_loop3A_54 : i32
        %parallel_loop3A_56 = arith.extui %parallel_loop3A_55 : i1 to i32
        %parallel_loop3A_57 = arith.constant 0 : i32
        %parallel_loop3A_58 = arith.cmpi slt, %parallel_loop3A_45, %parallel_loop3A_57 : i32
        %parallel_loop3A_59 = arith.extui %parallel_loop3A_58 : i1 to i32
        %parallel_loop3A_60 = arith.subi %parallel_loop3A_56, %parallel_loop3A_59 : i32
        %parallel_loop3A_61 = arith.cmpi ne, %parallel_loop3A_53, %parallel_loop3A_60 : i32
        %parallel_loop3A_62 = arith.remsi %parallel_loop3A_39, %parallel_loop3A_45 : i32
        %parallel_loop3A_63 = arith.constant 0 : i32
        %parallel_loop3A_64 = arith.cmpi ne, %parallel_loop3A_62, %parallel_loop3A_63 : i32
        %parallel_loop3A_65 = arith.andi %parallel_loop3A_61, %parallel_loop3A_64 : i1
        %parallel_loop3A_66 = arith.constant 1 : i32
        %parallel_loop3A_67 = arith.subi %parallel_loop3A_46, %parallel_loop3A_66 : i32
        %parallel_loop3A_68 = arith.select %parallel_loop3A_65, %parallel_loop3A_67, %parallel_loop3A_46 : i32
        %parallel_loop3A_69 = arith.constant 8 : i32
        %parallel_loop3A_70 = arith.constant 0 : i32
        %parallel_loop3A_71 = arith.cmpi eq, %parallel_loop3A_69, %parallel_loop3A_70 : i32
        %parallel_loop3A_72 = arith.constant 1 : i32
        %parallel_loop3A_73 = arith.select %parallel_loop3A_71, %parallel_loop3A_72, %parallel_loop3A_69 : i32
        %parallel_loop3A_74 = arith.remsi %parallel_loop3A_39, %parallel_loop3A_73 : i32
        %parallel_loop3A_75 = arith.constant 0 : i32
        %parallel_loop3A_76 = arith.cmpi ne, %parallel_loop3A_74, %parallel_loop3A_75 : i32
        %parallel_loop3A_77 = arith.constant 0 : i32
        %parallel_loop3A_78 = arith.cmpi slt, %parallel_loop3A_74, %parallel_loop3A_77 : i32
        %parallel_loop3A_79 = arith.constant 0 : i32
        %parallel_loop3A_80 = arith.cmpi slt, %parallel_loop3A_73, %parallel_loop3A_79 : i32
        %parallel_loop3A_81 = arith.xori %parallel_loop3A_78, %parallel_loop3A_80 : i1
        %parallel_loop3A_82 = arith.andi %parallel_loop3A_81, %parallel_loop3A_76 : i1
        %parallel_loop3A_83 = arith.addi %parallel_loop3A_74, %parallel_loop3A_73 : i32
        %parallel_loop3A_84 = arith.select %parallel_loop3A_82, %parallel_loop3A_83, %parallel_loop3A_74 : i32
        %parallel_loop3A_85 = arith.constant 16 : i32
        %parallel_loop3A_86 = arith.muli %parallel_loop3A_85, %parallel_loop3A_84 : i32
        %parallel_loop3A_87 = arith.index_cast %parallel_loop3A_68 : i32 to index
        %parallel_loop3A_88 = arith.index_cast %parallel_loop3A_86 : i32 to index
        %parallel_loop3A_89 = tpu.vector_load %arg10[%parallel_loop3A_87, %parallel_loop3A_88] {strides = array<i32>} : memref<64x128xf32, #tpu.memory_space<vmem>>, vector<16xf32>,
        tpu.vector_store %arg10[%parallel_loop3A_87, %parallel_loop3A_88], %parallel_loop3A_44 {strides = array<i32>} : memref<64x128xf32, #tpu.memory_space<vmem>>, vector<16xf32>,
      } {sc.loop_unroll_factor = 16 : i64, sc.parallel_access}
      %mul3A_37 = arith.constant 64 : i32
      %mul3A_38 = arith.muli %add3A_32, %mul3A_37 : i32
      "tpu.region"() ({
        %run_scoped3A = tpu.sem_alloc : memref<!tpu.dma_semaphore, #tpu.memory_space<semaphore_mem>>
        %dma_start3A = arith.constant 0 : i32
        %dma_start3A_39 = tpu.memref_slice %arg6[%mul3A_38, %dma_start3A] : memref<125000x128xf32, #tpu.memory_space<hbm>> -> memref<64x128xf32, #tpu.memory_space<hbm>>
        %dma_start3A_40 = arith.constant 0 : i32
        %dma_start3A_41 = tpu.memref_slice %arg6[%mul3A_38, %dma_start3A_40] : memref<125000x128xf32, #tpu.memory_space<hbm>> -> memref<64x128xf32, #tpu.memory_space<hbm>>
        tpu.enqueue_dma source(%arg10 : memref<64x128xf32, #tpu.memory_space<vmem>>) target(%dma_start3A_41 : memref<64x128xf32, #tpu.memory_space<hbm>>) target_semaphore(%run_scoped3A : memref<!tpu.dma_semaphore, #tpu.memory_space<semaphore_mem>>)
        %dma_wait3A = arith.constant 0 : i32
        %dma_wait3A_42 = tpu.memref_slice %arg6[%mul3A_38, %dma_wait3A] : memref<125000x128xf32, #tpu.memory_space<hbm>> -> memref<64x128xf32, #tpu.memory_space<hbm>>
        %dma_wait3A_43 = arith.constant 0 : i32
        %dma_wait3A_44 = tpu.memref_slice %arg6[%mul3A_38, %dma_wait3A_43] : memref<125000x128xf32, #tpu.memory_space<hbm>> -> memref<64x128xf32, #tpu.memory_space<hbm>>
        tpu.wait_dma2 semaphore(%run_scoped3A : memref<!tpu.dma_semaphore, #tpu.memory_space<semaphore_mem>>) src(%arg10 : memref<64x128xf32, #tpu.memory_space<vmem>>) dst(%dma_wait3A_44 : memref<64x128xf32, #tpu.memory_space<hbm>>)
        tpu.yield
      }) : () -> ()
    }
    %eq3A = arith.constant 31 : i32
    %eq3A_12 = arith.cmpi eq, %add3A, %eq3A : i32
    %convert_element_type3A = arith.extui %eq3A_12 : i1 to i32
    %cond3A = arith.constant 0 : i32
    %cond3A_13 = arith.cmpi ne, %convert_element_type3A, %cond3A : i32
    scf.if %cond3A_13 {
      "tpu.region"() ({
        %run_scoped3A = tpu.sem_alloc : memref<!tpu.dma_semaphore, #tpu.memory_space<semaphore_mem>>
        tpu.enqueue_dma source(%arg3 : memref<16x128xf32, #tpu.memory_space<hbm>>) target(%arg9 : memref<16x128xf32, #tpu.memory_space<vmem>>) target_semaphore(%run_scoped3A : memref<!tpu.dma_semaphore, #tpu.memory_space<semaphore_mem>>)
        tpu.wait_dma2 semaphore(%run_scoped3A : memref<!tpu.dma_semaphore, #tpu.memory_space<semaphore_mem>>) src(%arg3 : memref<16x128xf32, #tpu.memory_space<hbm>>) dst(%arg9 : memref<16x128xf32, #tpu.memory_space<vmem>>)
        tpu.yield
      }) : () -> ()
      %parallel_loop3A = arith.constant 0 : i32
      %parallel_loop3A_29 = arith.constant 64 : i32
      %parallel_loop3A_30 = arith.constant 1 : i32
      scf.for %parallel_loop3A_31 = %parallel_loop3A to %parallel_loop3A_29 step %parallel_loop3A_30  : i32 {
        %parallel_loop3A_32 = arith.constant 0 : i32
        %parallel_loop3A_33 = vector.broadcast %parallel_loop3A_32 : i32 to vector<16xi32>
        %parallel_loop3A_34 = vector.broadcast %parallel_loop3A_31 : i32 to vector<16xi32>
        %parallel_loop3A_35 = arith.addi %parallel_loop3A_33, %parallel_loop3A_34 : vector<16xi32>
        %parallel_loop3A_36 = tpu.vector_load_idx %arg9[%iota3A, %parallel_loop3A_35] : memref<16x128xf32, #tpu.memory_space<vmem>>[vector<16xi32>, vector<16xi32>], vector<16xf32>,
        %parallel_loop3A_37 = arith.constant 8 : i32
        %parallel_loop3A_38 = arith.divsi %parallel_loop3A_31, %parallel_loop3A_37 : i32
        %parallel_loop3A_39 = arith.constant 0 : i32
        %parallel_loop3A_40 = arith.cmpi sgt, %parallel_loop3A_31, %parallel_loop3A_39 : i32
        %parallel_loop3A_41 = arith.extui %parallel_loop3A_40 : i1 to i32
        %parallel_loop3A_42 = arith.constant 0 : i32
        %parallel_loop3A_43 = arith.cmpi slt, %parallel_loop3A_31, %parallel_loop3A_42 : i32
        %parallel_loop3A_44 = arith.extui %parallel_loop3A_43 : i1 to i32
        %parallel_loop3A_45 = arith.subi %parallel_loop3A_41, %parallel_loop3A_44 : i32
        %parallel_loop3A_46 = arith.constant 0 : i32
        %parallel_loop3A_47 = arith.cmpi sgt, %parallel_loop3A_37, %parallel_loop3A_46 : i32
        %parallel_loop3A_48 = arith.extui %parallel_loop3A_47 : i1 to i32
        %parallel_loop3A_49 = arith.constant 0 : i32
        %parallel_loop3A_50 = arith.cmpi slt, %parallel_loop3A_37, %parallel_loop3A_49 : i32
        %parallel_loop3A_51 = arith.extui %parallel_loop3A_50 : i1 to i32
        %parallel_loop3A_52 = arith.subi %parallel_loop3A_48, %parallel_loop3A_51 : i32
        %parallel_loop3A_53 = arith.cmpi ne, %parallel_loop3A_45, %parallel_loop3A_52 : i32
        %parallel_loop3A_54 = arith.remsi %parallel_loop3A_31, %parallel_loop3A_37 : i32
        %parallel_loop3A_55 = arith.constant 0 : i32
        %parallel_loop3A_56 = arith.cmpi ne, %parallel_loop3A_54, %parallel_loop3A_55 : i32
        %parallel_loop3A_57 = arith.andi %parallel_loop3A_53, %parallel_loop3A_56 : i1
        %parallel_loop3A_58 = arith.constant 1 : i32
        %parallel_loop3A_59 = arith.subi %parallel_loop3A_38, %parallel_loop3A_58 : i32
        %parallel_loop3A_60 = arith.select %parallel_loop3A_57, %parallel_loop3A_59, %parallel_loop3A_38 : i32
        %parallel_loop3A_61 = arith.constant 8 : i32
        %parallel_loop3A_62 = arith.constant 0 : i32
        %parallel_loop3A_63 = arith.cmpi eq, %parallel_loop3A_61, %parallel_loop3A_62 : i32
        %parallel_loop3A_64 = arith.constant 1 : i32
        %parallel_loop3A_65 = arith.select %parallel_loop3A_63, %parallel_loop3A_64, %parallel_loop3A_61 : i32
        %parallel_loop3A_66 = arith.remsi %parallel_loop3A_31, %parallel_loop3A_65 : i32
        %parallel_loop3A_67 = arith.constant 0 : i32
        %parallel_loop3A_68 = arith.cmpi ne, %parallel_loop3A_66, %parallel_loop3A_67 : i32
        %parallel_loop3A_69 = arith.constant 0 : i32
        %parallel_loop3A_70 = arith.cmpi slt, %parallel_loop3A_66, %parallel_loop3A_69 : i32
        %parallel_loop3A_71 = arith.constant 0 : i32
        %parallel_loop3A_72 = arith.cmpi slt, %parallel_loop3A_65, %parallel_loop3A_71 : i32
        %parallel_loop3A_73 = arith.xori %parallel_loop3A_70, %parallel_loop3A_72 : i1
        %parallel_loop3A_74 = arith.andi %parallel_loop3A_73, %parallel_loop3A_68 : i1
        %parallel_loop3A_75 = arith.addi %parallel_loop3A_66, %parallel_loop3A_65 : i32
        %parallel_loop3A_76 = arith.select %parallel_loop3A_74, %parallel_loop3A_75, %parallel_loop3A_66 : i32
        %parallel_loop3A_77 = arith.constant 16 : i32
        %parallel_loop3A_78 = arith.muli %parallel_loop3A_77, %parallel_loop3A_76 : i32
        %parallel_loop3A_79 = arith.index_cast %parallel_loop3A_60 : i32 to index
        %parallel_loop3A_80 = arith.index_cast %parallel_loop3A_78 : i32 to index
        %parallel_loop3A_81 = tpu.vector_load %arg10[%parallel_loop3A_79, %parallel_loop3A_80] {strides = array<i32>} : memref<64x128xf32, #tpu.memory_space<vmem>>, vector<16xf32>,
        tpu.vector_store %arg10[%parallel_loop3A_79, %parallel_loop3A_80], %parallel_loop3A_36 {strides = array<i32>} : memref<64x128xf32, #tpu.memory_space<vmem>>, vector<16xf32>,
      } {sc.loop_unroll_factor = 16 : i64, sc.parallel_access}
      "tpu.region"() ({
        %run_scoped3A = tpu.sem_alloc : memref<!tpu.dma_semaphore, #tpu.memory_space<semaphore_mem>>
        %dma_start3A = arith.constant 0 : i32
        %dma_start3A_31 = arith.constant 0 : i32
        %dma_start3A_32 = tpu.memref_slice %arg10[%dma_start3A, %dma_start3A_31] : memref<64x128xf32, #tpu.memory_space<vmem>> -> memref<8x128xf32, #tpu.memory_space<vmem>>
        %dma_start3A_33 = arith.constant 124992 : i32
        %dma_start3A_34 = arith.constant 0 : i32
        %dma_start3A_35 = tpu.memref_slice %arg6[%dma_start3A_33, %dma_start3A_34] : memref<125000x128xf32, #tpu.memory_space<hbm>> -> memref<8x128xf32, #tpu.memory_space<hbm>>
        %dma_start3A_36 = arith.constant 124992 : i32
        %dma_start3A_37 = arith.constant 0 : i32
        %dma_start3A_38 = tpu.memref_slice %arg6[%dma_start3A_36, %dma_start3A_37] : memref<125000x128xf32, #tpu.memory_space<hbm>> -> memref<8x128xf32, #tpu.memory_space<hbm>>
        %dma_start3A_39 = arith.constant 0 : i32
        %dma_start3A_40 = arith.constant 0 : i32
        %dma_start3A_41 = tpu.memref_slice %arg10[%dma_start3A_39, %dma_start3A_40] : memref<64x128xf32, #tpu.memory_space<vmem>> -> memref<8x128xf32, #tpu.memory_space<vmem>>
        tpu.enqueue_dma source(%dma_start3A_41 : memref<8x128xf32, #tpu.memory_space<vmem>>) target(%dma_start3A_38 : memref<8x128xf32, #tpu.memory_space<hbm>>) target_semaphore(%run_scoped3A : memref<!tpu.dma_semaphore, #tpu.memory_space<semaphore_mem>>)
        %dma_wait3A = arith.constant 0 : i32
        %dma_wait3A_42 = arith.constant 0 : i32
        %dma_wait3A_43 = tpu.memref_slice %arg10[%dma_wait3A, %dma_wait3A_42] : memref<64x128xf32, #tpu.memory_space<vmem>> -> memref<8x128xf32, #tpu.memory_space<vmem>>
        %dma_wait3A_44 = arith.constant 124992 : i32
        %dma_wait3A_45 = arith.constant 0 : i32
        %dma_wait3A_46 = tpu.memref_slice %arg6[%dma_wait3A_44, %dma_wait3A_45] : memref<125000x128xf32, #tpu.memory_space<hbm>> -> memref<8x128xf32, #tpu.memory_space<hbm>>
        %dma_wait3A_47 = arith.constant 124992 : i32
        %dma_wait3A_48 = arith.constant 0 : i32
        %dma_wait3A_49 = tpu.memref_slice %arg6[%dma_wait3A_47, %dma_wait3A_48] : memref<125000x128xf32, #tpu.memory_space<hbm>> -> memref<8x128xf32, #tpu.memory_space<hbm>>
        %dma_wait3A_50 = arith.constant 0 : i32
        %dma_wait3A_51 = arith.constant 0 : i32
        %dma_wait3A_52 = tpu.memref_slice %arg10[%dma_wait3A_50, %dma_wait3A_51] : memref<64x128xf32, #tpu.memory_space<vmem>> -> memref<8x128xf32, #tpu.memory_space<vmem>>
        tpu.wait_dma2 semaphore(%run_scoped3A : memref<!tpu.dma_semaphore, #tpu.memory_space<semaphore_mem>>) src(%dma_wait3A_52 : memref<8x128xf32, #tpu.memory_space<vmem>>) dst(%dma_wait3A_49 : memref<8x128xf32, #tpu.memory_space<hbm>>)
        tpu.yield
      }) : () -> ()
    } else {
    }
    %while3A_14 = arith.constant 0 : i32
    %while3A_15 = arith.constant 0 : i32
    %while3A_16 = arith.subi %select_n3A, %while3A_15 : i32
    %while3A_17 = arith.addi %while3A_15, %while3A_16 : i32
    %while3A_18 = arith.constant 1 : i32
    %while3A_19 = arith.divsi %while3A_16, %while3A_18 : i32
    %while3A_20 = arith.muli %while3A_19, %while3A_18 : i32
    %while3A_21 = arith.addi %while3A_15, %while3A_20 : i32
    %while3A_22 = arith.constant 1 : i32
    scf.for %while3A_29 = %while3A_15 to %while3A_21 step %while3A_22  : i32 {
      %mul3A_30 = arith.constant 32 : i32
      %mul3A_31 = arith.muli %while3A_29, %mul3A_30 : i32
      %add3A_32 = arith.addi %add3A, %mul3A_31 : i32
      %mul3A_33 = arith.constant 512 : i32
      %mul3A_34 = arith.muli %add3A_32, %mul3A_33 : i32
      "tpu.region"() ({
        %run_scoped3A = tpu.sem_alloc : memref<!tpu.dma_semaphore, #tpu.memory_space<semaphore_mem>>
        %dma_start3A = arith.constant 0 : i32
        %dma_start3A_39 = tpu.memref_slice %arg4[%dma_start3A, %mul3A_34] : memref<16x1000000xf32, #tpu.memory_space<hbm>> -> memref<16x512xf32, #tpu.memory_space<hbm>>
        %dma_start3A_40 = arith.constant 0 : i32
        %dma_start3A_41 = tpu.memref_slice %arg4[%dma_start3A_40, %mul3A_34] : memref<16x1000000xf32, #tpu.memory_space<hbm>> -> memref<16x512xf32, #tpu.memory_space<hbm>>
        tpu.enqueue_dma source(%dma_start3A_41 : memref<16x512xf32, #tpu.memory_space<hbm>>) target(%arg8 : memref<16x512xf32, #tpu.memory_space<vmem>>) target_semaphore(%run_scoped3A : memref<!tpu.dma_semaphore, #tpu.memory_space<semaphore_mem>>)
        %dma_wait3A = arith.constant 0 : i32
        %dma_wait3A_42 = tpu.memref_slice %arg4[%dma_wait3A, %mul3A_34] : memref<16x1000000xf32, #tpu.memory_space<hbm>> -> memref<16x512xf32, #tpu.memory_space<hbm>>
        %dma_wait3A_43 = arith.constant 0 : i32
        %dma_wait3A_44 = tpu.memref_slice %arg4[%dma_wait3A_43, %mul3A_34] : memref<16x1000000xf32, #tpu.memory_space<hbm>> -> memref<16x512xf32, #tpu.memory_space<hbm>>
        tpu.wait_dma2 semaphore(%run_scoped3A : memref<!tpu.dma_semaphore, #tpu.memory_space<semaphore_mem>>) src(%dma_wait3A_44 : memref<16x512xf32, #tpu.memory_space<hbm>>) dst(%arg8 : memref<16x512xf32, #tpu.memory_space<vmem>>)
        tpu.yield
      }) : () -> ()
      %parallel_loop3A = arith.constant 0 : i32
      %parallel_loop3A_35 = arith.constant 512 : i32
      %parallel_loop3A_36 = arith.constant 1 : i32
      scf.for %parallel_loop3A_39 = %parallel_loop3A to %parallel_loop3A_35 step %parallel_loop3A_36  : i32 {
        %parallel_loop3A_40 = arith.constant 0 : i32
        %parallel_loop3A_41 = vector.broadcast %parallel_loop3A_40 : i32 to vector<16xi32>
        %parallel_loop3A_42 = vector.broadcast %parallel_loop3A_39 : i32 to vector<16xi32>
        %parallel_loop3A_43 = arith.addi %parallel_loop3A_41, %parallel_loop3A_42 : vector<16xi32>
        %parallel_loop3A_44 = tpu.vector_load_idx %arg8[%iota3A, %parallel_loop3A_43] : memref<16x512xf32, #tpu.memory_space<vmem>>[vector<16xi32>, vector<16xi32>], vector<16xf32>,
        %parallel_loop3A_45 = arith.constant 8 : i32
        %parallel_loop3A_46 = arith.divsi %parallel_loop3A_39, %parallel_loop3A_45 : i32
        %parallel_loop3A_47 = arith.constant 0 : i32
        %parallel_loop3A_48 = arith.cmpi sgt, %parallel_loop3A_39, %parallel_loop3A_47 : i32
        %parallel_loop3A_49 = arith.extui %parallel_loop3A_48 : i1 to i32
        %parallel_loop3A_50 = arith.constant 0 : i32
        %parallel_loop3A_51 = arith.cmpi slt, %parallel_loop3A_39, %parallel_loop3A_50 : i32
        %parallel_loop3A_52 = arith.extui %parallel_loop3A_51 : i1 to i32
        %parallel_loop3A_53 = arith.subi %parallel_loop3A_49, %parallel_loop3A_52 : i32
        %parallel_loop3A_54 = arith.constant 0 : i32
        %parallel_loop3A_55 = arith.cmpi sgt, %parallel_loop3A_45, %parallel_loop3A_54 : i32
        %parallel_loop3A_56 = arith.extui %parallel_loop3A_55 : i1 to i32
        %parallel_loop3A_57 = arith.constant 0 : i32
        %parallel_loop3A_58 = arith.cmpi slt, %parallel_loop3A_45, %parallel_loop3A_57 : i32
        %parallel_loop3A_59 = arith.extui %parallel_loop3A_58 : i1 to i32
        %parallel_loop3A_60 = arith.subi %parallel_loop3A_56, %parallel_loop3A_59 : i32
        %parallel_loop3A_61 = arith.cmpi ne, %parallel_loop3A_53, %parallel_loop3A_60 : i32
        %parallel_loop3A_62 = arith.remsi %parallel_loop3A_39, %parallel_loop3A_45 : i32
        %parallel_loop3A_63 = arith.constant 0 : i32
        %parallel_loop3A_64 = arith.cmpi ne, %parallel_loop3A_62, %parallel_loop3A_63 : i32
        %parallel_loop3A_65 = arith.andi %parallel_loop3A_61, %parallel_loop3A_64 : i1
        %parallel_loop3A_66 = arith.constant 1 : i32
        %parallel_loop3A_67 = arith.subi %parallel_loop3A_46, %parallel_loop3A_66 : i32
        %parallel_loop3A_68 = arith.select %parallel_loop3A_65, %parallel_loop3A_67, %parallel_loop3A_46 : i32
        %parallel_loop3A_69 = arith.constant 8 : i32
        %parallel_loop3A_70 = arith.constant 0 : i32
        %parallel_loop3A_71 = arith.cmpi eq, %parallel_loop3A_69, %parallel_loop3A_70 : i32
        %parallel_loop3A_72 = arith.constant 1 : i32
        %parallel_loop3A_73 = arith.select %parallel_loop3A_71, %parallel_loop3A_72, %parallel_loop3A_69 : i32
        %parallel_loop3A_74 = arith.remsi %parallel_loop3A_39, %parallel_loop3A_73 : i32
        %parallel_loop3A_75 = arith.constant 0 : i32
        %parallel_loop3A_76 = arith.cmpi ne, %parallel_loop3A_74, %parallel_loop3A_75 : i32
        %parallel_loop3A_77 = arith.constant 0 : i32
        %parallel_loop3A_78 = arith.cmpi slt, %parallel_loop3A_74, %parallel_loop3A_77 : i32
        %parallel_loop3A_79 = arith.constant 0 : i32
        %parallel_loop3A_80 = arith.cmpi slt, %parallel_loop3A_73, %parallel_loop3A_79 : i32
        %parallel_loop3A_81 = arith.xori %parallel_loop3A_78, %parallel_loop3A_80 : i1
        %parallel_loop3A_82 = arith.andi %parallel_loop3A_81, %parallel_loop3A_76 : i1
        %parallel_loop3A_83 = arith.addi %parallel_loop3A_74, %parallel_loop3A_73 : i32
        %parallel_loop3A_84 = arith.select %parallel_loop3A_82, %parallel_loop3A_83, %parallel_loop3A_74 : i32
        %parallel_loop3A_85 = arith.constant 16 : i32
        %parallel_loop3A_86 = arith.muli %parallel_loop3A_85, %parallel_loop3A_84 : i32
        %parallel_loop3A_87 = arith.index_cast %parallel_loop3A_68 : i32 to index
        %parallel_loop3A_88 = arith.index_cast %parallel_loop3A_86 : i32 to index
        %parallel_loop3A_89 = tpu.vector_load %arg10[%parallel_loop3A_87, %parallel_loop3A_88] {strides = array<i32>} : memref<64x128xf32, #tpu.memory_space<vmem>>, vector<16xf32>,
        tpu.vector_store %arg10[%parallel_loop3A_87, %parallel_loop3A_88], %parallel_loop3A_44 {strides = array<i32>} : memref<64x128xf32, #tpu.memory_space<vmem>>, vector<16xf32>,
      } {sc.loop_unroll_factor = 16 : i64, sc.parallel_access}
      %mul3A_37 = arith.constant 64 : i32
      %mul3A_38 = arith.muli %add3A_32, %mul3A_37 : i32
      "tpu.region"() ({
        %run_scoped3A = tpu.sem_alloc : memref<!tpu.dma_semaphore, #tpu.memory_space<semaphore_mem>>
        %dma_start3A = arith.constant 0 : i32
        %dma_start3A_39 = tpu.memref_slice %arg7[%mul3A_38, %dma_start3A] : memref<125000x128xf32, #tpu.memory_space<hbm>> -> memref<64x128xf32, #tpu.memory_space<hbm>>
        %dma_start3A_40 = arith.constant 0 : i32
        %dma_start3A_41 = tpu.memref_slice %arg7[%mul3A_38, %dma_start3A_40] : memref<125000x128xf32, #tpu.memory_space<hbm>> -> memref<64x128xf32, #tpu.memory_space<hbm>>
        tpu.enqueue_dma source(%arg10 : memref<64x128xf32, #tpu.memory_space<vmem>>) target(%dma_start3A_41 : memref<64x128xf32, #tpu.memory_space<hbm>>) target_semaphore(%run_scoped3A : memref<!tpu.dma_semaphore, #tpu.memory_space<semaphore_mem>>)
        %dma_wait3A = arith.constant 0 : i32
        %dma_wait3A_42 = tpu.memref_slice %arg7[%mul3A_38, %dma_wait3A] : memref<125000x128xf32, #tpu.memory_space<hbm>> -> memref<64x128xf32, #tpu.memory_space<hbm>>
        %dma_wait3A_43 = arith.constant 0 : i32
        %dma_wait3A_44 = tpu.memref_slice %arg7[%mul3A_38, %dma_wait3A_43] : memref<125000x128xf32, #tpu.memory_space<hbm>> -> memref<64x128xf32, #tpu.memory_space<hbm>>
        tpu.wait_dma2 semaphore(%run_scoped3A : memref<!tpu.dma_semaphore, #tpu.memory_space<semaphore_mem>>) src(%arg10 : memref<64x128xf32, #tpu.memory_space<vmem>>) dst(%dma_wait3A_44 : memref<64x128xf32, #tpu.memory_space<hbm>>)
        tpu.yield
      }) : () -> ()
    }
    %while3A_23 = arith.constant 1 : i32
    scf.for %while3A_29 = %while3A_21 to %while3A_17 step %while3A_23  : i32 {
      %mul3A_30 = arith.constant 32 : i32
      %mul3A_31 = arith.muli %while3A_29, %mul3A_30 : i32
      %add3A_32 = arith.addi %add3A, %mul3A_31 : i32
      %mul3A_33 = arith.constant 512 : i32
      %mul3A_34 = arith.muli %add3A_32, %mul3A_33 : i32
      "tpu.region"() ({
        %run_scoped3A = tpu.sem_alloc : memref<!tpu.dma_semaphore, #tpu.memory_space<semaphore_mem>>
        %dma_start3A = arith.constant 0 : i32
        %dma_start3A_39 = tpu.memref_slice %arg4[%dma_start3A, %mul3A_34] : memref<16x1000000xf32, #tpu.memory_space<hbm>> -> memref<16x512xf32, #tpu.memory_space<hbm>>
        %dma_start3A_40 = arith.constant 0 : i32
        %dma_start3A_41 = tpu.memref_slice %arg4[%dma_start3A_40, %mul3A_34] : memref<16x1000000xf32, #tpu.memory_space<hbm>> -> memref<16x512xf32, #tpu.memory_space<hbm>>
        tpu.enqueue_dma source(%dma_start3A_41 : memref<16x512xf32, #tpu.memory_space<hbm>>) target(%arg8 : memref<16x512xf32, #tpu.memory_space<vmem>>) target_semaphore(%run_scoped3A : memref<!tpu.dma_semaphore, #tpu.memory_space<semaphore_mem>>)
        %dma_wait3A = arith.constant 0 : i32
        %dma_wait3A_42 = tpu.memref_slice %arg4[%dma_wait3A, %mul3A_34] : memref<16x1000000xf32, #tpu.memory_space<hbm>> -> memref<16x512xf32, #tpu.memory_space<hbm>>
        %dma_wait3A_43 = arith.constant 0 : i32
        %dma_wait3A_44 = tpu.memref_slice %arg4[%dma_wait3A_43, %mul3A_34] : memref<16x1000000xf32, #tpu.memory_space<hbm>> -> memref<16x512xf32, #tpu.memory_space<hbm>>
        tpu.wait_dma2 semaphore(%run_scoped3A : memref<!tpu.dma_semaphore, #tpu.memory_space<semaphore_mem>>) src(%dma_wait3A_44 : memref<16x512xf32, #tpu.memory_space<hbm>>) dst(%arg8 : memref<16x512xf32, #tpu.memory_space<vmem>>)
        tpu.yield
      }) : () -> ()
      %parallel_loop3A = arith.constant 0 : i32
      %parallel_loop3A_35 = arith.constant 512 : i32
      %parallel_loop3A_36 = arith.constant 1 : i32
      scf.for %parallel_loop3A_39 = %parallel_loop3A to %parallel_loop3A_35 step %parallel_loop3A_36  : i32 {
        %parallel_loop3A_40 = arith.constant 0 : i32
        %parallel_loop3A_41 = vector.broadcast %parallel_loop3A_40 : i32 to vector<16xi32>
        %parallel_loop3A_42 = vector.broadcast %parallel_loop3A_39 : i32 to vector<16xi32>
        %parallel_loop3A_43 = arith.addi %parallel_loop3A_41, %parallel_loop3A_42 : vector<16xi32>
        %parallel_loop3A_44 = tpu.vector_load_idx %arg8[%iota3A, %parallel_loop3A_43] : memref<16x512xf32, #tpu.memory_space<vmem>>[vector<16xi32>, vector<16xi32>], vector<16xf32>,
        %parallel_loop3A_45 = arith.constant 8 : i32
        %parallel_loop3A_46 = arith.divsi %parallel_loop3A_39, %parallel_loop3A_45 : i32
        %parallel_loop3A_47 = arith.constant 0 : i32
        %parallel_loop3A_48 = arith.cmpi sgt, %parallel_loop3A_39, %parallel_loop3A_47 : i32
        %parallel_loop3A_49 = arith.extui %parallel_loop3A_48 : i1 to i32
        %parallel_loop3A_50 = arith.constant 0 : i32
        %parallel_loop3A_51 = arith.cmpi slt, %parallel_loop3A_39, %parallel_loop3A_50 : i32
        %parallel_loop3A_52 = arith.extui %parallel_loop3A_51 : i1 to i32
        %parallel_loop3A_53 = arith.subi %parallel_loop3A_49, %parallel_loop3A_52 : i32
        %parallel_loop3A_54 = arith.constant 0 : i32
        %parallel_loop3A_55 = arith.cmpi sgt, %parallel_loop3A_45, %parallel_loop3A_54 : i32
        %parallel_loop3A_56 = arith.extui %parallel_loop3A_55 : i1 to i32
        %parallel_loop3A_57 = arith.constant 0 : i32
        %parallel_loop3A_58 = arith.cmpi slt, %parallel_loop3A_45, %parallel_loop3A_57 : i32
        %parallel_loop3A_59 = arith.extui %parallel_loop3A_58 : i1 to i32
        %parallel_loop3A_60 = arith.subi %parallel_loop3A_56, %parallel_loop3A_59 : i32
        %parallel_loop3A_61 = arith.cmpi ne, %parallel_loop3A_53, %parallel_loop3A_60 : i32
        %parallel_loop3A_62 = arith.remsi %parallel_loop3A_39, %parallel_loop3A_45 : i32
        %parallel_loop3A_63 = arith.constant 0 : i32
        %parallel_loop3A_64 = arith.cmpi ne, %parallel_loop3A_62, %parallel_loop3A_63 : i32
        %parallel_loop3A_65 = arith.andi %parallel_loop3A_61, %parallel_loop3A_64 : i1
        %parallel_loop3A_66 = arith.constant 1 : i32
        %parallel_loop3A_67 = arith.subi %parallel_loop3A_46, %parallel_loop3A_66 : i32
        %parallel_loop3A_68 = arith.select %parallel_loop3A_65, %parallel_loop3A_67, %parallel_loop3A_46 : i32
        %parallel_loop3A_69 = arith.constant 8 : i32
        %parallel_loop3A_70 = arith.constant 0 : i32
        %parallel_loop3A_71 = arith.cmpi eq, %parallel_loop3A_69, %parallel_loop3A_70 : i32
        %parallel_loop3A_72 = arith.constant 1 : i32
        %parallel_loop3A_73 = arith.select %parallel_loop3A_71, %parallel_loop3A_72, %parallel_loop3A_69 : i32
        %parallel_loop3A_74 = arith.remsi %parallel_loop3A_39, %parallel_loop3A_73 : i32
        %parallel_loop3A_75 = arith.constant 0 : i32
        %parallel_loop3A_76 = arith.cmpi ne, %parallel_loop3A_74, %parallel_loop3A_75 : i32
        %parallel_loop3A_77 = arith.constant 0 : i32
        %parallel_loop3A_78 = arith.cmpi slt, %parallel_loop3A_74, %parallel_loop3A_77 : i32
        %parallel_loop3A_79 = arith.constant 0 : i32
        %parallel_loop3A_80 = arith.cmpi slt, %parallel_loop3A_73, %parallel_loop3A_79 : i32
        %parallel_loop3A_81 = arith.xori %parallel_loop3A_78, %parallel_loop3A_80 : i1
        %parallel_loop3A_82 = arith.andi %parallel_loop3A_81, %parallel_loop3A_76 : i1
        %parallel_loop3A_83 = arith.addi %parallel_loop3A_74, %parallel_loop3A_73 : i32
        %parallel_loop3A_84 = arith.select %parallel_loop3A_82, %parallel_loop3A_83, %parallel_loop3A_74 : i32
        %parallel_loop3A_85 = arith.constant 16 : i32
        %parallel_loop3A_86 = arith.muli %parallel_loop3A_85, %parallel_loop3A_84 : i32
        %parallel_loop3A_87 = arith.index_cast %parallel_loop3A_68 : i32 to index
        %parallel_loop3A_88 = arith.index_cast %parallel_loop3A_86 : i32 to index
        %parallel_loop3A_89 = tpu.vector_load %arg10[%parallel_loop3A_87, %parallel_loop3A_88] {strides = array<i32>} : memref<64x128xf32, #tpu.memory_space<vmem>>, vector<16xf32>,
        tpu.vector_store %arg10[%parallel_loop3A_87, %parallel_loop3A_88], %parallel_loop3A_44 {strides = array<i32>} : memref<64x128xf32, #tpu.memory_space<vmem>>, vector<16xf32>,
      } {sc.loop_unroll_factor = 16 : i64, sc.parallel_access}
      %mul3A_37 = arith.constant 64 : i32
      %mul3A_38 = arith.muli %add3A_32, %mul3A_37 : i32
      "tpu.region"() ({
        %run_scoped3A = tpu.sem_alloc : memref<!tpu.dma_semaphore, #tpu.memory_space<semaphore_mem>>
        %dma_start3A = arith.constant 0 : i32
        %dma_start3A_39 = tpu.memref_slice %arg7[%mul3A_38, %dma_start3A] : memref<125000x128xf32, #tpu.memory_space<hbm>> -> memref<64x128xf32, #tpu.memory_space<hbm>>
        %dma_start3A_40 = arith.constant 0 : i32
        %dma_start3A_41 = tpu.memref_slice %arg7[%mul3A_38, %dma_start3A_40] : memref<125000x128xf32, #tpu.memory_space<hbm>> -> memref<64x128xf32, #tpu.memory_space<hbm>>
        tpu.enqueue_dma source(%arg10 : memref<64x128xf32, #tpu.memory_space<vmem>>) target(%dma_start3A_41 : memref<64x128xf32, #tpu.memory_space<hbm>>) target_semaphore(%run_scoped3A : memref<!tpu.dma_semaphore, #tpu.memory_space<semaphore_mem>>)
        %dma_wait3A = arith.constant 0 : i32
        %dma_wait3A_42 = tpu.memref_slice %arg7[%mul3A_38, %dma_wait3A] : memref<125000x128xf32, #tpu.memory_space<hbm>> -> memref<64x128xf32, #tpu.memory_space<hbm>>
        %dma_wait3A_43 = arith.constant 0 : i32
        %dma_wait3A_44 = tpu.memref_slice %arg7[%mul3A_38, %dma_wait3A_43] : memref<125000x128xf32, #tpu.memory_space<hbm>> -> memref<64x128xf32, #tpu.memory_space<hbm>>
        tpu.wait_dma2 semaphore(%run_scoped3A : memref<!tpu.dma_semaphore, #tpu.memory_space<semaphore_mem>>) src(%arg10 : memref<64x128xf32, #tpu.memory_space<vmem>>) dst(%dma_wait3A_44 : memref<64x128xf32, #tpu.memory_space<hbm>>)
        tpu.yield
      }) : () -> ()
    }
    %eq3A_24 = arith.constant 31 : i32
    %eq3A_25 = arith.cmpi eq, %add3A, %eq3A_24 : i32
    %convert_element_type3A_26 = arith.extui %eq3A_25 : i1 to i32
    %cond3A_27 = arith.constant 0 : i32
    %cond3A_28 = arith.cmpi ne, %convert_element_type3A_26, %cond3A_27 : i32
    scf.if %cond3A_28 {
      "tpu.region"() ({
        %run_scoped3A = tpu.sem_alloc : memref<!tpu.dma_semaphore, #tpu.memory_space<semaphore_mem>>
        tpu.enqueue_dma source(%arg5 : memref<16x128xf32, #tpu.memory_space<hbm>>) target(%arg9 : memref<16x128xf32, #tpu.memory_space<vmem>>) target_semaphore(%run_scoped3A : memref<!tpu.dma_semaphore, #tpu.memory_space<semaphore_mem>>)
        tpu.wait_dma2 semaphore(%run_scoped3A : memref<!tpu.dma_semaphore, #tpu.memory_space<semaphore_mem>>) src(%arg5 : memref<16x128xf32, #tpu.memory_space<hbm>>) dst(%arg9 : memref<16x128xf32, #tpu.memory_space<vmem>>)
        tpu.yield
      }) : () -> ()
      %parallel_loop3A = arith.constant 0 : i32
      %parallel_loop3A_29 = arith.constant 64 : i32
      %parallel_loop3A_30 = arith.constant 1 : i32
      scf.for %parallel_loop3A_31 = %parallel_loop3A to %parallel_loop3A_29 step %parallel_loop3A_30  : i32 {
        %parallel_loop3A_32 = arith.constant 0 : i32
        %parallel_loop3A_33 = vector.broadcast %parallel_loop3A_32 : i32 to vector<16xi32>
        %parallel_loop3A_34 = vector.broadcast %parallel_loop3A_31 : i32 to vector<16xi32>
        %parallel_loop3A_35 = arith.addi %parallel_loop3A_33, %parallel_loop3A_34 : vector<16xi32>
        %parallel_loop3A_36 = tpu.vector_load_idx %arg9[%iota3A, %parallel_loop3A_35] : memref<16x128xf32, #tpu.memory_space<vmem>>[vector<16xi32>, vector<16xi32>], vector<16xf32>,
        %parallel_loop3A_37 = arith.constant 8 : i32
        %parallel_loop3A_38 = arith.divsi %parallel_loop3A_31, %parallel_loop3A_37 : i32
        %parallel_loop3A_39 = arith.constant 0 : i32
        %parallel_loop3A_40 = arith.cmpi sgt, %parallel_loop3A_31, %parallel_loop3A_39 : i32
        %parallel_loop3A_41 = arith.extui %parallel_loop3A_40 : i1 to i32
        %parallel_loop3A_42 = arith.constant 0 : i32
        %parallel_loop3A_43 = arith.cmpi slt, %parallel_loop3A_31, %parallel_loop3A_42 : i32
        %parallel_loop3A_44 = arith.extui %parallel_loop3A_43 : i1 to i32
        %parallel_loop3A_45 = arith.subi %parallel_loop3A_41, %parallel_loop3A_44 : i32
        %parallel_loop3A_46 = arith.constant 0 : i32
        %parallel_loop3A_47 = arith.cmpi sgt, %parallel_loop3A_37, %parallel_loop3A_46 : i32
        %parallel_loop3A_48 = arith.extui %parallel_loop3A_47 : i1 to i32
        %parallel_loop3A_49 = arith.constant 0 : i32
        %parallel_loop3A_50 = arith.cmpi slt, %parallel_loop3A_37, %parallel_loop3A_49 : i32
        %parallel_loop3A_51 = arith.extui %parallel_loop3A_50 : i1 to i32
        %parallel_loop3A_52 = arith.subi %parallel_loop3A_48, %parallel_loop3A_51 : i32
        %parallel_loop3A_53 = arith.cmpi ne, %parallel_loop3A_45, %parallel_loop3A_52 : i32
        %parallel_loop3A_54 = arith.remsi %parallel_loop3A_31, %parallel_loop3A_37 : i32
        %parallel_loop3A_55 = arith.constant 0 : i32
        %parallel_loop3A_56 = arith.cmpi ne, %parallel_loop3A_54, %parallel_loop3A_55 : i32
        %parallel_loop3A_57 = arith.andi %parallel_loop3A_53, %parallel_loop3A_56 : i1
        %parallel_loop3A_58 = arith.constant 1 : i32
        %parallel_loop3A_59 = arith.subi %parallel_loop3A_38, %parallel_loop3A_58 : i32
        %parallel_loop3A_60 = arith.select %parallel_loop3A_57, %parallel_loop3A_59, %parallel_loop3A_38 : i32
        %parallel_loop3A_61 = arith.constant 8 : i32
        %parallel_loop3A_62 = arith.constant 0 : i32
        %parallel_loop3A_63 = arith.cmpi eq, %parallel_loop3A_61, %parallel_loop3A_62 : i32
        %parallel_loop3A_64 = arith.constant 1 : i32
        %parallel_loop3A_65 = arith.select %parallel_loop3A_63, %parallel_loop3A_64, %parallel_loop3A_61 : i32
        %parallel_loop3A_66 = arith.remsi %parallel_loop3A_31, %parallel_loop3A_65 : i32
        %parallel_loop3A_67 = arith.constant 0 : i32
        %parallel_loop3A_68 = arith.cmpi ne, %parallel_loop3A_66, %parallel_loop3A_67 : i32
        %parallel_loop3A_69 = arith.constant 0 : i32
        %parallel_loop3A_70 = arith.cmpi slt, %parallel_loop3A_66, %parallel_loop3A_69 : i32
        %parallel_loop3A_71 = arith.constant 0 : i32
        %parallel_loop3A_72 = arith.cmpi slt, %parallel_loop3A_65, %parallel_loop3A_71 : i32
        %parallel_loop3A_73 = arith.xori %parallel_loop3A_70, %parallel_loop3A_72 : i1
        %parallel_loop3A_74 = arith.andi %parallel_loop3A_73, %parallel_loop3A_68 : i1
        %parallel_loop3A_75 = arith.addi %parallel_loop3A_66, %parallel_loop3A_65 : i32
        %parallel_loop3A_76 = arith.select %parallel_loop3A_74, %parallel_loop3A_75, %parallel_loop3A_66 : i32
        %parallel_loop3A_77 = arith.constant 16 : i32
        %parallel_loop3A_78 = arith.muli %parallel_loop3A_77, %parallel_loop3A_76 : i32
        %parallel_loop3A_79 = arith.index_cast %parallel_loop3A_60 : i32 to index
        %parallel_loop3A_80 = arith.index_cast %parallel_loop3A_78 : i32 to index
        %parallel_loop3A_81 = tpu.vector_load %arg10[%parallel_loop3A_79, %parallel_loop3A_80] {strides = array<i32>} : memref<64x128xf32, #tpu.memory_space<vmem>>, vector<16xf32>,
        tpu.vector_store %arg10[%parallel_loop3A_79, %parallel_loop3A_80], %parallel_loop3A_36 {strides = array<i32>} : memref<64x128xf32, #tpu.memory_space<vmem>>, vector<16xf32>,
      } {sc.loop_unroll_factor = 16 : i64, sc.parallel_access}
      "tpu.region"() ({
        %run_scoped3A = tpu.sem_alloc : memref<!tpu.dma_semaphore, #tpu.memory_space<semaphore_mem>>
        %dma_start3A = arith.constant 0 : i32
        %dma_start3A_31 = arith.constant 0 : i32
        %dma_start3A_32 = tpu.memref_slice %arg10[%dma_start3A, %dma_start3A_31] : memref<64x128xf32, #tpu.memory_space<vmem>> -> memref<8x128xf32, #tpu.memory_space<vmem>>
        %dma_start3A_33 = arith.constant 124992 : i32
        %dma_start3A_34 = arith.constant 0 : i32
        %dma_start3A_35 = tpu.memref_slice %arg7[%dma_start3A_33, %dma_start3A_34] : memref<125000x128xf32, #tpu.memory_space<hbm>> -> memref<8x128xf32, #tpu.memory_space<hbm>>
        %dma_start3A_36 = arith.constant 124992 : i32
        %dma_start3A_37 = arith.constant 0 : i32
        %dma_start3A_38 = tpu.memref_slice %arg7[%dma_start3A_36, %dma_start3A_37] : memref<125000x128xf32, #tpu.memory_space<hbm>> -> memref<8x128xf32, #tpu.memory_space<hbm>>
        %dma_start3A_39 = arith.constant 0 : i32
        %dma_start3A_40 = arith.constant 0 : i32
        %dma_start3A_41 = tpu.memref_slice %arg10[%dma_start3A_39, %dma_start3A_40] : memref<64x128xf32, #tpu.memory_space<vmem>> -> memref<8x128xf32, #tpu.memory_space<vmem>>
        tpu.enqueue_dma source(%dma_start3A_41 : memref<8x128xf32, #tpu.memory_space<vmem>>) target(%dma_start3A_38 : memref<8x128xf32, #tpu.memory_space<hbm>>) target_semaphore(%run_scoped3A : memref<!tpu.dma_semaphore, #tpu.memory_space<semaphore_mem>>)
        %dma_wait3A = arith.constant 0 : i32
        %dma_wait3A_42 = arith.constant 0 : i32
        %dma_wait3A_43 = tpu.memref_slice %arg10[%dma_wait3A, %dma_wait3A_42] : memref<64x128xf32, #tpu.memory_space<vmem>> -> memref<8x128xf32, #tpu.memory_space<vmem>>
        %dma_wait3A_44 = arith.constant 124992 : i32
        %dma_wait3A_45 = arith.constant 0 : i32
        %dma_wait3A_46 = tpu.memref_slice %arg7[%dma_wait3A_44, %dma_wait3A_45] : memref<125000x128xf32, #tpu.memory_space<hbm>> -> memref<8x128xf32, #tpu.memory_space<hbm>>
        %dma_wait3A_47 = arith.constant 124992 : i32
        %dma_wait3A_48 = arith.constant 0 : i32
        %dma_wait3A_49 = tpu.memref_slice %arg7[%dma_wait3A_47, %dma_wait3A_48] : memref<125000x128xf32, #tpu.memory_space<hbm>> -> memref<8x128xf32, #tpu.memory_space<hbm>>
        %dma_wait3A_50 = arith.constant 0 : i32
        %dma_wait3A_51 = arith.constant 0 : i32
        %dma_wait3A_52 = tpu.memref_slice %arg10[%dma_wait3A_50, %dma_wait3A_51] : memref<64x128xf32, #tpu.memory_space<vmem>> -> memref<8x128xf32, #tpu.memory_space<vmem>>
        tpu.wait_dma2 semaphore(%run_scoped3A : memref<!tpu.dma_semaphore, #tpu.memory_space<semaphore_mem>>) src(%dma_wait3A_52 : memref<8x128xf32, #tpu.memory_space<vmem>>) dst(%dma_wait3A_49 : memref<8x128xf32, #tpu.memory_space<hbm>>)
        tpu.yield
      }) : () -> ()
    } else {
    }
    return
  }
}

</mosaic_0001>

<sc_bundles>
// kernel: kernel.4.cloned.1.call-start
scs
__scs_entry_jumppad:
0x0: {  	(pc) =	sbr.rel $0x88, $3  }
0x1: {  	(tag) =	ssettag $0x0;
	lr =	simm.s32 $0x1  }
0x2: {  	[smem:$0x3F9C] =	sst lr;
	_ =	strace $0xD0000000  }
0x3: {  	_ = 	snop  }
0x4: {  	_ = 	snop  }
0x5: {  	_ = 	snop  }
0x6: {  	_ = 	snop  }
0x7: {  	_ = 	snop  }
__scs_overlays_trampoline_lowered:
0x8: {  	[smem:$0x3FAB] =	sst s0  }
0x9: {  	[smem:$0x3FAC] =	sst s1  }
0xa: {  	[smem:$0x3FAD] =	sst s2  }
0xb: {  	[smem:$0x3FAE] =	sst s3  }
0xc: {  	[smem:$0x3FAF] =	sst s4  }
0xd: {  	[smem:$0x3FB0] =	sst s5  }
0xe: {  	[smem:$0x3FB1] =	sst s6  }
0xf: {  	[smem:$0x3FB2] =	sst s7  }
0x10: {  	[smem:$0x3FB3] =	sst s8  }
0x11: {  	[smem:$0x3FB4] =	sst s9;
	s0 =	simm.s32 @!p0 $0x0  }
0x12: {  	s1 =	sld [smem:$0x3F9A];
	s0 =	simm.s32 @p0 $0x1  }
0x13: {  	[smem:$0x3FB5] =	sst s0;
	s0 =	simm.s32 @!p1 $0x0  }
0x14: {  	s2 =	sld [smem:$0x3F99];
	s0 =	simm.s32 @p1 $0x1  }
0x15: {  	[smem:$0x3FB6] =	sst s0;
	s0 =	simm.s32 @!p2 $0x0  }
0x16: {  	s3 =	sld [smem:$0x3FDB];
	s0 =	simm.s32 @p2 $0x1  }
0x17: {  	s4 =	simm.s32 $0x1BF5;
	[smem:$0x3FB8] =	sst s0  }
0x18: {  	s0 =	sld [smem:$0x3F9B];
	_ =	swait.ge [sflag:s4], $0x0  }
0x19: {  	s7 =	sld [smem:$0x3F9C]  }
0x1a: {  	s8 =	sadd.s32 $0xFFFFE003, lr  }
0x1b: {  	s9 =	sadd.s32 $0xFFFFFEF7, lr;
	s5 =	simm.s32 $0xFFFFFFFF;
	p2 =	slt.u32 s8, $0xFFFFF086  }
0x1c: {  	p1 =	slt.u32 s9, $0xF7A;
	s5 =	simm.s32 @!p2 $0x0  }
0x1d: {  	s5 =	simm.s32 @p1 $0x1;
	p0 =	seq.s32 s7, s2  }
0x1e: {  	s7 =	smul.u32 @!p0 $0xF7A, s2;
	p2 =	seq.s32 @!p0 s5, $0x0  }
0x1f: {  	s9 =	smul.u32 $0xF7A, s1;
	s8 =	simm.s32 @!p0 $0x1BF5;
	p2 =	por !p2, p0  }
0x20: {  	[sflag:s8] =	ssyncset.s32 @!p0 $0xFFFFF086;
	s6 =	sadd.s32 @!p0 s3, s7;
	s7 =	simm.s32 @!p0 $0x108  }
0x21: {  	s3 =	sadd.s32 s3, s9;
	s6 =	sadd.s32 @!p0 $0x88, s6;
	s7 =	simm.s32 @p2 $0x1082  }
0x22: {  	[simem:s7], [sflag:s8] =	dma.local @!p0 [hbm:s6], $0xF7A  }
0x23: {  	s9 =	sor.u32 $0xD0000000, s2;
	s6 =	simm.s32 $0x108;
	_ =	swait.ge @!p0 [sflag:s8], $0x0  }
0x24: {  	s3 =	sadd.s32 $0x88, s3;
	s6 =	simm.s32 @!p1 $0x1082;
	[sflag:s4] =	ssyncset.s32 $0xFFFFF086  }
0x25: {  	[simem:s6], [sflag:s4] =	dma.local [hbm:s3], $0xF7A  }
0x26: {  	[smem:$0x3F9C] =	sst s1;
	(tag) =	ssettag s2;
	_ =	strace s9  }
0x27: {  	s1 =	sld [smem:$0x3FAC]  }
0x28: {  	s2 =	sld [smem:$0x3FAD]  }
0x29: {  	s4 =	sld [smem:$0x3FAF]  }
0x2a: {  	p0 =	seq.s32 s5, $0x0;
	s5 =	sld [smem:$0x3FB0]  }
0x2b: {  	s6 =	sld [smem:$0x3FB1]  }
0x2c: {  	s7 =	sld [smem:$0x3FB2]  }
0x2d: {  	s3 =	simm.s32 $0x108;
	s8 =	sld [smem:$0x3FB3]  }
0x2e: {  	s3 =	simm.s32 @!p0 $0x1082;
	s9 =	sld [smem:$0x3FB4]  }
0x2f: {  	lr =	sadd.s32 s0, s3;
	s0 =	sld [smem:$0x3FAB]  }
0x30: {  	s3 =	sld [smem:$0x3FAE]  }
0x31: {  	[smem:$0x3FB7] =	sst s10  }
0x32: {  	s10 =	sld [smem:$0x3FB5];
	_ =	sdelay $0x3  }
0x33: {  	p0 =	seq.s32 s10, $0x1;
	s10 =	sld [smem:$0x3FB7];
	_ =	sdelay $0x3  }
0x34: {  	[smem:$0x3FB7] =	sst s10  }
0x35: {  	s10 =	sld [smem:$0x3FB6];
	_ =	sdelay $0x3  }
0x36: {  	p1 =	seq.s32 s10, $0x1;
	s10 =	sld [smem:$0x3FB7];
	_ =	sdelay $0x3  }
0x37: {  	[smem:$0x3FB7] =	sst s10  }
0x38: {  	s10 =	sld [smem:$0x3FB8]  }
0x39: {  	_ = 	snop;
	(pc) =	sbr.ind lr, $3  }
0x3a: {  	_ = 	snop  }
0x3b: {  	_ = 	snop  }
0x3c: {  	p2 =	seq.s32 s10, $0x1;
	s10 =	sld [smem:$0x3FB7]  }
0x3d: {  	_ =	shalt  }
0x3e: {  	_ =	shalt  }
0x3f: {  	_ =	shalt  }
0x40: {  	_ =	shalt  }
0x41: {  	_ =	shalt  }
0x42: {  	_ =	shalt  }
0x43: {  	_ =	shalt  }
0x44: {  	_ =	shalt  }
0x45: {  	_ =	shalt  }
0x46: {  	_ =	shalt  }
0x47: {  	_ =	shalt  }
0x48: {  	_ =	shalt  }
0x49: {  	_ =	shalt  }
0x4a: {  	_ =	shalt  }
0x4b: {  	_ =	shalt  }
0x4c: {  	_ =	shalt  }
0x4d: {  	_ =	shalt  }
0x4e: {  	_ =	shalt  }
0x4f: {  	_ =	shalt  }
0x50: {  	_ =	shalt  }
0x51: {  	_ =	shalt  }
0x52: {  	_ =	shalt  }
0x53: {  	_ =	shalt  }
0x54: {  	_ =	shalt  }
0x55: {  	_ =	shalt  }
0x56: {  	_ =	shalt  }
0x57: {  	_ =	shalt  }
0x58: {  	_ =	shalt  }
0x59: {  	_ =	shalt  }
0x5a: {  	_ =	shalt  }
0x5b: {  	_ =	shalt  }
0x5c: {  	_ =	shalt  }
0x5d: {  	_ =	shalt  }
0x5e: {  	_ =	shalt  }
0x5f: {  	_ =	shalt  }
0x60: {  	_ =	shalt  }
0x61: {  	_ =	shalt  }
0x62: {  	_ =	shalt  }
0x63: {  	_ =	shalt  }
0x64: {  	_ =	shalt  }
0x65: {  	_ =	shalt  }
0x66: {  	_ =	shalt  }
0x67: {  	_ =	shalt  }
0x68: {  	_ =	shalt  }
0x69: {  	_ =	shalt  }
0x6a: {  	_ =	shalt  }
0x6b: {  	_ =	shalt  }
0x6c: {  	_ =	shalt  }
0x6d: {  	_ =	shalt  }
0x6e: {  	_ =	shalt  }
0x6f: {  	_ =	shalt  }
0x70: {  	_ =	shalt  }
0x71: {  	_ =	shalt  }
0x72: {  	_ =	shalt  }
0x73: {  	_ =	shalt  }
0x74: {  	_ =	shalt  }
0x75: {  	_ =	shalt  }
0x76: {  	_ =	shalt  }
0x77: {  	_ =	shalt  }
0x78: {  	_ =	shalt  }
0x79: {  	_ =	shalt  }
0x7a: {  	_ =	shalt  }
0x7b: {  	_ =	shalt  }
0x7c: {  	_ =	shalt  }
0x7d: {  	_ =	shalt  }
0x7e: {  	_ =	shalt  }
0x7f: {  	_ =	shalt  }
0x80: {  	_ =	shalt  }
0x81: {  	_ =	shalt  }
0x82: {  	_ =	shalt  }
0x83: {  	_ =	shalt  }
0x84: {  	_ =	shalt  }
0x85: {  	_ =	shalt  }
0x86: {  	_ =	shalt  }
0x87: {  	_ =	shalt  }
.Lfunc_end0:
.L_simem_size_0:
called_computation_lowered:
.L_overlay_start_0:
0x88: {  	s2 =	sld [smem:$0x3FD9]  }
0x89: {  	s3 =	sld [smem:$0x3FFE];
	_ =	sdelay $0x1  }
0x8a: {  	s1 =	srdreg.scid  }
0x8b: {  	s0 =	sand.u32 $0x1, s1  }
0x8c: {  	s14 =	sshll.u32 s0, $0xA;
	s2 =	sadd.s32 s3, s2  }
0x8d: {  	s2 =	sadd.s32 s2, s14  }
0x8e: {  	[smem:$0x3FC3] =	sst s2  }
0x8f: {  	_ = 	snop  }
0x90: {  	s2 =	sld [smem:$0x3FD0];
	_ =	sdelay $0x1  }
0x91: {  	s15 =	sld [smem:$0x3FC6]  }
0x92: {  	s5 =	simm.s32 $0xA;
	s6 =	simm.s32 $0x10;
	s4 =	sld [smem:$0x3FC5]  }
0x93: {  	[smem:s6], [sflag:s5] =	dma.local [hbm:s2], $0x1  }
0x94: {  	_ =	swait.eq [sflag:s5], $0x1  }
0x95: {  	[sflag:s5] =	ssyncset.done $0x0  }
0x96: {  	s16 =	sld [smem:$0x10];
	[sflag:s5] =	ssyncadd.s32 $0xFFFFFFFF  }
0x97: {  	s17 =	sld [smem:$0x11];
	(tm) =	ssettm $0x1  }
0x98: {  	s18 =	sld [smem:$0x3FFB];
	_ =	sdelay $0x3  }
0x99: {  	_ =	strace s18  }
0x9a: {  	s6 =	sld [smem:$0x3FFC];
	_ =	sdelay $0x3  }
0x9b: {  	_ =	strace s6  }
0x9c: {  	s6 =	sld [smem:$0x3FFD];
	_ =	sdelay $0x3  }
0x9d: {  	_ =	strace s6  }
0x9e: {  	_ =	strace $0x8FFFFFFF  }
0x9f: {  	s19 =	sld [smem:$0x3FDB];
	_ =	sdelay $0x1  }
0xa0: {  	s7 =	simm.s32 $_scs_section_size  }
0xa1: {  	s8 =	simm.s32 $_size__tile_overlayer_lowered;
	s9 =	simm.s32 $_tile_overlayer_lowered  }
0xa2: {  	s22 =	simm.s32 $0x1BFF;
	s21 =	sshll.u32 s9, $0x1;
	s6 =	sadd.s32 s7, s19  }
0xa3: {  	s10 =	simm.s32 $0x0;
	s20 =	sshll.u32 s8, $0x1;
	s8 =	sadd.s32 s21, s6  }
0xa4: {  	[timem:s10], [sflag:s22] =	dma.local [hbm:s8], s20  }
0xa5: {  	_ =	swait.ge [sflag:s22], s20  }
0xa6: {  	s7 =	ssub.s32 $0x0, s20;
	[sflag:s22] =	ssyncset.done $0x0  }
0xa7: {  	[sflag:s22] =	ssyncadd.s32 s7;
	_ =	sdelay $0x1  }
0xa8: {  	s23 =	simm.s32 $0x1B8B  }
0xa9: {  	_ =	swait.ge [sflag:s23], $0x1  }
0xaa: {  	[sflag:s23] =	ssyncset.done $0x0  }
0xab: {  	s25 =	simm.s32 $0x1B8E;
	s24 =	sld [smem:$0x3FFE];
	[sflag:s23] =	ssyncadd.s32 $0xFFFFFFFF  }
0xac: {  	s26 =	simm.s32 $execute0_lowered;
	[smem:$0x3FD2] =	sst s25  }
0xad: {  	s8 =	sshll.u32 s26, $0x1;
	_ =	strace $0x80000046;
	[dreg:$0x1] =	wrdreg $0xFFFFFFFF  }
0xae: {  	s28 =	simm.s32 $_size_execute0_lowered;
	s6 =	sadd.s32 s6, s8;
	[dreg:$0x0] =	wrdreg $0x0  }
0xaf: {  	s8 =	sshll.u32 s28, $0x1;
	[dreg:$0x2] =	wrdreg s6  }
0xb0: {  	[dreg:$0x3] =	wrdreg s8  }
0xb1: {  	[dreg:$0x4] =	wrdreg $0xC0  }
0xb2: {  	_ =	task [dreg:s10], $0x5FFFF  }
0xb3: {  	[dreg:$0x1] =	wrdreg $0xFFFFFFFF  }
0xb4: {  	[dreg:$0x0] =	wrdreg $0x60  }
0xb5: {  	[dreg:$0x2] =	wrdreg s15  }
0xb6: {  	[dreg:$0x3] =	wrdreg s16  }
0xb7: {  	[dreg:$0x4] =	wrdreg s4  }
0xb8: {  	[dreg:$0x5] =	wrdreg s17  }
0xb9: {  	[dreg:$0x6] =	wrdreg s24  }
0xba: {  	[dreg:$0x7] =	wrdreg $0x9  }
0xbb: {  	_ =	task.clear_ibuf [dreg:s10], $0x8FFFF;
	_ =	strace $0x90000046  }
0xbc: {  	s29 =	simm.s32 $0x9;
	_ =	strace $0x80000048  }
0xbd: {  	_ =	swait.ge [sflag:s29], $0x1  }
0xbe: {  	[sflag:s29] =	ssyncadd.s32 $0xFFFFFFFF  }
0xbf: {  	_ =	strace $0x90000048  }
0xc0: {  	_ =	sfence  }
0xc1: {  	s30 =	sld [smem:$0x0];
	_ =	sdelay $0x2  }
0xc2: {  	s31 =	sshll.u32 s1, $0xD;
	s1 =	sshrl.u32 s1, $0x2  }
0xc3: {  	s3 =	sand.u32 $0x4000, s31;
	s1 =	sadd.s32 s1, s30  }
0xc4: {  	s0 =	sor.u32 s3, s0;
	s1 =	sshll.u32 s1, $0x11  }
0xc5: {  	s0 =	sor.u32 s1, s0  }
0xc6: {  	s0 =	sadd.s32 $0x8F2B, s0  }
0xc7: {  	[sflag:s0] =	ssyncadd.remote.s32 $0x1  }
0xc8: {  	_ =	sfence.sel $0xFFFF  }
0xc9: {  	[dreg:$0x0] =	wrdreg $0xFFFFFFFF;
	(pc) =	sbr.abs _section_cstart, $3  }
0xca: {  	[dreg:$0x1] =	wrdreg $0xFFFFFFFF  }
0xcb: {  	_ =	task.clear_ibuf [dreg:s10], $0x2FFFF;
	_ =	strace $0x9FFFFFFF  }
0xcc: {  	(tm) =	ssettm $0x7FFFFFFF  }
0xcd: {  	_ =	shalt  }
tec
execute0_lowered:
.L_overlay_start_1:
0x0: {  	(tag) =	ssettag $0x1  }
0x1: {  	v0 =	vimm.s32 $0x1380;
	vm0 =	vcmask $0x300  }
0x2: {  	vm14 =	vcmask $0x704;
	v0 =	vsel vm0, $0x0, v0  }
0x3: {  	s0 =	rddreg [dreg:$0x0];
	vm15 =	vcmask $0xB08;
	v0 =	vsel vm14, $0x80, v0  }
0x4: {  	s1 =	rddreg [dreg:$0x1];
	vm4 =	vcmask $0xF0C;
	v0 =	vsel vm15, $0x100, v0  }
0x5: {  	s2 =	rddreg [dreg:$0x2];
	vm5 =	vcmask $0x1310;
	v0 =	vsel vm4, $0x180, v0  }
0x6: {  	s4 =	rddreg [dreg:$0x3];
	vm6 =	vcmask $0x1714;
	v0 =	vsel vm5, $0x200, v0  }
0x7: {  	s12 =	rddreg [dreg:$0x4];
	vm7 =	vcmask $0x1B18;
	v0 =	vsel vm6, $0x280, v0  }
0x8: {  	s5 =	simm.s32 $0x0;
	vm8 =	vcmask $0x1F1C;
	s8 =	srdreg.scid;
	s3 =	stileid.u32;
	v0 =	vsel vm7, $0x300, v0  }
0x9: {  	vm9 =	vcmask $0x2320;
	s14 =	simm.s32 $0x1000;
	s15 =	simm.s32 $0x7A1400;
	s16 =	simm.s32 $0x1;
	v0 =	vsel vm8, $0x380, v0  }
0xa: {  	vm10 =	vcmask $0x2724;
	s17 =	simm.s32 $0x2800;
	s18 =	simm.s32 $0x2000;
	s19 =	simm.s32 $0x0;
	v0 =	vsel vm9, $0x1000, v0  }
0xb: {  	vm11 =	vcmask $0x2B28;
	[smem:$0x7FF] =	sst s5;
	s7 =	sadd.s32 $0x1600, s12;
	s9 =	sand.u32 $0x1, s8;
	v0 =	vsel vm10, $0x1080, v0  }
.Ltmp0:
0xc: {  	vm12 =	vcmask $0x2F2C;
	s10 =	sshll.u32 s3, $0x1;
	s8 =	sadd.s32 $0x1E9C00, s12;
	v0 =	vsel vm11, $0x1100, v0;
	(pc) =	sbr.rel .LBB2_1-.Ltmp0, $4  }
0xd: {  	vm13 =	vcmask $0x3330;
	_ =	strace $0x80000047;
	s11 =	ssub.s32 $0x2, s9;
	s9 =	sor.u32 s9, s10;
	v0 =	vsel vm12, $0x1180, v0  }
0xe: {  	s10 =	simm.s32 $0x3E;
	vm14 =	vcmask $0x3734;
	s13 =	sshrl.u32 s11, $0x1;
	p0 =	seq.s32 s9, $0x0;
	v0 =	vsel vm13, $0x1200, v0  }
0xf: {  	v1 =	vlaneseq.u32;
	vm15 =	vcmask $0x3B38;
	s13 =	ssub.s32 s11, s13;
	s10 =	simm.s32 @!p0 $0x3D;
	s11 =	sadd.s32 $0x1E9A00, s12;
	v0 =	vsel vm14, $0x1280, v0  }
0x10: {  	v1 =	vmul.u32 $0x80, v1;
	s12 =	sadd.s32 $0x3D2000, s12;
	p0 =	sne.s32 s9, $0x1F;
	s13 =	smax.u32 s13, $0x1;
	v0 =	vsel vm15, $0x1300, v0  }
.LBB2_17:
0x11: {  	s19 =	sadd.s32 $0x1, s19  }
0x12: {  	p1 =	sne.s32 s19, s13  }
.Ltmp1:
0x13: {  	_ = 	snop;
	(pc) =	sbr.rel @!p1 .LBB2_18-.Ltmp1, $1  }
0x14: {  	_ =	sdelay $0x3  }
.LBB2_1:
0x15: {  	s20 =	simm.s32 $0x0  }
.LBB2_2:
0x16: {  	s22 =	simm.s32 $0x0;
	s21 =	simm.s32 $0x1  }
0x17: {  	s23 =	simm.s32 $0x2;
	s28 =	simm.s32 $0x4;
	s29 =	simm.s32 $0x6;
	v2 =	vmov s22;
	v4 =	vmov s21  }
0x18: {  	s30 =	simm.s32 $0x7;
	s31 =	simm.s32 $0x8;
	s24 =	simm.s32 $0x3;
	v5 =	vmov s23;
	v6 =	vmov s28;
	v7 =	vmov s29  }
0x19: {  	s3 =	simm.s32 $0x9;
	s6 =	simm.s32 $0xA;
	s25 =	simm.s32 $0xD;
	v9 =	vmov s30;
	v10 =	vmov s31;
	v11 =	vmov s24  }
0x1a: {  	s26 =	simm.s32 $0xF;
	v12 =	vmov s3;
	v13 =	vmov s6;
	v21 =	vmov s25  }
0x1b: {  	v24 =	vmov s26;
	v3 =	vshll.u32 v2, $0x3;
	v2 =	vand.u32 $0x70, v2  }
0x1c: {  	s23 =	simm.s32 $0xB;
	s24 =	simm.s32 $0xC;
	v8 =	vand.u32 $0x71, v4;
	v15 =	vand.u32 $0x73, v11;
	v14 =	vshll.u32 v6, $0x3  }
0x1d: {  	v16 =	vmov s23;
	v6 =	vand.u32 $0x74, v6;
	v18 =	vmov s24  }
0x1e: {  	v19 =	vand.u32 $0x72, v5;
	v20 =	vand.u32 $0x76, v7;
	v22 =	vshll.u32 v11, $0x3  }
0x1f: {  	s28 =	simm.s32 $0x5;
	v11 =	vand.u32 $0x77, v9;
	v23 =	vand.u32 $0x7A, v13;
	v9 =	vshll.u32 v9, $0x3  }
0x20: {  	v25 =	vmov s28;
	v26 =	vshll.u32 v24, $0x3;
	v24 =	vand.u32 $0x7F, v24  }
0x21: {  	s31 =	simm.s32 $0xE;
	v5 =	vshll.u32 v5, $0x3;
	v53 =	vand.u32 $0x7D, v21;
	v21 =	vshll.u32 v21, $0x3  }
0x22: {  	v13 =	vshll.u32 v13, $0x3;
	v4 =	vshll.u32 v4, $0x3;
	v55 =	vmov s31  }
0x23: {  	v28 =	vand.u32 $0x79, v12;
	v12 =	vshll.u32 v12, $0x3;
	v7 =	vshll.u32 v7, $0x3  }
0x24: {  	v17 =	vshll.u32 v16, $0x3;
	v3 =	vand.u32 $0xC00, v3;
	v9 =	vand.u32 $0xC00, v9  }
0x25: {  	v27 =	vshll.u32 v25, $0x3;
	v26 =	vand.u32 $0xC00, v26;
	v52 =	vand.u32 $0x75, v25  }
0x26: {  	s29 =	sshll.u32 s20, $0x5;
	v54 =	vshll.u32 v18, $0x3;
	v21 =	vand.u32 $0xC00, v21;
	v13 =	vand.u32 $0xC00, v13  }
0x27: {  	s21 =	sor.u32 s9, s29;
	v14 =	vand.u32 $0xC00, v14;
	v18 =	vand.u32 $0x7C, v18;
	v16 =	vand.u32 $0x7B, v16  }
0x28: {  	s30 =	sshll.u32 s21, $0x9;
	v56 =	vand.u32 $0x7E, v55;
	v4 =	vand.u32 $0xC00, v4;
	v9 =	vor.u32 v9, v11  }
0x29: {  	v27 =	vand.u32 $0xC00, v27;
	v11 =	vor.u32 v26, v24;
	s23 =	sadd.s32 s0, s30;
	v9 =	vor.u32 v0, v9  }
0x2a: {  	v21 =	vor.u32 v21, v53;
	v13 =	vor.u32 v13, v23;
	v11 =	vor.u32 v0, v11;
	[tilespmem:s22], [sflag:$0x1] =	stream.strided.gather [hbm4b:s23+s14], $0x2000, s15, s14, $0x38;
	[tilespmem:$0x4800] =	vst v63  }
0x2b: {  	v6 =	vor.u32 v14, v6;
	v14 =	vand.u32 $0x78, v10;
	v21 =	vor.u32 v0, v21;
	_ =	swait.ge [sflag:s16], $0x2000  }
0x2c: {  	v10 =	vshll.u32 v10, $0x3;
	v17 =	vand.u32 $0xC00, v17;
	v13 =	vor.u32 v0, v13;
	[sflag:s16] =	ssyncset.done $0x0  }
0x2d: {  	v26 =	vand.u32 $0xC00, v54;
	v23 =	vshll.u32 v55, $0x3;
	v6 =	vor.u32 v0, v6;
	[sflag:s16] =	ssyncadd.s32 $0xFFFFE000  }
0x2e: {  	v2 =	vor.u32 v3, v2;
	v3 =	vand.u32 $0xC00, v5;
	v16 =	vor.u32 v17, v16;
	v9 =	vld.idx.msk [tilespmem:v9+s5+$0x0], $0xffff  }
0x2f: {  	v57 =	vand.u32 $0xC00, v10;
	v10 =	vor.u32 v26, v18;
	v58 =	vand.u32 $0xC00, v23;
	v59 =	vld.idx.msk [tilespmem:v11+s5+$0x0], $0xffff  }
0x30: {  	v11 =	vand.u32 $0xC00, v12;
	v12 =	vor.u32 v0, v10;
	v10 =	vor.u32 v58, v56;
	v60 =	vld.idx.msk [tilespmem:v21+s5+$0x0], $0xffff  }
0x31: {  	v62 =	vld.idx.msk [tilespmem:v13+s5+$0x0], $0xffff;
	v13 =	vor.u32 v0, v16;
	v61 =	vor.u32 v0, v10;
	v10 =	vor.u32 v4, v8  }
0x32: {  	s22 =	simm.s32 $0x2880;
	v4 =	vand.u32 $0xC00, v7;
	v63 =	vor.u32 v11, v28;
	v7 =	vor.u32 v57, v14;
	v8 =	vld.idx.msk [tilespmem:v6+s5+$0x0], $0xffff  }
0x33: {  	v6 =	vor.u32 v27, v52;
	v4 =	vor.u32 v4, v20;
	v14 =	vor.u32 v0, v7;
	[tilespmem:s22+$0xFFFFFFF0] =	vst v9  }
0x34: {  	v5 =	vor.u32 v0, v63;
	v11 =	vor.u32 v0, v4;
	v4 =	vor.u32 v0, v6;
	[tilespmem:s22+$0x70] =	vst v59  }
0x35: {  	v12 =	vld.idx.msk [tilespmem:v12+s5+$0x0], $0xffff;
	[tilespmem:s22+$0x50] =	vst v60;
	v9 =	vor.u32 v0, v2;
	v2 =	vor.u32 v3, v19;
	v3 =	vand.u32 $0xC00, v22  }
0x36: {  	s24 =	simm.s32 $0x2980;
	s23 =	simm.s32 $0x10;
	[tilespmem:s22+$0x20] =	vst v62;
	v7 =	vld.idx.msk [tilespmem:v61+s5+$0x0], $0xffff;
	v6 =	vor.u32 v0, v2;
	v2 =	vor.u32 v3, v15  }
.LBB2_3:
0x37: {  	s25 =	sadd.s32 $0x1, s23  }
0x38: {  	v3 =	vmov s23;
	s26 =	sadd.s32 $0x2, s23;
	s28 =	sadd.s32 $0x3, s23;
	v10 =	vor.u32 v0, v10;
	v15 =	vor.u32 v0, v2;
	v13 =	vld.idx.msk [tilespmem:v13+s5+$0x0], $0xffff;
	s29 =	smov.u32 s23  }
0x39: {  	s30 =	sadd.s32 $0xC, s23;
	v16 =	vshll.u32 v3, $0x3;
	v17 =	vmov s25;
	v18 =	vmov s26;
	s25 =	sadd.s32 $0x4, s23;
	s26 =	sadd.s32 $0x6, s23;
	v14 =	vld.idx.msk [tilespmem:v14+s5+$0x0], $0xffff  }
0x3a: {  	s31 =	sadd.s32 $0x8, s23;
	v2 =	vand.u32 $0x70, v3;
	v19 =	vmov s25;
	v20 =	vmov s26;
	s26 =	sadd.s32 $0x7, s23;
	s25 =	sadd.s32 $0xE, s23;
	[tilespmem:s22+$0xFFFFFFC0] =	vst v8;
	v8 =	vld.idx.msk [tilespmem:v11+s5+$0x0], $0xffff  }
0x3b: {  	s3 =	sadd.s32 $0x5, s23;
	v22 =	vmov s31;
	s31 =	sadd.s32 $0xA, s23;
	v11 =	vand.u32 $0x71, v17;
	v21 =	vmov s26;
	s26 =	sadd.s32 $0x9, s23;
	[tilespmem:s22+$0x40] =	vst v12  }
0x3c: {  	p1 =	slt.u32 s23, $0x1F0;
	v24 =	vmov s31;
	v12 =	vmov s28;
	s23 =	sadd.s32 $0x10, s23;
	v23 =	vmov s26;
	s26 =	sadd.s32 $0xB, s29;
	v9 =	vld.idx.msk [tilespmem:v9+s5+$0x0], $0xffff  }
0x3d: {  	v25 =	vshll.u32 v19, $0x3;
	v3 =	vand.u32 $0x73, v12;
	v26 =	vmov s26;
	v15 =	vld.idx.msk [tilespmem:v15+s5+$0x0], $0xffff  }
0x3e: {  	v28 =	vmov s30;
	v19 =	vand.u32 $0x74, v19;
	s26 =	sadd.s32 $0xD, s29;
	v27 =	vshll.u32 v26, $0x3;
	v6 =	vld.idx.msk [tilespmem:v6+s5+$0x0], $0xffff;
	[tilespmem:s22+$0x60] =	vst v7  }
0x3f: {  	v29 =	vand.u32 $0x76, v20;
	v7 =	vand.u32 $0x72, v18;
	v30 =	vmov s26;
	v4 =	vld.idx.msk [tilespmem:v4+s5+$0x0], $0xffff;
	[tilespmem:s22+$0x0] =	vst v14  }
0x40: {  	v31 =	vshll.u32 v12, $0x3;
	v12 =	vand.u32 $0x77, v21;
	s26 =	sadd.s32 $0xF, s29;
	v14 =	vand.u32 $0x7A, v24;
	[tilespmem:s22+$0xFFFFFFE0] =	vst v8;
	v5 =	vld.idx.msk [tilespmem:v5+s5+$0x0], $0xffff  }
0x41: {  	v16 =	vand.u32 $0xC00, v16;
	v8 =	vshll.u32 v21, $0x3;
	v21 =	vmov s26;
	v10 =	vld.idx.msk [tilespmem:v10+s5+$0x0], $0xffff  }
0x42: {  	v32 =	vmov s3;
	v8 =	vand.u32 $0xC00, v8;
	v33 =	vshll.u32 v21, $0x3;
	[tilespmem:s22+$0xFFFFFF80] =	vst v9  }
0x43: {  	v21 =	vand.u32 $0x7F, v21;
	v9 =	vshll.u32 v32, $0x3;
	v33 =	vand.u32 $0xC00, v33;
	[tilespmem:s22+$0xFFFFFFB0] =	vst v15  }
0x44: {  	v8 =	vor.u32 v8, v12;
	v9 =	vand.u32 $0xC00, v9;
	v12 =	vor.u32 v33, v21;
	[tilespmem:s22+$0x30] =	vst v13  }
0x45: {  	v15 =	vshll.u32 v18, $0x3;
	v8 =	vor.u32 v0, v8;
	v12 =	vor.u32 v0, v12;
	[tilespmem:s22+$0xFFFFFFD0] =	vst v4  }
0x46: {  	v18 =	vshll.u32 v30, $0x3;
	v13 =	vand.u32 $0x7D, v30;
	v4 =	vand.u32 $0x75, v32;
	[tilespmem:s22+$0x10] =	vst v5  }
0x47: {  	v21 =	vshll.u32 v28, $0x3;
	v18 =	vand.u32 $0xC00, v18;
	v5 =	vshll.u32 v24, $0x3;
	[tilespmem:s22+$0xFFFFFF90] =	vst v10  }
0x48: {  	v13 =	vor.u32 v18, v13;
	v10 =	vshll.u32 v17, $0x3;
	v5 =	vand.u32 $0xC00, v5;
	[tilespmem:s22+$0xFFFFFFA0] =	vst v6;
	s22 =	smov.u32 s24  }
0x49: {  	v5 =	vor.u32 v5, v14;
	v6 =	vor.u32 v0, v13;
	v13 =	vmov s25  }
0x4a: {  	v17 =	vand.u32 $0x7C, v28;
	v14 =	vand.u32 $0xC00, v25;
	v5 =	vor.u32 v0, v5;
	v8 =	vld.idx.msk [tilespmem:v8+s5+$0x0], $0xffff  }
0x4b: {  	v18 =	vand.u32 $0x78, v22;
	v14 =	vor.u32 v14, v19;
	v19 =	vand.u32 $0x7B, v26;
	v12 =	vld.idx.msk [tilespmem:v12+s5+$0x0], $0xffff  }
0x4c: {  	v22 =	vshll.u32 v22, $0x3;
	v24 =	vand.u32 $0xC00, v27;
	v25 =	vand.u32 $0x7E, v13  }
0x4d: {  	v21 =	vand.u32 $0xC00, v21;
	v13 =	vshll.u32 v13, $0x3;
	v14 =	vor.u32 v0, v14  }
0x4e: {  	v26 =	vand.u32 $0x79, v23;
	v23 =	vshll.u32 v23, $0x3;
	v19 =	vor.u32 v24, v19  }
0x4f: {  	v22 =	vand.u32 $0xC00, v22;
	v17 =	vor.u32 v21, v17;
	v13 =	vand.u32 $0xC00, v13;
	v6 =	vld.idx.msk [tilespmem:v6+s5+$0x0], $0xffff  }
0x50: {  	v17 =	vor.u32 v0, v17;
	v13 =	vor.u32 v13, v25;
	[tilespmem:s24+$0xFFFFFFF0] =	vst v8;
	v8 =	vand.u32 $0xC00, v23  }
0x51: {  	v20 =	vshll.u32 v20, $0x3;
	v10 =	vand.u32 $0xC00, v10;
	v21 =	vld.idx.msk [tilespmem:v5+s5+$0x0], $0xffff;
	v5 =	vor.u32 v0, v13;
	[tilespmem:s24+$0x70] =	vst v12  }
0x52: {  	v10 =	vor.u32 v10, v11;
	v11 =	vand.u32 $0xC00, v20;
	v20 =	vor.u32 v8, v26  }
.Ltmp2:
0x53: {  	v11 =	vor.u32 v11, v29;
	v12 =	vor.u32 v22, v18;
	v13 =	vor.u32 v0, v19;
	(pc) =	sbr.rel @p1 .LBB2_3-.Ltmp2, $4  }
0x54: {  	v4 =	vor.u32 v9, v4;
	v11 =	vor.u32 v0, v11;
	v8 =	vld.idx.msk [tilespmem:v14+s5+$0x0], $0xffff;
	v14 =	vor.u32 v0, v12  }
0x55: {  	v2 =	vor.u32 v16, v2;
	v15 =	vand.u32 $0xC00, v15;
	v4 =	vor.u32 v0, v4;
	v12 =	vld.idx.msk [tilespmem:v17+s5+$0x0], $0xffff;
	[tilespmem:s24+$0x50] =	vst v6  }
0x56: {  	v9 =	vor.u32 v0, v2;
	v2 =	vor.u32 v15, v7;
	v15 =	vand.u32 $0xC00, v31;
	v7 =	vld.idx.msk [tilespmem:v5+s5+$0x0], $0xffff  }
0x57: {  	v6 =	vor.u32 v0, v2;
	v2 =	vor.u32 v15, v3;
	s24 =	sadd.s32 $0x100, s24;
	v5 =	vor.u32 v0, v20;
	[tilespmem:s22+$0x20] =	vst v21  }
0x58: {  	_ =	sdelay $0x3  }
0x59: {  	v3 =	vld.idx.msk [tilespmem:v14+s5+$0x0], $0xffff  }
0x5a: {  	v2 =	vor.u32 v0, v2;
	v11 =	vld.idx.msk [tilespmem:v11+s5+$0x0], $0xffff  }
0x5b: {  	v61 =	vld.idx.msk [tilespmem:v9+s5+$0x0], $0xffff;
	[tilespmem:s22+$0xFFFFFFC0] =	vst v8  }
0x5c: {  	v10 =	vor.u32 v0, v10;
	v62 =	vld.idx.msk [tilespmem:v13+s5+$0x0], $0xffff;
	[tilespmem:s22+$0x40] =	vst v12  }
0x5d: {  	v4 =	vld.idx.msk [tilespmem:v4+s5+$0x0], $0xffff;
	[tilespmem:s22+$0x60] =	vst v7  }
0x5e: {  	v6 =	vld.idx.msk [tilespmem:v6+s5+$0x0], $0xffff;
	[tilespmem:s22+$0x0] =	vst v3  }
0x5f: {  	v2 =	vld.idx.msk [tilespmem:v2+s5+$0x0], $0xffff;
	[tilespmem:s22+$0xFFFFFFE0] =	vst v11  }
0x60: {  	v3 =	vld.idx.msk [tilespmem:v5+s5+$0x0], $0xffff;
	[tilespmem:s22+$0xFFFFFF80] =	vst v61  }
0x61: {  	v63 =	vld.idx.msk [tilespmem:v10+s5+$0x0], $0xffff;
	[tilespmem:s22+$0x30] =	vst v62  }
0x62: {  	[tilespmem:s22+$0xFFFFFFD0] =	vst v4  }
0x63: {  	[tilespmem:s22+$0xFFFFFFA0] =	vst v6  }
0x64: {  	s20 =	sadd.s32 $0x1, s20;
	[tilespmem:s22+$0xFFFFFFB0] =	vst v2  }
0x65: {  	s3 =	sshll.u32 s21, $0xA;
	p1 =	sne.s32 s20, s10;
	[tilespmem:s22+$0x10] =	vst v3  }
.Ltmp3:
0x66: {  	s3 =	sadd.s32 s7, s3;
	[tilespmem:s22+$0xFFFFFF90] =	vst v63;
	(pc) =	sbr.rel @p1 .LBB2_2-.Ltmp3, $4  }
0x67: {  	[hbm4b:s3+s5] =	stream.linear.scatter [tilespmem:s17], [sflag:$0x1], $0x2000, $0x38;
	[tilespmem:$0x4800] =	vst v63  }
0x68: {  	_ =	swait.ge [sflag:s16], $0x2000  }
0x69: {  	[sflag:s16] =	ssyncset.done $0x0  }
0x6a: {  	[sflag:s16] =	ssyncadd.s32 $0xFFFFE000  }
.Ltmp4:
0x6b: {  	(pc) =	sbr.rel @p0 .LBB2_9-.Ltmp4, $1  }
0x6c: {  	_ =	sdelay $0x3  }
0x6d: {  	s3 =	simm.s32 $0x0;
	s20 =	simm.s32 $0x1;
	s21 =	simm.s32 $0x2  }
0x6e: {  	s29 =	simm.s32 $0x4;
	s30 =	simm.s32 $0x5;
	s31 =	simm.s32 $0x7;
	v2 =	vmov s3;
	v3 =	vmov s20;
	v4 =	vmov s21  }
0x6f: {  	s22 =	simm.s32 $0x9;
	s6 =	simm.s32 $0x8;
	s23 =	simm.s32 $0xE;
	v5 =	vmov s29;
	v6 =	vmov s30;
	v7 =	vmov s31  }
0x70: {  	s24 =	simm.s32 $0xF;
	s25 =	simm.s32 $0xA;
	s28 =	simm.s32 $0xD;
	v8 =	vmov s6;
	v9 =	vmov s22;
	v10 =	vmov s23  }
0x71: {  	v11 =	vmov s25;
	v12 =	vmov s24;
	v13 =	vmov s28  }
0x72: {  	s26 =	simm.s32 $0xC;
	s29 =	simm.s32 $0xB;
	v4 =	vand.u32 $0x72, v4;
	v5 =	vand.u32 $0x74, v5;
	v8 =	vand.u32 $0x78, v8  }
0x73: {  	v16 =	vand.u32 $0x71, v3;
	v3 =	vmov s26;
	v14 =	vmov s29  }
0x74: {  	s31 =	simm.s32 $0x3;
	v12 =	vand.u32 $0x7F, v12;
	v13 =	vand.u32 $0x7D, v13;
	v10 =	vand.u32 $0x7E, v10  }
0x75: {  	v7 =	vand.u32 $0x77, v7;
	v11 =	vand.u32 $0x7A, v11;
	v15 =	vmov s31  }
0x76: {  	v2 =	vand.u32 $0x70, v2;
	v8 =	vbroadcast v8, $0x0;
	v3 =	vand.u32 $0x7C, v3  }
0x77: {  	v14 =	vand.u32 $0x7B, v14;
	v17 =	vbroadcast v12, $0x0;
	v4 =	vbroadcast v4, $0x0  }
0x78: {  	s30 =	simm.s32 $0x6;
	v7 =	vbroadcast v7, $0x0;
	v3 =	vbroadcast v3, $0x0;
	v8 =	vor.u32 v1, v8  }
0x79: {  	[tilespmem:s18], [sflag:$0x1] =	stream.linear.gather [hbm4b:s1+s3], $0x800, $0x38;
	v12 =	vmov s30;
	v10 =	vbroadcast v10, $0x0;
	v16 =	vbroadcast v16, $0x0;
	[tilespmem:$0x4800] =	vst v63  }
0x7a: {  	_ =	swait.ge [sflag:s16], $0x800;
	v19 =	vor.u32 v1, v4;
	v4 =	vbroadcast v5, $0x0;
	v18 =	vor.u32 v1, v3  }
0x7b: {  	[sflag:s16] =	ssyncset.done $0x0;
	v20 =	vor.u32 v1, v7;
	v3 =	vand.u32 $0x75, v6;
	v6 =	vand.u32 $0x79, v9  }
0x7c: {  	[sflag:s16] =	ssyncadd.s32 $0xFFFFF800;
	v9 =	vbroadcast v2, $0x0;
	v2 =	vand.u32 $0x76, v12;
	v12 =	vbroadcast v13, $0x0  }
0x7d: {  	v13 =	vand.u32 $0x73, v15;
	v2 =	vbroadcast v2, $0x0;
	v21 =	vbroadcast v3, $0x0;
	v5 =	vld.idx.msk [tilespmem:v8+s18+$0x0], $0xffff  }
0x7e: {  	v15 =	vor.u32 v1, v12;
	v12 =	vor.u32 v1, v4;
	v8 =	vbroadcast v11, $0x0  }
0x7f: {  	v7 =	vor.u32 v1, v2;
	v11 =	vbroadcast v14, $0x0;
	v14 =	vbroadcast v13, $0x0;
	v13 =	vld.idx.msk [tilespmem:v18+s18+$0x0], $0xffff  }
0x80: {  	v18 =	vbroadcast v6, $0x0;
	v6 =	vor.u32 v1, v9;
	v9 =	vor.u32 v1, v10;
	v10 =	vld.idx.msk [tilespmem:v20+s18+$0x0], $0xffff  }
0x81: {  	s20 =	simm.s32 $0x2880;
	v4 =	vor.u32 v1, v21;
	v3 =	vor.u32 v1, v8;
	v2 =	vor.u32 v1, v14;
	v8 =	vld.idx.msk [tilespmem:v19+s18+$0x0], $0xffff  }
0x82: {  	s24 =	simm.s32 $0x10;
	s21 =	simm.s32 $0x2980;
	v14 =	vor.u32 v1, v17;
	v11 =	vor.u32 v1, v11;
	[tilespmem:s20+$0x0] =	vst v5;
	v5 =	vor.u32 v1, v18  }
.LBB2_7:
0x83: {  	s3 =	sadd.s32 $0x1, s24  }
0x84: {  	v17 =	vmov s24;
	s22 =	sadd.s32 $0x2, s24;
	s25 =	sadd.s32 $0xE, s24;
	[tilespmem:s20+$0x40] =	vst v13;
	v13 =	vld.idx.msk [tilespmem:v15+s18+$0x0], $0xffff;
	s26 =	smov.u32 s24  }
0x85: {  	s28 =	sadd.s32 $0x9, s24;
	v15 =	vmov s3;
	v18 =	vmov s22;
	s3 =	sadd.s32 $0x4, s24;
	s22 =	sadd.s32 $0x5, s24;
	v16 =	vor.u32 v1, v16;
	v12 =	vld.idx.msk [tilespmem:v12+s18+$0x0], $0xffff  }
0x86: {  	s23 =	sadd.s32 $0x3, s24;
	v18 =	vand.u32 $0x72, v18;
	v19 =	vmov s3;
	v20 =	vmov s22;
	s3 =	sadd.s32 $0x7, s24;
	s22 =	sadd.s32 $0x8, s24;
	v7 =	vld.idx.msk [tilespmem:v7+s18+$0x0], $0xffff  }
0x87: {  	s29 =	sadd.s32 $0x6, s26;
	v23 =	vmov s28;
	v21 =	vmov s3;
	v22 =	vmov s22;
	s3 =	sadd.s32 $0xF, s26;
	s22 =	sadd.s32 $0x10, s24;
	v14 =	vld.idx.msk [tilespmem:v14+s18+$0x0], $0xffff  }
0x88: {  	p1 =	slt.u32 s24, $0x30;
	s28 =	sadd.s32 $0xA, s26;
	v24 =	vmov s25;
	v19 =	vand.u32 $0x74, v19;
	v22 =	vand.u32 $0x78, v22;
	[tilespmem:s20+$0xFFFFFFA0] =	vst v8;
	v8 =	vld.idx.msk [tilespmem:v9+s18+$0x0], $0xffff  }
0x89: {  	s25 =	sadd.s32 $0xD, s26;
	s24 =	sadd.s32 $0xC, s26;
	v25 =	vmov s3;
	v9 =	vbroadcast v22, $0x0;
	v22 =	vmov s28;
	[tilespmem:s20+$0xFFFFFFF0] =	vst v10;
	v10 =	vld.idx.msk [tilespmem:v11+s18+$0x0], $0xffff  }
0x8a: {  	v26 =	vmov s25;
	s3 =	sadd.s32 $0xB, s26;
	v11 =	vand.u32 $0x71, v15;
	v15 =	vmov s24;
	v16 =	vld.idx.msk [tilespmem:v16+s18+$0x0], $0xffff;
	[tilespmem:s20+$0x50] =	vst v13  }
0x8b: {  	v25 =	vand.u32 $0x7F, v25;
	v13 =	vmov s3;
	v9 =	vor.u32 v1, v9;
	v6 =	vld.idx.msk [tilespmem:v6+s18+$0x0], $0xffff;
	[tilespmem:s20+$0xFFFFFFC0] =	vst v12  }
0x8c: {  	v24 =	vand.u32 $0x7E, v24;
	v12 =	vand.u32 $0x7C, v15;
	v15 =	vand.u32 $0x7D, v26;
	v4 =	vld.idx.msk [tilespmem:v4+s18+$0x0], $0xffff;
	[tilespmem:s20+$0xFFFFFFE0] =	vst v7  }
0x8d: {  	v25 =	vbroadcast v25, $0x0;
	v7 =	vand.u32 $0x7B, v13;
	v12 =	vbroadcast v12, $0x0;
	v3 =	vld.idx.msk [tilespmem:v3+s18+$0x0], $0xffff;
	[tilespmem:s20+$0x70] =	vst v14  }
0x8e: {  	v13 =	vmov s29;
	v14 =	vand.u32 $0x77, v21;
	v21 =	vand.u32 $0x7A, v22;
	v5 =	vld.idx.msk [tilespmem:v5+s18+$0x0], $0xffff;
	[tilespmem:s20+$0x60] =	vst v8  }
0x8f: {  	v8 =	vbroadcast v18, $0x0;
	v18 =	vmov s23;
	v12 =	vor.u32 v1, v12;
	v2 =	vld.idx.msk [tilespmem:v2+s18+$0x0], $0xffff;
	[tilespmem:s20+$0x30] =	vst v10  }
0x90: {  	v10 =	vand.u32 $0x70, v17;
	v17 =	vand.u32 $0x75, v20;
	v20 =	vand.u32 $0x79, v23;
	v9 =	vld.idx.msk [tilespmem:v9+s18+$0x0], $0xffff;
	[tilespmem:s20+$0xFFFFFF90] =	vst v16  }
0x91: {  	v15 =	vbroadcast v15, $0x0;
	v13 =	vand.u32 $0x76, v13;
	v10 =	vbroadcast v10, $0x0;
	[tilespmem:s20+$0xFFFFFF80] =	vst v6  }
0x92: {  	v14 =	vbroadcast v14, $0x0;
	v16 =	vbroadcast v24, $0x0;
	v6 =	vand.u32 $0x73, v18;
	[tilespmem:s20+$0xFFFFFFD0] =	vst v4  }
0x93: {  	v8 =	vor.u32 v1, v8;
	v18 =	vbroadcast v13, $0x0;
	v4 =	vbroadcast v19, $0x0;
	[tilespmem:s20+$0x20] =	vst v3  }
0x94: {  	v19 =	vor.u32 v1, v14;
	v3 =	vbroadcast v21, $0x0;
	v21 =	vbroadcast v7, $0x0;
	v13 =	vld.idx.msk [tilespmem:v12+s18+$0x0], $0xffff;
	[tilespmem:s20+$0x10] =	vst v5  }
.Ltmp5:
0x95: {  	v15 =	vor.u32 v1, v15;
	v5 =	vbroadcast v6, $0x0;
	v6 =	vbroadcast v17, $0x0;
	[tilespmem:s20+$0xFFFFFFB0] =	vst v2;
	s20 =	smov.u32 s21;
	(pc) =	sbr.rel @p1 .LBB2_7-.Ltmp5, $4  }
0x96: {  	v7 =	vor.u32 v1, v18;
	v12 =	vor.u32 v1, v4;
	v3 =	vor.u32 v1, v3;
	[tilespmem:s21+$0x0] =	vst v9  }
0x97: {  	v2 =	vor.u32 v1, v5;
	v4 =	vor.u32 v1, v6;
	v5 =	vbroadcast v20, $0x0  }
0x98: {  	v14 =	vor.u32 v1, v25;
	v6 =	vor.u32 v1, v10;
	v9 =	vor.u32 v1, v16;
	v8 =	vld.idx.msk [tilespmem:v8+s18+$0x0], $0xffff  }
0x99: {  	s24 =	smov.u32 s22;
	v16 =	vbroadcast v11, $0x0;
	v11 =	vor.u32 v1, v21;
	s21 =	sadd.s32 $0x100, s21;
	v5 =	vor.u32 v1, v5;
	v10 =	vld.idx.msk [tilespmem:v19+s18+$0x0], $0xffff  }
0x9a: {  	_ =	sdelay $0x3  }
0x9b: {  	v15 =	vld.idx.msk [tilespmem:v15+s18+$0x0], $0xffff  }
0x9c: {  	v12 =	vld.idx.msk [tilespmem:v12+s18+$0x0], $0xffff  }
0x9d: {  	[tilespmem:s20+$0x40] =	vst v13;
	v7 =	vld.idx.msk [tilespmem:v7+s18+$0x0], $0xffff  }
0x9e: {  	v60 =	vld.idx.msk [tilespmem:v14+s18+$0x0], $0xffff;
	[tilespmem:s20+$0xFFFFFFA0] =	vst v8  }
0x9f: {  	v61 =	vld.idx.msk [tilespmem:v9+s18+$0x0], $0xffff;
	[tilespmem:s20+$0xFFFFFFF0] =	vst v10  }
0xa0: {  	v62 =	vld.idx.msk [tilespmem:v11+s18+$0x0], $0xffff;
	[tilespmem:s20+$0x50] =	vst v15  }
0xa1: {  	v6 =	vld.idx.msk [tilespmem:v6+s18+$0x0], $0xffff;
	v16 =	vor.u32 v1, v16;
	[tilespmem:s20+$0xFFFFFFC0] =	vst v12  }
0xa2: {  	v4 =	vld.idx.msk [tilespmem:v4+s18+$0x0], $0xffff;
	[tilespmem:s20+$0xFFFFFFE0] =	vst v7  }
0xa3: {  	v3 =	vld.idx.msk [tilespmem:v3+s18+$0x0], $0xffff;
	[tilespmem:s20+$0x70] =	vst v60  }
0xa4: {  	v5 =	vld.idx.msk [tilespmem:v5+s18+$0x0], $0xffff;
	[tilespmem:s20+$0x60] =	vst v61  }
0xa5: {  	v2 =	vld.idx.msk [tilespmem:v2+s18+$0x0], $0xffff;
	[tilespmem:s20+$0x30] =	vst v62  }
0xa6: {  	[tilespmem:s20+$0xFFFFFF80] =	vst v6;
	v63 =	vld.idx.msk [tilespmem:v16+s18+$0x0], $0xffff  }
0xa7: {  	[tilespmem:s20+$0xFFFFFFD0] =	vst v4  }
0xa8: {  	[tilespmem:s20+$0x20] =	vst v3  }
0xa9: {  	[tilespmem:s20+$0x10] =	vst v5  }
0xaa: {  	[tilespmem:s20+$0xFFFFFFB0] =	vst v2  }
0xab: {  	[tilespmem:s20+$0xFFFFFF90] =	vst v63  }
0xac: {  	[hbm4b:s11+s5] =	stream.linear.scatter [tilespmem:s17], [sflag:$0x1], $0x400, $0x38;
	[tilespmem:$0x4800] =	vst v63  }
0xad: {  	_ =	swait.ge [sflag:s16], $0x400  }
0xae: {  	[sflag:s16] =	ssyncset.done $0x0  }
0xaf: {  	[sflag:s16] =	ssyncadd.s32 $0xFFFFFC00  }
.LBB2_9:
0xb0: {  	s20 =	simm.s32 $0x0;
	s21 =	simm.s32 $0x0  }
.LBB2_10:
0xb1: {  	v2 =	vmov s20  }
0xb2: {  	s3 =	simm.s32 $0x1;
	s22 =	simm.s32 $0x2;
	v3 =	vshll.u32 v2, $0x3  }
0xb3: {  	s26 =	simm.s32 $0x4;
	s28 =	simm.s32 $0x6;
	s29 =	simm.s32 $0x7;
	v4 =	vmov s3;
	v5 =	vmov s22;
	v2 =	vand.u32 $0x70, v2  }
0xb4: {  	s30 =	simm.s32 $0x8;
	s23 =	simm.s32 $0x3;
	s31 =	simm.s32 $0x9;
	v6 =	vmov s26;
	v7 =	vmov s28;
	v9 =	vmov s29  }
0xb5: {  	s6 =	simm.s32 $0xA;
	s24 =	simm.s32 $0xB;
	s25 =	simm.s32 $0xC;
	v10 =	vmov s30;
	v11 =	vmov s23;
	v12 =	vmov s31  }
0xb6: {  	v13 =	vmov s6;
	v16 =	vmov s24;
	v18 =	vmov s25  }
0xb7: {  	v8 =	vand.u32 $0x71, v4;
	v15 =	vand.u32 $0x73, v11;
	v14 =	vshll.u32 v6, $0x3  }
0xb8: {  	s26 =	simm.s32 $0xD;
	v6 =	vand.u32 $0x74, v6;
	v17 =	vshll.u32 v16, $0x3;
	v19 =	vand.u32 $0x72, v5  }
0xb9: {  	v20 =	vand.u32 $0x76, v7;
	v21 =	vmov s26;
	v22 =	vshll.u32 v11, $0x3  }
0xba: {  	s28 =	simm.s32 $0xF;
	s29 =	simm.s32 $0x5;
	v11 =	vand.u32 $0x77, v9;
	v23 =	vand.u32 $0x7A, v13;
	v3 =	vand.u32 $0xC00, v3  }
0xbb: {  	v9 =	vshll.u32 v9, $0x3;
	v24 =	vmov s28;
	v25 =	vmov s29  }
0xbc: {  	s31 =	simm.s32 $0xE;
	v5 =	vshll.u32 v5, $0x3;
	v13 =	vshll.u32 v13, $0x3;
	v54 =	vshll.u32 v18, $0x3  }
0xbd: {  	v4 =	vshll.u32 v4, $0x3;
	v55 =	vmov s31;
	v18 =	vand.u32 $0x7C, v18  }
0xbe: {  	v16 =	vand.u32 $0x7B, v16;
	v28 =	vand.u32 $0x79, v12;
	v12 =	vshll.u32 v12, $0x3  }
0xbf: {  	v7 =	vshll.u32 v7, $0x3;
	v9 =	vand.u32 $0xC00, v9;
	v26 =	vshll.u32 v24, $0x3  }
0xc0: {  	v27 =	vshll.u32 v25, $0x3;
	v24 =	vand.u32 $0x7F, v24;
	v52 =	vand.u32 $0x75, v25  }
0xc1: {  	s30 =	sshll.u32 s21, $0x5;
	v53 =	vand.u32 $0x7D, v21;
	v21 =	vshll.u32 v21, $0x3;
	v13 =	vand.u32 $0xC00, v13  }
0xc2: {  	s22 =	sor.u32 s9, s30;
	v14 =	vand.u32 $0xC00, v14;
	v17 =	vand.u32 $0xC00, v17;
	v56 =	vand.u32 $0x7E, v55  }
0xc3: {  	s3 =	sshll.u32 s22, $0x9;
	v4 =	vand.u32 $0xC00, v4;
	v2 =	vor.u32 v3, v2;
	v9 =	vor.u32 v9, v11  }
0xc4: {  	v26 =	vand.u32 $0xC00, v26;
	s3 =	sadd.s32 s2, s3;
	v13 =	vor.u32 v13, v23;
	v9 =	vor.u32 v0, v9  }
0xc5: {  	v21 =	vand.u32 $0xC00, v21;
	v11 =	vor.u32 v26, v24;
	[tilespmem:s20], [sflag:$0x1] =	stream.strided.gather [hbm4b:s3+s14], $0x2000, s15, s14, $0x38;
	v13 =	vor.u32 v0, v13;
	[tilespmem:$0x4800] =	vst v63  }
0xc6: {  	v3 =	vand.u32 $0xC00, v5;
	v21 =	vor.u32 v21, v53;
	v11 =	vor.u32 v0, v11;
	_ =	swait.ge [sflag:s16], $0x2000  }
0xc7: {  	v27 =	vand.u32 $0xC00, v27;
	v6 =	vor.u32 v14, v6;
	v21 =	vor.u32 v0, v21;
	[sflag:s16] =	ssyncset.done $0x0  }
0xc8: {  	v14 =	vand.u32 $0x78, v10;
	v10 =	vshll.u32 v10, $0x3;
	v6 =	vor.u32 v0, v6;
	[sflag:s16] =	ssyncadd.s32 $0xFFFFE000  }
0xc9: {  	v23 =	vshll.u32 v55, $0x3;
	v16 =	vor.u32 v17, v16;
	v26 =	vand.u32 $0xC00, v54;
	v9 =	vld.idx.msk [tilespmem:v9+s5+$0x0], $0xffff  }
0xca: {  	v57 =	vand.u32 $0xC00, v10;
	v58 =	vand.u32 $0xC00, v23;
	v10 =	vor.u32 v26, v18;
	v62 =	vld.idx.msk [tilespmem:v13+s5+$0x0], $0xffff  }
0xcb: {  	v59 =	vld.idx.msk [tilespmem:v11+s5+$0x0], $0xffff;
	v11 =	vand.u32 $0xC00, v12;
	v12 =	vor.u32 v0, v10;
	v10 =	vor.u32 v58, v56  }
0xcc: {  	v13 =	vor.u32 v0, v16;
	v60 =	vld.idx.msk [tilespmem:v21+s5+$0x0], $0xffff;
	v61 =	vor.u32 v0, v10;
	v10 =	vor.u32 v4, v8  }
0xcd: {  	s23 =	simm.s32 $0x2880;
	v4 =	vand.u32 $0xC00, v7;
	v63 =	vor.u32 v11, v28;
	v7 =	vor.u32 v57, v14;
	v8 =	vld.idx.msk [tilespmem:v6+s5+$0x0], $0xffff  }
0xce: {  	v6 =	vor.u32 v27, v52;
	v4 =	vor.u32 v4, v20;
	v14 =	vor.u32 v0, v7;
	[tilespmem:s23+$0xFFFFFFF0] =	vst v9  }
0xcf: {  	v5 =	vor.u32 v0, v63;
	v11 =	vor.u32 v0, v4;
	v4 =	vor.u32 v0, v6;
	[tilespmem:s23+$0x20] =	vst v62  }
0xd0: {  	v9 =	vor.u32 v0, v2;
	v2 =	vor.u32 v3, v19;
	v3 =	vand.u32 $0xC00, v22;
	[tilespmem:s23+$0x70] =	vst v59;
	v12 =	vld.idx.msk [tilespmem:v12+s5+$0x0], $0xffff  }
0xd1: {  	s24 =	simm.s32 $0x10;
	s25 =	simm.s32 $0x2980;
	[tilespmem:s23+$0x50] =	vst v60;
	v6 =	vor.u32 v0, v2;
	v2 =	vor.u32 v3, v15;
	v7 =	vld.idx.msk [tilespmem:v61+s5+$0x0], $0xffff  }
.LBB2_11:
0xd2: {  	s3 =	sadd.s32 $0x1, s24  }
0xd3: {  	v3 =	vmov s24;
	s26 =	sadd.s32 $0x2, s24;
	s28 =	sadd.s32 $0x3, s24;
	v10 =	vor.u32 v0, v10;
	v15 =	vor.u32 v0, v2;
	v13 =	vld.idx.msk [tilespmem:v13+s5+$0x0], $0xffff;
	s29 =	smov.u32 s24  }
0xd4: {  	s30 =	sadd.s32 $0xC, s24;
	v16 =	vshll.u32 v3, $0x3;
	v17 =	vmov s3;
	v18 =	vmov s26;
	s3 =	sadd.s32 $0x4, s24;
	s26 =	sadd.s32 $0x6, s24;
	v14 =	vld.idx.msk [tilespmem:v14+s5+$0x0], $0xffff  }
0xd5: {  	s31 =	sadd.s32 $0x8, s24;
	v2 =	vand.u32 $0x70, v3;
	v19 =	vmov s3;
	v20 =	vmov s26;
	s3 =	sadd.s32 $0x7, s24;
	s26 =	sadd.s32 $0xE, s24;
	[tilespmem:s23+$0xFFFFFFC0] =	vst v8;
	v8 =	vld.idx.msk [tilespmem:v11+s5+$0x0], $0xffff  }
0xd6: {  	s6 =	sadd.s32 $0x5, s24;
	v22 =	vmov s31;
	s31 =	sadd.s32 $0xA, s24;
	v11 =	vand.u32 $0x71, v17;
	v21 =	vmov s3;
	s3 =	sadd.s32 $0x9, s24;
	[tilespmem:s23+$0x40] =	vst v12  }
0xd7: {  	p1 =	slt.u32 s24, $0x1F0;
	v24 =	vmov s31;
	v12 =	vmov s28;
	s24 =	sadd.s32 $0x10, s24;
	v23 =	vmov s3;
	s3 =	sadd.s32 $0xB, s29;
	v9 =	vld.idx.msk [tilespmem:v9+s5+$0x0], $0xffff  }
0xd8: {  	v25 =	vshll.u32 v19, $0x3;
	v3 =	vand.u32 $0x73, v12;
	v26 =	vmov s3;
	v15 =	vld.idx.msk [tilespmem:v15+s5+$0x0], $0xffff  }
0xd9: {  	v28 =	vmov s30;
	v19 =	vand.u32 $0x74, v19;
	s3 =	sadd.s32 $0xD, s29;
	v27 =	vshll.u32 v26, $0x3;
	v6 =	vld.idx.msk [tilespmem:v6+s5+$0x0], $0xffff;
	[tilespmem:s23+$0x60] =	vst v7  }
0xda: {  	v29 =	vand.u32 $0x76, v20;
	v7 =	vand.u32 $0x72, v18;
	v30 =	vmov s3;
	v4 =	vld.idx.msk [tilespmem:v4+s5+$0x0], $0xffff;
	[tilespmem:s23+$0x0] =	vst v14  }
0xdb: {  	v31 =	vshll.u32 v12, $0x3;
	v12 =	vand.u32 $0x77, v21;
	s3 =	sadd.s32 $0xF, s29;
	v14 =	vand.u32 $0x7A, v24;
	[tilespmem:s23+$0xFFFFFFE0] =	vst v8;
	v5 =	vld.idx.msk [tilespmem:v5+s5+$0x0], $0xffff  }
0xdc: {  	v16 =	vand.u32 $0xC00, v16;
	v8 =	vshll.u32 v21, $0x3;
	v21 =	vmov s3;
	v10 =	vld.idx.msk [tilespmem:v10+s5+$0x0], $0xffff  }
0xdd: {  	v32 =	vmov s6;
	v8 =	vand.u32 $0xC00, v8;
	v33 =	vshll.u32 v21, $0x3;
	[tilespmem:s23+$0xFFFFFF80] =	vst v9  }
0xde: {  	v21 =	vand.u32 $0x7F, v21;
	v9 =	vshll.u32 v32, $0x3;
	v33 =	vand.u32 $0xC00, v33;
	[tilespmem:s23+$0xFFFFFFB0] =	vst v15  }
0xdf: {  	v8 =	vor.u32 v8, v12;
	v9 =	vand.u32 $0xC00, v9;
	v12 =	vor.u32 v33, v21;
	[tilespmem:s23+$0x30] =	vst v13  }
0xe0: {  	v15 =	vshll.u32 v18, $0x3;
	v8 =	vor.u32 v0, v8;
	v12 =	vor.u32 v0, v12;
	[tilespmem:s23+$0xFFFFFFD0] =	vst v4  }
0xe1: {  	v18 =	vshll.u32 v30, $0x3;
	v13 =	vand.u32 $0x7D, v30;
	v4 =	vand.u32 $0x75, v32;
	[tilespmem:s23+$0x10] =	vst v5  }
0xe2: {  	v21 =	vshll.u32 v28, $0x3;
	v18 =	vand.u32 $0xC00, v18;
	v5 =	vshll.u32 v24, $0x3;
	[tilespmem:s23+$0xFFFFFF90] =	vst v10  }
0xe3: {  	v13 =	vor.u32 v18, v13;
	v10 =	vshll.u32 v17, $0x3;
	v5 =	vand.u32 $0xC00, v5;
	[tilespmem:s23+$0xFFFFFFA0] =	vst v6;
	s23 =	smov.u32 s25  }
0xe4: {  	v5 =	vor.u32 v5, v14;
	v6 =	vor.u32 v0, v13;
	v13 =	vmov s26  }
0xe5: {  	v17 =	vand.u32 $0x7C, v28;
	v14 =	vand.u32 $0xC00, v25;
	v5 =	vor.u32 v0, v5;
	v8 =	vld.idx.msk [tilespmem:v8+s5+$0x0], $0xffff  }
0xe6: {  	v18 =	vand.u32 $0x78, v22;
	v14 =	vor.u32 v14, v19;
	v19 =	vand.u32 $0x7B, v26;
	v12 =	vld.idx.msk [tilespmem:v12+s5+$0x0], $0xffff  }
0xe7: {  	v22 =	vshll.u32 v22, $0x3;
	v24 =	vand.u32 $0xC00, v27;
	v25 =	vand.u32 $0x7E, v13  }
0xe8: {  	v21 =	vand.u32 $0xC00, v21;
	v13 =	vshll.u32 v13, $0x3;
	v14 =	vor.u32 v0, v14  }
0xe9: {  	v26 =	vand.u32 $0x79, v23;
	v23 =	vshll.u32 v23, $0x3;
	v19 =	vor.u32 v24, v19  }
0xea: {  	v22 =	vand.u32 $0xC00, v22;
	v17 =	vor.u32 v21, v17;
	v13 =	vand.u32 $0xC00, v13;
	v6 =	vld.idx.msk [tilespmem:v6+s5+$0x0], $0xffff  }
0xeb: {  	v17 =	vor.u32 v0, v17;
	v13 =	vor.u32 v13, v25;
	[tilespmem:s25+$0xFFFFFFF0] =	vst v8;
	v8 =	vand.u32 $0xC00, v23  }
0xec: {  	v20 =	vshll.u32 v20, $0x3;
	v10 =	vand.u32 $0xC00, v10;
	v21 =	vld.idx.msk [tilespmem:v5+s5+$0x0], $0xffff;
	v5 =	vor.u32 v0, v13;
	[tilespmem:s25+$0x70] =	vst v12  }
0xed: {  	v10 =	vor.u32 v10, v11;
	v11 =	vand.u32 $0xC00, v20;
	v20 =	vor.u32 v8, v26  }
.Ltmp6:
0xee: {  	v11 =	vor.u32 v11, v29;
	v12 =	vor.u32 v22, v18;
	v13 =	vor.u32 v0, v19;
	(pc) =	sbr.rel @p1 .LBB2_11-.Ltmp6, $4  }
0xef: {  	v4 =	vor.u32 v9, v4;
	v11 =	vor.u32 v0, v11;
	v8 =	vld.idx.msk [tilespmem:v14+s5+$0x0], $0xffff;
	v14 =	vor.u32 v0, v12  }
0xf0: {  	v2 =	vor.u32 v16, v2;
	v15 =	vand.u32 $0xC00, v15;
	v4 =	vor.u32 v0, v4;
	v12 =	vld.idx.msk [tilespmem:v17+s5+$0x0], $0xffff;
	[tilespmem:s25+$0x50] =	vst v6  }
0xf1: {  	v9 =	vor.u32 v0, v2;
	v2 =	vor.u32 v15, v7;
	v15 =	vand.u32 $0xC00, v31;
	v7 =	vld.idx.msk [tilespmem:v5+s5+$0x0], $0xffff  }
0xf2: {  	v6 =	vor.u32 v0, v2;
	v2 =	vor.u32 v15, v3;
	s25 =	sadd.s32 $0x100, s25;
	v5 =	vor.u32 v0, v20;
	[tilespmem:s23+$0x20] =	vst v21  }
0xf3: {  	_ =	sdelay $0x3  }
0xf4: {  	v3 =	vld.idx.msk [tilespmem:v14+s5+$0x0], $0xffff  }
0xf5: {  	v2 =	vor.u32 v0, v2;
	v11 =	vld.idx.msk [tilespmem:v11+s5+$0x0], $0xffff  }
0xf6: {  	v61 =	vld.idx.msk [tilespmem:v9+s5+$0x0], $0xffff;
	[tilespmem:s23+$0xFFFFFFC0] =	vst v8  }
0xf7: {  	v10 =	vor.u32 v0, v10;
	v62 =	vld.idx.msk [tilespmem:v13+s5+$0x0], $0xffff;
	[tilespmem:s23+$0x40] =	vst v12  }
0xf8: {  	v4 =	vld.idx.msk [tilespmem:v4+s5+$0x0], $0xffff;
	[tilespmem:s23+$0x60] =	vst v7  }
0xf9: {  	v6 =	vld.idx.msk [tilespmem:v6+s5+$0x0], $0xffff;
	[tilespmem:s23+$0x0] =	vst v3  }
0xfa: {  	v2 =	vld.idx.msk [tilespmem:v2+s5+$0x0], $0xffff;
	[tilespmem:s23+$0xFFFFFFE0] =	vst v11  }
0xfb: {  	v3 =	vld.idx.msk [tilespmem:v5+s5+$0x0], $0xffff;
	[tilespmem:s23+$0xFFFFFF80] =	vst v61  }
0xfc: {  	v63 =	vld.idx.msk [tilespmem:v10+s5+$0x0], $0xffff;
	[tilespmem:s23+$0x30] =	vst v62  }
0xfd: {  	[tilespmem:s23+$0xFFFFFFD0] =	vst v4  }
0xfe: {  	[tilespmem:s23+$0xFFFFFFA0] =	vst v6  }
0xff: {  	s21 =	sadd.s32 $0x1, s21;
	[tilespmem:s23+$0xFFFFFFB0] =	vst v2  }
0x100: {  	s3 =	sshll.u32 s22, $0xA;
	p1 =	sne.s32 s21, s10;
	[tilespmem:s23+$0x10] =	vst v3  }
.Ltmp7:
0x101: {  	s3 =	sadd.s32 s8, s3;
	[tilespmem:s23+$0xFFFFFF90] =	vst v63;
	(pc) =	sbr.rel @p1 .LBB2_10-.Ltmp7, $4  }
0x102: {  	[hbm4b:s3+s5] =	stream.linear.scatter [tilespmem:s17], [sflag:$0x1], $0x2000, $0x38;
	[tilespmem:$0x4800] =	vst v63  }
0x103: {  	_ =	swait.ge [sflag:s16], $0x2000  }
0x104: {  	[sflag:s16] =	ssyncset.done $0x0  }
0x105: {  	[sflag:s16] =	ssyncadd.s32 $0xFFFFE000  }
.Ltmp8:
0x106: {  	(pc) =	sbr.rel @p0 .LBB2_17-.Ltmp8, $1  }
0x107: {  	_ =	sdelay $0x3  }
0x108: {  	s3 =	simm.s32 $0x0;
	s6 =	simm.s32 $0x1;
	s20 =	simm.s32 $0x2  }
0x109: {  	s30 =	simm.s32 $0x4;
	s31 =	simm.s32 $0x5;
	s23 =	simm.s32 $0x8;
	v2 =	vmov s3;
	v3 =	vmov s6;
	v4 =	vmov s20  }
0x10a: {  	s21 =	simm.s32 $0x9;
	s22 =	simm.s32 $0xE;
	s25 =	simm.s32 $0xA;
	v5 =	vmov s30;
	v6 =	vmov s31;
	v8 =	vmov s23  }
0x10b: {  	s24 =	simm.s32 $0xF;
	s28 =	simm.s32 $0xD;
	s29 =	simm.s32 $0xB;
	v9 =	vmov s21;
	v10 =	vmov s22;
	v11 =	vmov s25  }
0x10c: {  	s20 =	simm.s32 $0x7;
	v12 =	vmov s24;
	v13 =	vmov s28;
	v14 =	vmov s29  }
0x10d: {  	s26 =	simm.s32 $0xC;
	v4 =	vand.u32 $0x72, v4;
	v7 =	vmov s20;
	v5 =	vand.u32 $0x74, v5  }
0x10e: {  	v8 =	vand.u32 $0x78, v8;
	v16 =	vand.u32 $0x71, v3;
	v3 =	vmov s26  }
0x10f: {  	s31 =	simm.s32 $0x3;
	v12 =	vand.u32 $0x7F, v12;
	v13 =	vand.u32 $0x7D, v13;
	v10 =	vand.u32 $0x7E, v10  }
0x110: {  	v14 =	vand.u32 $0x7B, v14;
	v11 =	vand.u32 $0x7A, v11;
	v15 =	vmov s31  }
0x111: {  	v2 =	vand.u32 $0x70, v2;
	v8 =	vbroadcast v8, $0x0;
	v3 =	vand.u32 $0x7C, v3  }
0x112: {  	v17 =	vbroadcast v12, $0x0;
	v7 =	vand.u32 $0x77, v7;
	v4 =	vbroadcast v4, $0x0  }
0x113: {  	s30 =	simm.s32 $0x6;
	v10 =	vbroadcast v10, $0x0;
	v3 =	vbroadcast v3, $0x0;
	v8 =	vor.u32 v1, v8  }
0x114: {  	[tilespmem:s18], [sflag:$0x1] =	stream.linear.gather [hbm4b:s4+s3], $0x800, $0x38;
	v12 =	vmov s30;
	v16 =	vbroadcast v16, $0x0;
	v7 =	vbroadcast v7, $0x0;
	[tilespmem:$0x4800] =	vst v63  }
0x115: {  	_ =	swait.ge [sflag:s16], $0x800;
	v19 =	vor.u32 v1, v4;
	v4 =	vbroadcast v5, $0x0;
	v18 =	vor.u32 v1, v3  }
0x116: {  	[sflag:s16] =	ssyncset.done $0x0;
	v3 =	vand.u32 $0x75, v6;
	v6 =	vand.u32 $0x79, v9;
	v20 =	vor.u32 v1, v7  }
0x117: {  	[sflag:s16] =	ssyncadd.s32 $0xFFFFF800;
	v9 =	vbroadcast v2, $0x0;
	v2 =	vand.u32 $0x76, v12;
	v12 =	vbroadcast v13, $0x0  }
0x118: {  	v13 =	vand.u32 $0x73, v15;
	v2 =	vbroadcast v2, $0x0;
	v21 =	vbroadcast v3, $0x0;
	v5 =	vld.idx.msk [tilespmem:v8+s18+$0x0], $0xffff  }
0x119: {  	v15 =	vor.u32 v1, v12;
	v12 =	vor.u32 v1, v4;
	v8 =	vbroadcast v11, $0x0  }
0x11a: {  	v7 =	vor.u32 v1, v2;
	v11 =	vbroadcast v14, $0x0;
	v14 =	vbroadcast v13, $0x0;
	v13 =	vld.idx.msk [tilespmem:v18+s18+$0x0], $0xffff  }
0x11b: {  	v18 =	vbroadcast v6, $0x0;
	v6 =	vor.u32 v1, v9;
	v9 =	vor.u32 v1, v10;
	v10 =	vld.idx.msk [tilespmem:v20+s18+$0x0], $0xffff  }
0x11c: {  	s20 =	simm.s32 $0x2880;
	v4 =	vor.u32 v1, v21;
	v3 =	vor.u32 v1, v8;
	v2 =	vor.u32 v1, v14;
	v8 =	vld.idx.msk [tilespmem:v19+s18+$0x0], $0xffff  }
0x11d: {  	s24 =	simm.s32 $0x10;
	s21 =	simm.s32 $0x2980;
	v14 =	vor.u32 v1, v17;
	v11 =	vor.u32 v1, v11;
	[tilespmem:s20+$0x0] =	vst v5;
	v5 =	vor.u32 v1, v18  }
.LBB2_15:
0x11e: {  	s3 =	sadd.s32 $0x1, s24  }
0x11f: {  	v17 =	vmov s24;
	s6 =	sadd.s32 $0x2, s24;
	s25 =	sadd.s32 $0xE, s24;
	[tilespmem:s20+$0x40] =	vst v13;
	v13 =	vld.idx.msk [tilespmem:v15+s18+$0x0], $0xffff;
	s26 =	smov.u32 s24  }
0x120: {  	s22 =	sadd.s32 $0x9, s24;
	v15 =	vmov s3;
	v18 =	vmov s6;
	s3 =	sadd.s32 $0x4, s24;
	s6 =	sadd.s32 $0x5, s24;
	v16 =	vor.u32 v1, v16;
	v12 =	vld.idx.msk [tilespmem:v12+s18+$0x0], $0xffff  }
0x121: {  	s23 =	sadd.s32 $0x3, s24;
	v18 =	vand.u32 $0x72, v18;
	v19 =	vmov s3;
	v20 =	vmov s6;
	s3 =	sadd.s32 $0x7, s24;
	s6 =	sadd.s32 $0x8, s24;
	v7 =	vld.idx.msk [tilespmem:v7+s18+$0x0], $0xffff  }
0x122: {  	s28 =	sadd.s32 $0x6, s26;
	v23 =	vmov s22;
	s22 =	sadd.s32 $0x10, s24;
	v21 =	vmov s3;
	v22 =	vmov s6;
	s3 =	sadd.s32 $0xF, s26;
	v14 =	vld.idx.msk [tilespmem:v14+s18+$0x0], $0xffff  }
0x123: {  	p1 =	slt.u32 s24, $0x30;
	v24 =	vmov s25;
	v19 =	vand.u32 $0x74, v19;
	s6 =	sadd.s32 $0xA, s26;
	v22 =	vand.u32 $0x78, v22;
	[tilespmem:s20+$0xFFFFFFA0] =	vst v8;
	v8 =	vld.idx.msk [tilespmem:v9+s18+$0x0], $0xffff  }
0x124: {  	s24 =	sadd.s32 $0xD, s26;
	v25 =	vmov s3;
	v9 =	vbroadcast v22, $0x0;
	v22 =	vmov s6;
	s6 =	sadd.s32 $0xC, s26;
	[tilespmem:s20+$0xFFFFFFF0] =	vst v10;
	v10 =	vld.idx.msk [tilespmem:v11+s18+$0x0], $0xffff  }
0x125: {  	v26 =	vmov s24;
	s3 =	sadd.s32 $0xB, s26;
	v11 =	vand.u32 $0x71, v15;
	v15 =	vmov s6;
	v16 =	vld.idx.msk [tilespmem:v16+s18+$0x0], $0xffff;
	[tilespmem:s20+$0x50] =	vst v13  }
0x126: {  	v25 =	vand.u32 $0x7F, v25;
	v13 =	vmov s3;
	v9 =	vor.u32 v1, v9;
	v6 =	vld.idx.msk [tilespmem:v6+s18+$0x0], $0xffff;
	[tilespmem:s20+$0xFFFFFFC0] =	vst v12  }
0x127: {  	v24 =	vand.u32 $0x7E, v24;
	v12 =	vand.u32 $0x7C, v15;
	v15 =	vand.u32 $0x7D, v26;
	v4 =	vld.idx.msk [tilespmem:v4+s18+$0x0], $0xffff;
	[tilespmem:s20+$0xFFFFFFE0] =	vst v7  }
0x128: {  	v25 =	vbroadcast v25, $0x0;
	v7 =	vand.u32 $0x7B, v13;
	v12 =	vbroadcast v12, $0x0;
	v3 =	vld.idx.msk [tilespmem:v3+s18+$0x0], $0xffff;
	[tilespmem:s20+$0x70] =	vst v14  }
0x129: {  	v13 =	vmov s28;
	v14 =	vand.u32 $0x77, v21;
	v21 =	vand.u32 $0x7A, v22;
	v5 =	vld.idx.msk [tilespmem:v5+s18+$0x0], $0xffff;
	[tilespmem:s20+$0x60] =	vst v8  }
0x12a: {  	v8 =	vbroadcast v18, $0x0;
	v18 =	vmov s23;
	v12 =	vor.u32 v1, v12;
	v2 =	vld.idx.msk [tilespmem:v2+s18+$0x0], $0xffff;
	[tilespmem:s20+$0x30] =	vst v10  }
0x12b: {  	v10 =	vand.u32 $0x70, v17;
	v17 =	vand.u32 $0x75, v20;
	v20 =	vand.u32 $0x79, v23;
	v9 =	vld.idx.msk [tilespmem:v9+s18+$0x0], $0xffff;
	[tilespmem:s20+$0xFFFFFF90] =	vst v16  }
0x12c: {  	v15 =	vbroadcast v15, $0x0;
	v13 =	vand.u32 $0x76, v13;
	v10 =	vbroadcast v10, $0x0;
	[tilespmem:s20+$0xFFFFFF80] =	vst v6  }
0x12d: {  	v14 =	vbroadcast v14, $0x0;
	v16 =	vbroadcast v24, $0x0;
	v6 =	vand.u32 $0x73, v18;
	[tilespmem:s20+$0xFFFFFFD0] =	vst v4  }
0x12e: {  	v8 =	vor.u32 v1, v8;
	v18 =	vbroadcast v13, $0x0;
	v4 =	vbroadcast v19, $0x0;
	[tilespmem:s20+$0x20] =	vst v3  }
0x12f: {  	v19 =	vor.u32 v1, v14;
	v3 =	vbroadcast v21, $0x0;
	v21 =	vbroadcast v7, $0x0;
	v13 =	vld.idx.msk [tilespmem:v12+s18+$0x0], $0xffff;
	[tilespmem:s20+$0x10] =	vst v5  }
.Ltmp9:
0x130: {  	v15 =	vor.u32 v1, v15;
	v5 =	vbroadcast v6, $0x0;
	v6 =	vbroadcast v17, $0x0;
	[tilespmem:s20+$0xFFFFFFB0] =	vst v2;
	s20 =	smov.u32 s21;
	(pc) =	sbr.rel @p1 .LBB2_15-.Ltmp9, $4  }
0x131: {  	v7 =	vor.u32 v1, v18;
	v12 =	vor.u32 v1, v4;
	v3 =	vor.u32 v1, v3;
	[tilespmem:s21+$0x0] =	vst v9  }
0x132: {  	v2 =	vor.u32 v1, v5;
	v4 =	vor.u32 v1, v6;
	v5 =	vbroadcast v20, $0x0  }
0x133: {  	v14 =	vor.u32 v1, v25;
	v6 =	vor.u32 v1, v10;
	v9 =	vor.u32 v1, v16;
	v8 =	vld.idx.msk [tilespmem:v8+s18+$0x0], $0xffff  }
0x134: {  	s24 =	smov.u32 s22;
	v16 =	vbroadcast v11, $0x0;
	v11 =	vor.u32 v1, v21;
	s21 =	sadd.s32 $0x100, s21;
	v5 =	vor.u32 v1, v5;
	v10 =	vld.idx.msk [tilespmem:v19+s18+$0x0], $0xffff  }
0x135: {  	_ =	sdelay $0x3  }
0x136: {  	v15 =	vld.idx.msk [tilespmem:v15+s18+$0x0], $0xffff  }
0x137: {  	v12 =	vld.idx.msk [tilespmem:v12+s18+$0x0], $0xffff  }
0x138: {  	[tilespmem:s20+$0x40] =	vst v13;
	v7 =	vld.idx.msk [tilespmem:v7+s18+$0x0], $0xffff  }
0x139: {  	v60 =	vld.idx.msk [tilespmem:v14+s18+$0x0], $0xffff;
	[tilespmem:s20+$0xFFFFFFA0] =	vst v8  }
0x13a: {  	v61 =	vld.idx.msk [tilespmem:v9+s18+$0x0], $0xffff;
	[tilespmem:s20+$0xFFFFFFF0] =	vst v10  }
0x13b: {  	v62 =	vld.idx.msk [tilespmem:v11+s18+$0x0], $0xffff;
	[tilespmem:s20+$0x50] =	vst v15  }
0x13c: {  	v6 =	vld.idx.msk [tilespmem:v6+s18+$0x0], $0xffff;
	v16 =	vor.u32 v1, v16;
	[tilespmem:s20+$0xFFFFFFC0] =	vst v12  }
0x13d: {  	v4 =	vld.idx.msk [tilespmem:v4+s18+$0x0], $0xffff;
	[tilespmem:s20+$0xFFFFFFE0] =	vst v7  }
0x13e: {  	v3 =	vld.idx.msk [tilespmem:v3+s18+$0x0], $0xffff;
	[tilespmem:s20+$0x70] =	vst v60  }
0x13f: {  	v5 =	vld.idx.msk [tilespmem:v5+s18+$0x0], $0xffff;
	[tilespmem:s20+$0x60] =	vst v61  }
0x140: {  	v2 =	vld.idx.msk [tilespmem:v2+s18+$0x0], $0xffff;
	[tilespmem:s20+$0x30] =	vst v62  }
0x141: {  	[tilespmem:s20+$0xFFFFFF80] =	vst v6;
	v63 =	vld.idx.msk [tilespmem:v16+s18+$0x0], $0xffff  }
0x142: {  	[tilespmem:s20+$0xFFFFFFD0] =	vst v4  }
0x143: {  	[tilespmem:s20+$0x20] =	vst v3  }
0x144: {  	[tilespmem:s20+$0x10] =	vst v5  }
0x145: {  	[tilespmem:s20+$0xFFFFFFB0] =	vst v2  }
.Ltmp10:
0x146: {  	[tilespmem:s20+$0xFFFFFF90] =	vst v63;
	(pc) =	sbr.rel .LBB2_17-.Ltmp10, $4  }
0x147: {  	[hbm4b:s12+s5] =	stream.linear.scatter [tilespmem:s17], [sflag:$0x1], $0x400, $0x38;
	[tilespmem:$0x4800] =	vst v63  }
0x148: {  	_ =	swait.ge [sflag:s16], $0x400  }
0x149: {  	[sflag:s16] =	ssyncset.done $0x0  }
0x14a: {  	[sflag:s16] =	ssyncadd.s32 $0xFFFFFC00  }
.LBB2_18:
0x14b: {  	_ =	sfence.sel $0x180000  }
0x14c: {  	[bflag:$0x0] =	sbarrier.arrive $0xFFFF  }
0x14d: {  	_ =	strace $0x90000047  }
0x14e: {  	s0 =	stileid.u32;
	[bflag:$0x2] =	sbarrier.arrive $0xFFFF  }
0x14f: {  	p0 =	sne.s32 s0, $0x0;
	s0 =	rddreg [dreg:$0x5]  }
0x150: {  	s0 =	sadd.s32 @!p0 $0x100000, s0  }
0x151: {  	[sflag:s0] =	ssyncadd.tile.s32 @!p0 $0x1;
	_ =	shalt  }
.Lfunc_end2:
_tile_overlayer_lowered:
.L_overlay_start_2:
0x152: {  	(tag) =	ssettag $0x2  }
0x153: {  	s0 =	rddreg [dreg:$0x0];
	s2 =	stileid.u32  }
0x154: {  	s1 =	rddreg [dreg:$0x1];
	p0 =	sne.s32 s2, $0x0  }
0x155: {  	s3 =	rddreg [dreg:$0x2];
	[bflag:$0x3] =	sbarrier.arrive $0xFFFF;
	s2 =	simm.s32 @!p0 $0x1C01  }
0x156: {  	[timem:s3], [sflag:s2] =	dma.local @!p0 [hbm:s0], s1  }
0x157: {  	s0 =	simm.s32 @!p0 $0x1  }
0x158: {  	_ =	swait.ge @!p0 [sflag:s0], s1  }
0x159: {  	s1 =	ssub.s32 @!p0 $0x0, s1;
	[sflag:s0] =	ssyncset.done @!p0 $0x0  }
0x15a: {  	[sflag:s0] =	ssyncadd.s32 @!p0 s1  }
0x15b: {  	[bflag:$0x3] =	sbarrier.arrive $0xFFFF  }
0x15c: {  	_ =	shalt  }

// kernel: kernel.7.cloned.1.call-start
scs
__scs_entry_jumppad:
0x0: {  	(pc) =	sbr.rel $0x88, $3  }
0x1: {  	(tag) =	ssettag $0x0;
	lr =	simm.s32 $0x1  }
0x2: {  	[smem:$0x3F9C] =	sst lr;
	_ =	strace $0xD0000000  }
0x3: {  	_ = 	snop  }
0x4: {  	_ = 	snop  }
0x5: {  	_ = 	snop  }
0x6: {  	_ = 	snop  }
0x7: {  	_ = 	snop  }
__scs_overlays_trampoline_lowered:
0x8: {  	[smem:$0x3FAB] =	sst s0  }
0x9: {  	[smem:$0x3FAC] =	sst s1  }
0xa: {  	[smem:$0x3FAD] =	sst s2  }
0xb: {  	[smem:$0x3FAE] =	sst s3  }
0xc: {  	[smem:$0x3FAF] =	sst s4  }
0xd: {  	[smem:$0x3FB0] =	sst s5  }
0xe: {  	[smem:$0x3FB1] =	sst s6  }
0xf: {  	[smem:$0x3FB2] =	sst s7  }
0x10: {  	[smem:$0x3FB3] =	sst s8  }
0x11: {  	[smem:$0x3FB4] =	sst s9;
	s0 =	simm.s32 @!p0 $0x0  }
0x12: {  	s1 =	sld [smem:$0x3F9A];
	s0 =	simm.s32 @p0 $0x1  }
0x13: {  	[smem:$0x3FB5] =	sst s0;
	s0 =	simm.s32 @!p1 $0x0  }
0x14: {  	s2 =	sld [smem:$0x3F99];
	s0 =	simm.s32 @p1 $0x1  }
0x15: {  	[smem:$0x3FB6] =	sst s0;
	s0 =	simm.s32 @!p2 $0x0  }
0x16: {  	s3 =	sld [smem:$0x3FDB];
	s0 =	simm.s32 @p2 $0x1  }
0x17: {  	s4 =	simm.s32 $0x1BF5;
	[smem:$0x3FB8] =	sst s0  }
0x18: {  	s0 =	sld [smem:$0x3F9B];
	_ =	swait.ge [sflag:s4], $0x0  }
0x19: {  	s7 =	sld [smem:$0x3F9C]  }
0x1a: {  	s8 =	sadd.s32 $0xFFFFE003, lr  }
0x1b: {  	s9 =	sadd.s32 $0xFFFFFEF7, lr;
	s5 =	simm.s32 $0xFFFFFFFF;
	p2 =	slt.u32 s8, $0xFFFFF086  }
0x1c: {  	p1 =	slt.u32 s9, $0xF7A;
	s5 =	simm.s32 @!p2 $0x0  }
0x1d: {  	s5 =	simm.s32 @p1 $0x1;
	p0 =	seq.s32 s7, s2  }
0x1e: {  	s7 =	smul.u32 @!p0 $0xF7A, s2;
	p2 =	seq.s32 @!p0 s5, $0x0  }
0x1f: {  	s9 =	smul.u32 $0xF7A, s1;
	s8 =	simm.s32 @!p0 $0x1BF5;
	p2 =	por !p2, p0  }
0x20: {  	[sflag:s8] =	ssyncset.s32 @!p0 $0xFFFFF086;
	s6 =	sadd.s32 @!p0 s3, s7;
	s7 =	simm.s32 @!p0 $0x108  }
0x21: {  	s3 =	sadd.s32 s3, s9;
	s6 =	sadd.s32 @!p0 $0x88, s6;
	s7 =	simm.s32 @p2 $0x1082  }
0x22: {  	[simem:s7], [sflag:s8] =	dma.local @!p0 [hbm:s6], $0xF7A  }
0x23: {  	s9 =	sor.u32 $0xD0000000, s2;
	s6 =	simm.s32 $0x108;
	_ =	swait.ge @!p0 [sflag:s8], $0x0  }
0x24: {  	s3 =	sadd.s32 $0x88, s3;
	s6 =	simm.s32 @!p1 $0x1082;
	[sflag:s4] =	ssyncset.s32 $0xFFFFF086  }
0x25: {  	[simem:s6], [sflag:s4] =	dma.local [hbm:s3], $0xF7A  }
0x26: {  	[smem:$0x3F9C] =	sst s1;
	(tag) =	ssettag s2;
	_ =	strace s9  }
0x27: {  	s1 =	sld [smem:$0x3FAC]  }
0x28: {  	s2 =	sld [smem:$0x3FAD]  }
0x29: {  	s4 =	sld [smem:$0x3FAF]  }
0x2a: {  	p0 =	seq.s32 s5, $0x0;
	s5 =	sld [smem:$0x3FB0]  }
0x2b: {  	s6 =	sld [smem:$0x3FB1]  }
0x2c: {  	s7 =	sld [smem:$0x3FB2]  }
0x2d: {  	s3 =	simm.s32 $0x108;
	s8 =	sld [smem:$0x3FB3]  }
0x2e: {  	s3 =	simm.s32 @!p0 $0x1082;
	s9 =	sld [smem:$0x3FB4]  }
0x2f: {  	lr =	sadd.s32 s0, s3;
	s0 =	sld [smem:$0x3FAB]  }
0x30: {  	s3 =	sld [smem:$0x3FAE]  }
0x31: {  	[smem:$0x3FB7] =	sst s10  }
0x32: {  	s10 =	sld [smem:$0x3FB5];
	_ =	sdelay $0x3  }
0x33: {  	p0 =	seq.s32 s10, $0x1;
	s10 =	sld [smem:$0x3FB7];
	_ =	sdelay $0x3  }
0x34: {  	[smem:$0x3FB7] =	sst s10  }
0x35: {  	s10 =	sld [smem:$0x3FB6];
	_ =	sdelay $0x3  }
0x36: {  	p1 =	seq.s32 s10, $0x1;
	s10 =	sld [smem:$0x3FB7];
	_ =	sdelay $0x3  }
0x37: {  	[smem:$0x3FB7] =	sst s10  }
0x38: {  	s10 =	sld [smem:$0x3FB8]  }
0x39: {  	_ = 	snop;
	(pc) =	sbr.ind lr, $3  }
0x3a: {  	_ = 	snop  }
0x3b: {  	_ = 	snop  }
0x3c: {  	p2 =	seq.s32 s10, $0x1;
	s10 =	sld [smem:$0x3FB7]  }
0x3d: {  	_ =	shalt  }
0x3e: {  	_ =	shalt  }
0x3f: {  	_ =	shalt  }
0x40: {  	_ =	shalt  }
0x41: {  	_ =	shalt  }
0x42: {  	_ =	shalt  }
0x43: {  	_ =	shalt  }
0x44: {  	_ =	shalt  }
0x45: {  	_ =	shalt  }
0x46: {  	_ =	shalt  }
0x47: {  	_ =	shalt  }
0x48: {  	_ =	shalt  }
0x49: {  	_ =	shalt  }
0x4a: {  	_ =	shalt  }
0x4b: {  	_ =	shalt  }
0x4c: {  	_ =	shalt  }
0x4d: {  	_ =	shalt  }
0x4e: {  	_ =	shalt  }
0x4f: {  	_ =	shalt  }
0x50: {  	_ =	shalt  }
0x51: {  	_ =	shalt  }
0x52: {  	_ =	shalt  }
0x53: {  	_ =	shalt  }
0x54: {  	_ =	shalt  }
0x55: {  	_ =	shalt  }
0x56: {  	_ =	shalt  }
0x57: {  	_ =	shalt  }
0x58: {  	_ =	shalt  }
0x59: {  	_ =	shalt  }
0x5a: {  	_ =	shalt  }
0x5b: {  	_ =	shalt  }
0x5c: {  	_ =	shalt  }
0x5d: {  	_ =	shalt  }
0x5e: {  	_ =	shalt  }
0x5f: {  	_ =	shalt  }
0x60: {  	_ =	shalt  }
0x61: {  	_ =	shalt  }
0x62: {  	_ =	shalt  }
0x63: {  	_ =	shalt  }
0x64: {  	_ =	shalt  }
0x65: {  	_ =	shalt  }
0x66: {  	_ =	shalt  }
0x67: {  	_ =	shalt  }
0x68: {  	_ =	shalt  }
0x69: {  	_ =	shalt  }
0x6a: {  	_ =	shalt  }
0x6b: {  	_ =	shalt  }
0x6c: {  	_ =	shalt  }
0x6d: {  	_ =	shalt  }
0x6e: {  	_ =	shalt  }
0x6f: {  	_ =	shalt  }
0x70: {  	_ =	shalt  }
0x71: {  	_ =	shalt  }
0x72: {  	_ =	shalt  }
0x73: {  	_ =	shalt  }
0x74: {  	_ =	shalt  }
0x75: {  	_ =	shalt  }
0x76: {  	_ =	shalt  }
0x77: {  	_ =	shalt  }
0x78: {  	_ =	shalt  }
0x79: {  	_ =	shalt  }
0x7a: {  	_ =	shalt  }
0x7b: {  	_ =	shalt  }
0x7c: {  	_ =	shalt  }
0x7d: {  	_ =	shalt  }
0x7e: {  	_ =	shalt  }
0x7f: {  	_ =	shalt  }
0x80: {  	_ =	shalt  }
0x81: {  	_ =	shalt  }
0x82: {  	_ =	shalt  }
0x83: {  	_ =	shalt  }
0x84: {  	_ =	shalt  }
0x85: {  	_ =	shalt  }
0x86: {  	_ =	shalt  }
0x87: {  	_ =	shalt  }
.Lfunc_end0:
.L_simem_size_0:
called_computation.1_lowered:
.L_overlay_start_0:
0x88: {  	s2 =	sld [smem:$0x3FD9]  }
0x89: {  	s3 =	sld [smem:$0x3FFE];
	_ =	sdelay $0x1  }
0x8a: {  	s1 =	srdreg.scid  }
0x8b: {  	s0 =	sand.u32 $0x1, s1  }
0x8c: {  	s14 =	sshll.u32 s0, $0xA;
	s2 =	sadd.s32 s3, s2  }
0x8d: {  	s2 =	sadd.s32 s2, s14  }
0x8e: {  	[smem:$0x3FC3] =	sst s2  }
0x8f: {  	_ = 	snop  }
0x90: {  	s2 =	sld [smem:$0x3FD0];
	_ =	sdelay $0x1  }
0x91: {  	s15 =	sld [smem:$0x3FC9]  }
0x92: {  	s5 =	simm.s32 $0xA;
	s6 =	simm.s32 $0x10;
	s4 =	sld [smem:$0x3FC8]  }
0x93: {  	[smem:s6], [sflag:s5] =	dma.local [hbm:s2], $0x1  }
0x94: {  	_ =	swait.eq [sflag:s5], $0x1  }
0x95: {  	s16 =	sld [smem:$0x10];
	[sflag:s5] =	ssyncset.done $0x0  }
0x96: {  	s17 =	sld [smem:$0x11];
	[sflag:s5] =	ssyncadd.s32 $0xFFFFFFFF  }
0x97: {  	s18 =	sld [smem:$0x12];
	(tm) =	ssettm $0x1  }
0x98: {  	s7 =	sld [smem:$0x3FFB];
	_ =	sdelay $0x3  }
0x99: {  	_ =	strace s7  }
0x9a: {  	s7 =	sld [smem:$0x3FFC];
	_ =	sdelay $0x3  }
0x9b: {  	_ =	strace s7  }
0x9c: {  	s7 =	sld [smem:$0x3FFD];
	_ =	sdelay $0x3  }
0x9d: {  	_ =	strace s7  }
0x9e: {  	_ =	strace $0x8FFFFFFF  }
0x9f: {  	s19 =	sld [smem:$0x3FDB];
	_ =	sdelay $0x1  }
0xa0: {  	s8 =	simm.s32 $_scs_section_size  }
0xa1: {  	s9 =	simm.s32 $_size__tile_overlayer_lowered;
	s10 =	simm.s32 $_tile_overlayer_lowered  }
0xa2: {  	s22 =	simm.s32 $0x1BFF;
	s21 =	sshll.u32 s10, $0x1;
	s7 =	sadd.s32 s8, s19  }
0xa3: {  	s11 =	simm.s32 $0x0;
	s20 =	sshll.u32 s9, $0x1;
	s9 =	sadd.s32 s21, s7  }
0xa4: {  	[timem:s11], [sflag:s22] =	dma.local [hbm:s9], s20  }
0xa5: {  	_ =	swait.ge [sflag:s22], s20  }
0xa6: {  	s8 =	ssub.s32 $0x0, s20;
	[sflag:s22] =	ssyncset.done $0x0  }
0xa7: {  	[sflag:s22] =	ssyncadd.s32 s8;
	_ =	sdelay $0x1  }
0xa8: {  	s23 =	simm.s32 $0x1B8B  }
0xa9: {  	_ =	swait.ge [sflag:s23], $0x1  }
0xaa: {  	[sflag:s23] =	ssyncset.done $0x0  }
0xab: {  	s25 =	simm.s32 $0x1B8E;
	s24 =	sld [smem:$0x3FFE];
	[sflag:s23] =	ssyncadd.s32 $0xFFFFFFFF  }
0xac: {  	s26 =	simm.s32 $execute0_lowered;
	[smem:$0x3FD2] =	sst s25  }
0xad: {  	s9 =	sshll.u32 s26, $0x1;
	_ =	strace $0x80000049;
	[dreg:$0x1] =	wrdreg $0xFFFFFFFF  }
0xae: {  	s28 =	simm.s32 $_size_execute0_lowered;
	s7 =	sadd.s32 s7, s9;
	[dreg:$0x0] =	wrdreg $0x0  }
0xaf: {  	s9 =	sshll.u32 s28, $0x1;
	[dreg:$0x2] =	wrdreg s7  }
0xb0: {  	[dreg:$0x3] =	wrdreg s9  }
0xb1: {  	[dreg:$0x4] =	wrdreg $0xC0  }
0xb2: {  	_ =	task [dreg:s11], $0x5FFFF  }
0xb3: {  	[dreg:$0x1] =	wrdreg $0xFFFFFFFF  }
0xb4: {  	[dreg:$0x0] =	wrdreg $0x60  }
0xb5: {  	[dreg:$0x2] =	wrdreg s15  }
0xb6: {  	[dreg:$0x3] =	wrdreg s4  }
0xb7: {  	[dreg:$0x4] =	wrdreg s24  }
0xb8: {  	[dreg:$0x5] =	wrdreg s16  }
0xb9: {  	[dreg:$0x6] =	wrdreg s17  }
0xba: {  	[dreg:$0x7] =	wrdreg s18  }
0xbb: {  	[dreg:$0x8] =	wrdreg $0x9  }
0xbc: {  	_ =	task.clear_ibuf [dreg:s11], $0x9FFFF;
	_ =	strace $0x90000049  }
0xbd: {  	s29 =	simm.s32 $0x9;
	_ =	strace $0x8000004B  }
0xbe: {  	_ =	swait.ge [sflag:s29], $0x1  }
0xbf: {  	[sflag:s29] =	ssyncadd.s32 $0xFFFFFFFF  }
0xc0: {  	_ =	strace $0x9000004B  }
0xc1: {  	_ =	sfence  }
0xc2: {  	s30 =	sld [smem:$0x0];
	_ =	sdelay $0x2  }
0xc3: {  	s31 =	sshll.u32 s1, $0xD;
	s1 =	sshrl.u32 s1, $0x2  }
0xc4: {  	s3 =	sand.u32 $0x4000, s31;
	s1 =	sadd.s32 s1, s30  }
0xc5: {  	s0 =	sor.u32 s3, s0;
	s1 =	sshll.u32 s1, $0x11  }
0xc6: {  	s0 =	sor.u32 s1, s0  }
0xc7: {  	s0 =	sadd.s32 $0x8F2B, s0  }
0xc8: {  	[sflag:s0] =	ssyncadd.remote.s32 $0x1  }
0xc9: {  	_ =	sfence.sel $0xFFFF  }
0xca: {  	[dreg:$0x0] =	wrdreg $0xFFFFFFFF;
	(pc) =	sbr.abs _section_cstart, $3  }
0xcb: {  	[dreg:$0x1] =	wrdreg $0xFFFFFFFF  }
0xcc: {  	_ =	task.clear_ibuf [dreg:s11], $0x2FFFF;
	_ =	strace $0x9FFFFFFF  }
0xcd: {  	(tm) =	ssettm $0x7FFFFFFF  }
tec
execute0_lowered:
.L_overlay_start_1:
0x0: {  	(tag) =	ssettag $0x1  }
0x1: {  	s0 =	rddreg [dreg:$0x0]  }
0x2: {  	s1 =	rddreg [dreg:$0x1]  }
0x3: {  	s4 =	rddreg [dreg:$0x2]  }
0x4: {  	s2 =	srdreg.scid;
	s6 =	rddreg [dreg:$0x3]  }
0x5: {  	s14 =	stileid.u32;
	s8 =	rddreg [dreg:$0x4]  }
0x6: {  	s3 =	simm.s32 $0x0;
	s30 =	simm.s32 $0x6C00;
	s19 =	smul.u32 $0x50000, s14  }
0x7: {  	s31 =	simm.s32 $0xAC00;
	s7 =	sand.u32 $0x1, s2;
	s21 =	smul.u32 $0x5000, s14  }
0x8: {  	s28 =	sshll.u32 s14, $0x1;
	s2 =	rddreg [dreg:$0x5];
	s24 =	smul.u32 $0x2800, s7  }
0x9: {  	s9 =	sor.u32 s7, s28;
	s11 =	ssub.s32 $0x2, s7;
	s7 =	smul.u32 $0x28000, s7  }
0xa: {  	[smem:$0x7FF] =	sst s3;
	s29 =	sadd.s32 $0x1600, s4;
	s5 =	smul.u32 $0x2800, s9  }
0xb: {  	s14 =	simm.s32 $0x9;
	_ =	strace $0x8000004A;
	s13 =	smul.u32 $0x5000, s9  }
0xc: {  	[dreg:$0x7] =	wrdreg s29;
	s12 =	sshrl.u32 s11, $0x1;
	s15 =	smul.u32 $0x28000, s9  }
0xd: {  	s28 =	sadd.s32 s24, s21;
	s24 =	simm.s32 $0xB;
	s5 =	sshrl.u32 s5, $0x3  }
0xe: {  	s13 =	sadd.s32 s2, s13;
	s10 =	sadd.s32 s5, s4;
	s5 =	sadd.s32 $0x1E9C00, s4  }
0xf: {  	s4 =	ssub.s32 s11, s12;
	s12 =	sshll.u32 s9, $0x6;
	s17 =	sadd.s32 $0x400, s13  }
0x10: {  	s18 =	sadd.s32 $0x800, s13;
	[dreg:$0x9] =	wrdreg s13;
	s20 =	sadd.s32 $0xC00, s13  }
0x11: {  	s9 =	sshll.u32 s9, $0xA;
	s11 =	simm.s32 $0x4;
	[dreg:$0xc] =	wrdreg s17  }
0x12: {  	s13 =	simm.s32 $0x8;
	s0 =	sadd.s32 s0, s12;
	[dreg:$0xd] =	wrdreg s18  }
0x13: {  	s1 =	sadd.s32 s1, s12;
	s16 =	sadd.s32 $0x3D2200, s10;
	[dreg:$0xe] =	wrdreg s20  }
0x14: {  	s26 =	sadd.s32 s6, s9;
	s29 =	sadd.s32 s8, s9;
	[dreg:$0x8] =	wrdreg s0  }
0x15: {  	s4 =	smax.u32 s4, $0x1;
	s17 =	simm.s32 $0x2C00;
	[dreg:$0xa] =	wrdreg s1  }
0x16: {  	s18 =	simm.s32 $0x4C00;
	s6 =	simm.s32 $0x2;
	[dreg:$0xb] =	wrdreg s16  }
0x17: {  	s8 =	simm.s32 $0x5;
	s9 =	simm.s32 $0x3;
	[dreg:$0x13] =	wrdreg s26  }
0x18: {  	s10 =	simm.s32 $0x6;
	s12 =	simm.s32 $0x7;
	[dreg:$0x14] =	wrdreg s29  }
0x19: {  	s0 =	sshrl.u32 s15, $0x3;
	s1 =	sadd.s32 s7, s19;
	[dreg:$0x15] =	wrdreg s4  }
0x1a: {  	s4 =	simm.s32 $0xCC00;
	s15 =	simm.s32 $0xA;
	s0 =	sadd.s32 s2, s0  }
0x1b: {  	s16 =	simm.s32 $0x0;
	s22 =	sadd.s32 $0x4000, s0;
	s23 =	sadd.s32 $0x4400, s0  }
0x1c: {  	s25 =	sadd.s32 $0x4800, s0;
	s0 =	sadd.s32 $0x4C00, s0;
	[dreg:$0xf] =	wrdreg s22  }
0x1d: {  	s20 =	sadd.s32 $0x8000, s1;
	[dreg:$0x12] =	wrdreg s0;
	s0 =	sshll.u32 s28, $0x1  }
0x1e: {  	s1 =	simm.s32 $0x8C00;
	[dreg:$0x10] =	wrdreg s23;
	s0 =	sadd.s32 s2, s0  }
0x1f: {  	[dreg:$0x11] =	wrdreg s25;
	s25 =	simm.s32 $0x200;
	s21 =	sadd.s32 $0x1800, s0  }
0x20: {  	s22 =	sadd.s32 $0x1400, s0;
	s23 =	sadd.s32 $0x1C00, s0;
	s0 =	simm.s32 $0x1  }
.LBB2_1:
0x21: {  	s7 =	rddreg [dreg:$0x8]  }
0x22: {  	[tilespmem:s3], [sflag:$0xB] =	stream.linear.gather [hbm4b:s7+s3], $0x200, $0x38;
	[tilespmem:$0xEC00] =	vst v63  }
0x23: {  	_ =	swait.ge [sflag:s24], $0x200  }
0x24: {  	[sflag:s24] =	ssyncset.done $0x0  }
0x25: {  	s29 =	rddreg [dreg:$0xa];
	[sflag:s24] =	ssyncadd.s32 $0xFFFFFE00  }
0x26: {  	[tilespmem:s25], [sflag:$0xB] =	stream.linear.gather [hbm4b:s29+s3], $0x200, $0x38;
	[tilespmem:$0xEC00] =	vst v63  }
0x27: {  	_ =	swait.ge [sflag:s24], $0x200  }
0x28: {  	[sflag:s24] =	ssyncset.done $0x0  }
0x29: {  	s19 =	rddreg [dreg:$0x7];
	[sflag:s24] =	ssyncadd.s32 $0xFFFFFE00  }
0x2a: {  	[tilespmem:s17], [sflag:$0x9] =	stream.indirect.gather [hbm4b:s19+s25], $0x10, s3, s25, $0xb8;
	[tilespmem:$0xEC00] =	vst v63  }
0x2b: {  	_ = 	snop  }
0x2c: {  	[tilespmem:s18], [sflag:$0xA] =	stream.indirect.gather [hbm4b:s5+s25], $0x10, s25, s25, $0xb8;
	[tilespmem:$0xEC00] =	vst v63  }
0x2d: {  	s29 =	simm.s32 $0x400;
	s26 =	rddreg [dreg:$0xb]  }
0x2e: {  	[tilespmem:s29], [sflag:$0xB] =	stream.linear.gather [hbm4b:s26+s3], $0x2800, $0x38;
	[tilespmem:$0xEC00] =	vst v63  }
0x2f: {  	_ =	swait.ge [sflag:s24], $0x2800  }
0x30: {  	[sflag:s24] =	ssyncset.done $0x0  }
0x31: {  	[sflag:s24] =	ssyncadd.s32 $0xFFFFD800  }
0x32: {  	[tilespmem:s30], [sflag:$0x1] =	stream.indirect.gather [hbm4b:s5+s25], $0x10, s29, s25, $0xb8;
	[tilespmem:$0xEC00] =	vst v63  }
0x33: {  	s18 =	simm.s32 $0x600  }
0x34: {  	[tilespmem:s1], [sflag:$0x2] =	stream.indirect.gather [hbm4b:s5+s25], $0x10, s18, s25, $0xb8;
	[tilespmem:$0xEC00] =	vst v63  }
0x35: {  	s19 =	simm.s32 $0x800  }
0x36: {  	[tilespmem:s31], [sflag:$0x3] =	stream.indirect.gather [hbm4b:s5+s25], $0x10, s19, s25, $0xb8;
	[tilespmem:$0xEC00] =	vst v63  }
0x37: {  	_ =	swait.ge [sflag:s0], $0x2000  }
0x38: {  	[sflag:s0] =	ssyncset.done $0x0  }
0x39: {  	s26 =	rddreg [dreg:$0x9];
	[sflag:s0] =	ssyncadd.s32 $0xFFFFE000  }
0x3a: {  	[hbm4b:s26+s3] =	stream.linear.scatter [tilespmem:s30], [sflag:$0x5], $0x2000, $0x38;
	[tilespmem:$0xEC00] =	vst v63  }
0x3b: {  	s29 =	simm.s32 $0xA00  }
0x3c: {  	[tilespmem:s4], [sflag:$0x4] =	stream.indirect.gather [hbm4b:s5+s25], $0x10, s29, s25, $0xb8;
	[tilespmem:$0xEC00] =	vst v63  }
0x3d: {  	_ =	swait.ge [sflag:s6], $0x2000  }
0x3e: {  	[sflag:s6] =	ssyncset.done $0x0  }
0x3f: {  	s17 =	rddreg [dreg:$0xc];
	[sflag:s6] =	ssyncadd.s32 $0xFFFFE000  }
0x40: {  	[hbm4b:s17+s3] =	stream.linear.scatter [tilespmem:s1], [sflag:$0x6], $0x2000, $0x38;
	[tilespmem:$0xEC00] =	vst v63  }
0x41: {  	_ =	swait.ge [sflag:s8], $0x2000  }
0x42: {  	[sflag:s8] =	ssyncset.done $0x0  }
0x43: {  	s18 =	simm.s32 $0xC00;
	[sflag:s8] =	ssyncadd.s32 $0xFFFFE000  }
0x44: {  	[tilespmem:s30], [sflag:$0x1] =	stream.indirect.gather [hbm4b:s5+s25], $0x10, s18, s25, $0xb8;
	[tilespmem:$0xEC00] =	vst v63  }
0x45: {  	_ =	swait.ge [sflag:s9], $0x2000  }
0x46: {  	[sflag:s9] =	ssyncset.done $0x0  }
0x47: {  	s19 =	rddreg [dreg:$0xd];
	[sflag:s9] =	ssyncadd.s32 $0xFFFFE000  }
0x48: {  	[hbm4b:s19+s3] =	stream.linear.scatter [tilespmem:s31], [sflag:$0x7], $0x2000, $0x38;
	[tilespmem:$0xEC00] =	vst v63  }
0x49: {  	_ =	swait.ge [sflag:s10], $0x2000  }
0x4a: {  	[sflag:s10] =	ssyncset.done $0x0  }
0x4b: {  	s26 =	simm.s32 $0xE00;
	[sflag:s10] =	ssyncadd.s32 $0xFFFFE000  }
0x4c: {  	[tilespmem:s1], [sflag:$0x2] =	stream.indirect.gather [hbm4b:s5+s25], $0x10, s26, s25, $0xb8;
	[tilespmem:$0xEC00] =	vst v63  }
0x4d: {  	_ =	swait.ge [sflag:s11], $0x2000  }
0x4e: {  	[sflag:s11] =	ssyncset.done $0x0  }
0x4f: {  	s29 =	rddreg [dreg:$0xe];
	[sflag:s11] =	ssyncadd.s32 $0xFFFFE000  }
0x50: {  	[hbm4b:s29+s3] =	stream.linear.scatter [tilespmem:s4], [sflag:$0x8], $0x2000, $0x38;
	[tilespmem:$0xEC00] =	vst v63  }
0x51: {  	_ =	swait.ge [sflag:s12], $0x2000  }
0x52: {  	[sflag:s12] =	ssyncset.done $0x0  }
0x53: {  	s17 =	simm.s32 $0x1000;
	[sflag:s12] =	ssyncadd.s32 $0xFFFFE000  }
0x54: {  	[tilespmem:s31], [sflag:$0x3] =	stream.indirect.gather [hbm4b:s5+s25], $0x10, s17, s25, $0xb8;
	[tilespmem:$0xEC00] =	vst v63  }
0x55: {  	_ =	swait.ge [sflag:s0], $0x2000  }
0x56: {  	s18 =	sshrl.u32 s20, $0x3;
	[sflag:s0] =	ssyncset.done $0x0  }
0x57: {  	s7 =	sadd.s32 s2, s18;
	[sflag:s0] =	ssyncadd.s32 $0xFFFFE000  }
0x58: {  	[hbm4b:s7+s3] =	stream.linear.scatter [tilespmem:s30], [sflag:$0x5], $0x2000, $0x38;
	[tilespmem:$0xEC00] =	vst v63  }
0x59: {  	_ =	swait.ge [sflag:s13], $0x2000  }
0x5a: {  	[sflag:s13] =	ssyncset.done $0x0  }
0x5b: {  	s19 =	simm.s32 $0x1200;
	[sflag:s13] =	ssyncadd.s32 $0xFFFFE000  }
0x5c: {  	[tilespmem:s4], [sflag:$0x4] =	stream.indirect.gather [hbm4b:s5+s25], $0x10, s19, s25, $0xb8;
	[tilespmem:$0xEC00] =	vst v63  }
0x5d: {  	_ =	swait.ge [sflag:s6], $0x2000  }
0x5e: {  	[sflag:s6] =	ssyncset.done $0x0  }
0x5f: {  	[sflag:s6] =	ssyncadd.s32 $0xFFFFE000  }
0x60: {  	[hbm4b:s22+s3] =	stream.linear.scatter [tilespmem:s1], [sflag:$0x6], $0x2000, $0x38;
	[tilespmem:$0xEC00] =	vst v63  }
0x61: {  	_ =	swait.ge [sflag:s8], $0x2000  }
0x62: {  	[sflag:s8] =	ssyncset.done $0x0  }
0x63: {  	s26 =	simm.s32 $0x1400;
	[sflag:s8] =	ssyncadd.s32 $0xFFFFE000  }
0x64: {  	[tilespmem:s30], [sflag:$0x1] =	stream.indirect.gather [hbm4b:s5+s25], $0x10, s26, s25, $0xb8;
	[tilespmem:$0xEC00] =	vst v63  }
0x65: {  	_ =	swait.ge [sflag:s9], $0x2000  }
0x66: {  	[sflag:s9] =	ssyncset.done $0x0  }
0x67: {  	[sflag:s9] =	ssyncadd.s32 $0xFFFFE000  }
0x68: {  	[hbm4b:s21+s3] =	stream.linear.scatter [tilespmem:s31], [sflag:$0x7], $0x2000, $0x38;
	[tilespmem:$0xEC00] =	vst v63  }
0x69: {  	_ =	swait.ge [sflag:s10], $0x2000  }
0x6a: {  	[sflag:s10] =	ssyncset.done $0x0  }
0x6b: {  	s29 =	simm.s32 $0x1600;
	[sflag:s10] =	ssyncadd.s32 $0xFFFFE000  }
0x6c: {  	[tilespmem:s1], [sflag:$0x2] =	stream.indirect.gather [hbm4b:s5+s25], $0x10, s29, s25, $0xb8;
	[tilespmem:$0xEC00] =	vst v63  }
0x6d: {  	_ =	swait.ge [sflag:s11], $0x2000  }
0x6e: {  	[sflag:s11] =	ssyncset.done $0x0  }
0x6f: {  	[sflag:s11] =	ssyncadd.s32 $0xFFFFE000  }
0x70: {  	[hbm4b:s23+s3] =	stream.linear.scatter [tilespmem:s4], [sflag:$0x8], $0x2000, $0x38;
	[tilespmem:$0xEC00] =	vst v63  }
0x71: {  	s28 =	simm.s32 $0x1800;
	s18 =	sadd.s32 $0x1000, s23;
	_ =	swait.ge [sflag:s12], $0x2000  }
0x72: {  	s17 =	simm.s32 $0x2000;
	s7 =	sadd.s32 $0x1000, s22;
	[sflag:s12] =	ssyncset.done $0x0  }
0x73: {  	s19 =	sadd.s32 $0x1000, s21;
	s26 =	sadd.s32 $0x8000, s20;
	[sflag:s12] =	ssyncadd.s32 $0xFFFFE000  }
.LBB2_2:
0x74: {  	[tilespmem:s31], [sflag:$0x3] =	stream.indirect.gather [hbm4b:s5+s25], $0x10, s28, s25, $0xb8;
	[tilespmem:$0xEC00] =	vst v63  }
0x75: {  	s28 =	smov.u32 s17  }
0x76: {  	p0 =	sne.s32 s17, $0x4000;
	s17 =	sadd.s32 $0x2000, s17;
	_ =	swait.ge [sflag:s0], $0x2000  }
0x77: {  	s29 =	sshrl.u32 s26, $0x3;
	[sflag:s0] =	ssyncset.done $0x0  }
0x78: {  	s29 =	sadd.s32 s2, s29;
	[sflag:s0] =	ssyncadd.s32 $0xFFFFE000  }
0x79: {  	[hbm4b:s29+s3] =	stream.linear.scatter [tilespmem:s30], [sflag:$0x5], $0x2000, $0x38;
	[tilespmem:$0xEC00] =	vst v63  }
0x7a: {  	_ =	swait.ge [sflag:s13], $0x2000  }
0x7b: {  	s28 =	sshra.s32 s28, $0x2;
	[sflag:s13] =	ssyncset.done $0x0  }
0x7c: {  	s29 =	sadd.s32 $0x1200, s28;
	[sflag:s13] =	ssyncadd.s32 $0xFFFFE000  }
0x7d: {  	[tilespmem:s4], [sflag:$0x4] =	stream.indirect.gather [hbm4b:s5+s25], $0x10, s29, s25, $0xb8;
	[tilespmem:$0xEC00] =	vst v63  }
0x7e: {  	_ =	swait.ge [sflag:s6], $0x2000  }
0x7f: {  	[sflag:s6] =	ssyncset.done $0x0  }
0x80: {  	[sflag:s6] =	ssyncadd.s32 $0xFFFFE000  }
0x81: {  	[hbm4b:s7+s3] =	stream.linear.scatter [tilespmem:s1], [sflag:$0x6], $0x2000, $0x38;
	[tilespmem:$0xEC00] =	vst v63  }
0x82: {  	_ =	swait.ge [sflag:s8], $0x2000  }
0x83: {  	[sflag:s8] =	ssyncset.done $0x0  }
0x84: {  	s29 =	sadd.s32 $0x1400, s28;
	[sflag:s8] =	ssyncadd.s32 $0xFFFFE000  }
0x85: {  	[tilespmem:s30], [sflag:$0x1] =	stream.indirect.gather [hbm4b:s5+s25], $0x10, s29, s25, $0xb8;
	[tilespmem:$0xEC00] =	vst v63  }
0x86: {  	_ =	swait.ge [sflag:s9], $0x2000  }
0x87: {  	[sflag:s9] =	ssyncset.done $0x0  }
0x88: {  	[sflag:s9] =	ssyncadd.s32 $0xFFFFE000  }
0x89: {  	[hbm4b:s19+s3] =	stream.linear.scatter [tilespmem:s31], [sflag:$0x7], $0x2000, $0x38;
	[tilespmem:$0xEC00] =	vst v63  }
0x8a: {  	_ =	swait.ge [sflag:s10], $0x2000  }
0x8b: {  	[sflag:s10] =	ssyncset.done $0x0  }
0x8c: {  	s29 =	sadd.s32 $0x1600, s28;
	[sflag:s10] =	ssyncadd.s32 $0xFFFFE000  }
0x8d: {  	[tilespmem:s1], [sflag:$0x2] =	stream.indirect.gather [hbm4b:s5+s25], $0x10, s29, s25, $0xb8;
	[tilespmem:$0xEC00] =	vst v63  }
0x8e: {  	_ =	swait.ge [sflag:s11], $0x2000  }
0x8f: {  	[sflag:s11] =	ssyncset.done $0x0  }
.Ltmp0:
0x90: {  	[sflag:s11] =	ssyncadd.s32 $0xFFFFE000;
	(pc) =	sbr.rel @p0 .LBB2_2-.Ltmp0, $4  }
0x91: {  	[hbm4b:s18+s3] =	stream.linear.scatter [tilespmem:s4], [sflag:$0x8], $0x2000, $0x38;
	[tilespmem:$0xEC00] =	vst v63  }
0x92: {  	s18 =	sadd.s32 $0x1000, s18;
	_ =	swait.ge [sflag:s12], $0x2000  }
0x93: {  	s7 =	sadd.s32 $0x1000, s7;
	s19 =	sadd.s32 $0x1000, s19;
	[sflag:s12] =	ssyncset.done $0x0  }
0x94: {  	s26 =	sadd.s32 $0x8000, s26;
	s28 =	sadd.s32 $0x1800, s28;
	[sflag:s12] =	ssyncadd.s32 $0xFFFFE000  }
0x95: {  	[tilespmem:s31], [sflag:$0x3] =	stream.indirect.gather [hbm4b:s5+s25], $0x10, s28, s25, $0xb8;
	[tilespmem:$0xEC00] =	vst v63  }
0x96: {  	_ =	swait.ge [sflag:s0], $0x2000  }
0x97: {  	[sflag:s0] =	ssyncset.done $0x0  }
0x98: {  	s7 =	rddreg [dreg:$0xf];
	[sflag:s0] =	ssyncadd.s32 $0xFFFFE000  }
0x99: {  	[hbm4b:s7+s3] =	stream.linear.scatter [tilespmem:s30], [sflag:$0x5], $0x2000, $0x38;
	[tilespmem:$0xEC00] =	vst v63  }
0x9a: {  	_ =	swait.ge [sflag:s13], $0x2000  }
0x9b: {  	[sflag:s13] =	ssyncset.done $0x0  }
0x9c: {  	s29 =	simm.s32 $0x2A00;
	[sflag:s13] =	ssyncadd.s32 $0xFFFFE000  }
0x9d: {  	[tilespmem:s4], [sflag:$0x4] =	stream.indirect.gather [hbm4b:s5+s25], $0x10, s29, s25, $0xb8;
	[tilespmem:$0xEC00] =	vst v63  }
0x9e: {  	_ =	swait.ge [sflag:s6], $0x2000  }
0x9f: {  	[sflag:s6] =	ssyncset.done $0x0  }
0xa0: {  	s17 =	rddreg [dreg:$0x10];
	[sflag:s6] =	ssyncadd.s32 $0xFFFFE000  }
0xa1: {  	[hbm4b:s17+s3] =	stream.linear.scatter [tilespmem:s1], [sflag:$0x6], $0x2000, $0x38;
	[tilespmem:$0xEC00] =	vst v63  }
0xa2: {  	_ =	swait.ge [sflag:s9], $0x2000  }
0xa3: {  	[sflag:s9] =	ssyncset.done $0x0  }
0xa4: {  	s18 =	rddreg [dreg:$0x11];
	[sflag:s9] =	ssyncadd.s32 $0xFFFFE000  }
0xa5: {  	[hbm4b:s18+s3] =	stream.linear.scatter [tilespmem:s31], [sflag:$0x7], $0x2000, $0x38;
	[tilespmem:$0xEC00] =	vst v63  }
0xa6: {  	_ =	swait.ge [sflag:s11], $0x2000  }
0xa7: {  	[sflag:s11] =	ssyncset.done $0x0  }
0xa8: {  	s19 =	rddreg [dreg:$0x12];
	[sflag:s11] =	ssyncadd.s32 $0xFFFFE000  }
0xa9: {  	[hbm4b:s19+s3] =	stream.linear.scatter [tilespmem:s4], [sflag:$0x8], $0x2000, $0x38;
	[tilespmem:$0xEC00] =	vst v63  }
0xaa: {  	_ =	swait.ge [sflag:s8], $0x2000  }
0xab: {  	[sflag:s8] =	ssyncset.done $0x0  }
0xac: {  	[sflag:s8] =	ssyncadd.s32 $0xFFFFE000  }
0xad: {  	_ =	swait.ge [sflag:s10], $0x2000  }
0xae: {  	[sflag:s10] =	ssyncset.done $0x0  }
0xaf: {  	[sflag:s10] =	ssyncadd.s32 $0xFFFFE000  }
0xb0: {  	_ =	swait.ge [sflag:s12], $0x2000  }
0xb1: {  	[sflag:s12] =	ssyncset.done $0x0  }
0xb2: {  	[sflag:s12] =	ssyncadd.s32 $0xFFFFE000  }
0xb3: {  	_ =	swait.ge [sflag:s13], $0x2000  }
0xb4: {  	[sflag:s13] =	ssyncset.done $0x0  }
0xb5: {  	[sflag:s13] =	ssyncadd.s32 $0xFFFFE000  }
0xb6: {  	_ =	swait.ge [sflag:s14], $0x2000  }
0xb7: {  	[sflag:s14] =	ssyncset.done $0x0  }
0xb8: {  	s17 =	simm.s32 $0x2C00;
	s26 =	rddreg [dreg:$0x13];
	[sflag:s14] =	ssyncadd.s32 $0xFFFFE000  }
0xb9: {  	[hbm4b:s26+s3] =	stream.linear.scatter [tilespmem:s17], [sflag:$0x9], $0x2000, $0x38;
	[tilespmem:$0xEC00] =	vst v63  }
0xba: {  	_ =	swait.ge [sflag:s15], $0x2000  }
0xbb: {  	[sflag:s15] =	ssyncset.done $0x0  }
0xbc: {  	s18 =	simm.s32 $0x4C00;
	s28 =	rddreg [dreg:$0x14];
	[sflag:s15] =	ssyncadd.s32 $0xFFFFE000  }
0xbd: {  	[hbm4b:s28+s3] =	stream.linear.scatter [tilespmem:s18], [sflag:$0xA], $0x2000, $0x38;
	[tilespmem:$0xEC00] =	vst v63  }
0xbe: {  	_ =	swait.ge [sflag:s14], $0x2000  }
0xbf: {  	[sflag:s14] =	ssyncset.done $0x0  }
0xc0: {  	[sflag:s14] =	ssyncadd.s32 $0xFFFFE000  }
0xc1: {  	_ =	swait.ge [sflag:s15], $0x2000  }
0xc2: {  	s16 =	sadd.s32 $0x1, s16;
	s29 =	rddreg [dreg:$0x15]  }
0xc3: {  	p0 =	sne.s32 s16, s29  }
.Ltmp1:
0xc4: {  	_ = 	snop;
	(pc) =	sbr.rel @p0 .LBB2_1-.Ltmp1, $3  }
0xc5: {  	_ =	sdelay $0x1  }
0xc6: {  	[sflag:s15] =	ssyncset.done $0x0  }
0xc7: {  	[sflag:s15] =	ssyncadd.s32 $0xFFFFE000  }
0xc8: {  	_ =	sfence.sel $0x180000  }
0xc9: {  	[bflag:$0x0] =	sbarrier.arrive $0xFFFF  }
0xca: {  	_ =	strace $0x9000004A  }
0xcb: {  	s0 =	stileid.u32;
	[bflag:$0x2] =	sbarrier.arrive $0xFFFF  }
0xcc: {  	p0 =	sne.s32 s0, $0x0;
	s0 =	rddreg [dreg:$0x6]  }
0xcd: {  	s0 =	sadd.s32 @!p0 $0x100000, s0  }
0xce: {  	[sflag:s0] =	ssyncadd.tile.s32 @!p0 $0x1;
	_ =	shalt  }
.Lfunc_end2:
_tile_overlayer_lowered:
.L_overlay_start_2:
0xcf: {  	(tag) =	ssettag $0x2  }
0xd0: {  	s0 =	rddreg [dreg:$0x0];
	s2 =	stileid.u32  }
0xd1: {  	s1 =	rddreg [dreg:$0x1];
	p0 =	sne.s32 s2, $0x0  }
0xd2: {  	s3 =	rddreg [dreg:$0x2];
	[bflag:$0x3] =	sbarrier.arrive $0xFFFF;
	s2 =	simm.s32 @!p0 $0x1C0B  }
0xd3: {  	[timem:s3], [sflag:s2] =	dma.local @!p0 [hbm:s0], s1  }
0xd4: {  	s0 =	simm.s32 @!p0 $0xB  }
0xd5: {  	_ =	swait.ge @!p0 [sflag:s0], s1  }
0xd6: {  	s1 =	ssub.s32 @!p0 $0x0, s1;
	[sflag:s0] =	ssyncset.done @!p0 $0x0  }
0xd7: {  	[sflag:s0] =	ssyncadd.s32 @!p0 s1  }
0xd8: {  	[bflag:$0x3] =	sbarrier.arrive $0xFFFF  }
0xd9: {  	_ =	shalt  }

</sc_bundles>
